<compile_context>
chip_gen: v7x
topology: tpu7x:2x2x1
jax: 0.10.2.dev20260603
libtpu: 0.0.44.dev20260713+nightly
codegen_flags: <defaults>
</compile_context>

<pallas_src>
import functools

import jax
import jax.numpy as jnp
from jax import lax
from jax.experimental import pallas as pl
from jax.experimental.pallas import tpu as pltpu
from jax.experimental.pallas import tpu_sc as plsc

N = 1024
MAXN = 80
L = 16
NC, NS = 2, 16
NW = NC * NS
ROWS = N // NW
GR = 8
NCHUNK = N // L
BUF = 128
BIG = 0x3FFFFFFF
SIDE = 25.0
HALF = 12.5
CUT2 = 36.0
TCB = 32


def _tc_body(posq_ref, posmat_ref, out_ref):
    shape = (TCB, 8, 128)
    qx = posq_ref[:, 0:1].reshape(TCB, 1, 1)
    qy = posq_ref[:, 1:2].reshape(TCB, 1, 1)
    qz = posq_ref[:, 2:3].reshape(TCB, 1, 1)
    px = posmat_ref[0][None]
    py = posmat_ref[1][None]
    pz = posmat_ref[2][None]
    dx = px - qx
    dy = py - qy
    dz = pz - qz
    gx, lx = dx > HALF, dx < -HALF
    gy, ly = dy > HALF, dy < -HALF
    gz, lz = dz > HALF, dz < -HALF
    wx = (px + jnp.where(gx, -SIDE, jnp.where(lx, SIDE, 0.0))) - qx
    wy = (py + jnp.where(gy, -SIDE, jnp.where(ly, SIDE, 0.0))) - qy
    wz = (pz + jnp.where(gz, -SIDE, jnp.where(lz, SIDE, 0.0))) - qz
    d2 = (wx * wx + wy * wy) + wz * wz
    qid = (pl.program_id(0) * TCB
           + lax.broadcasted_iota(jnp.int32, shape, 0))
    pid = (lax.broadcasted_iota(jnp.int32, shape, 1) * 128
           + lax.broadcasted_iota(jnp.int32, shape, 2))
    hit = (d2 <= CUT2) & (qid != pid)
    key = (13 * N + pid
           + jnp.where(gx, -N, jnp.where(lx, N, 0))
           + jnp.where(gy, -3 * N, jnp.where(ly, 3 * N, 0))
           + jnp.where(gz, -9 * N, jnp.where(lz, 9 * N, 0)))
    out_ref[...] = jnp.where(hit, key, BIG).reshape(TCB * 8, 128)


def _tc_keys(posq, posmat):
    return pl.pallas_call(
        _tc_body,
        grid=(N // TCB,),
        in_specs=[
            pl.BlockSpec((TCB, 3), lambda i: (i, 0)),
            pl.BlockSpec((3, 8, 128), lambda i: (0, 0, 0)),
        ],
        out_specs=pl.BlockSpec((TCB * 8, 128), lambda i: (i, 0)),
        out_shape=jax.ShapeDtypeStruct((N * 8, 128), jnp.int32),
    )(posq, posmat)


def _merge(a, b, need=None):
    s = list(a) + [lax.rev(v, (0,)) for v in reversed(list(b))]
    n = len(s)
    stride = n // 2
    while stride >= 1:
        for base in range(0, n, 2 * stride):
            for i in range(base, base + stride):
                lo = jnp.minimum(s[i], s[i + stride])
                hi = jnp.maximum(s[i], s[i + stride])
                s[i], s[i + stride] = lo, hi
        stride //= 2
    return [jnp.sort(v) if (need is None or i < need) else v
            for i, v in enumerate(s)]


def _sort_vregs(vs, need=None):
    runs = [[jnp.sort(v)] for v in vs]
    while len(runs) > 1:
        last = len(runs) == 2
        runs = [_merge(runs[i], runs[i + 1], need=need if last else None)
                for i in range(0, len(runs), 2)]
    return runs[0]


_mesh = plsc.VectorSubcoreMesh(core_axis_name="c", subcore_axis_name="s")


@functools.partial(
    pl.kernel,
    out_type=(
        jax.ShapeDtypeStruct((N * MAXN,), jnp.int32),
        jax.ShapeDtypeStruct((N * MAXN,), jnp.int32),
        jax.ShapeDtypeStruct((N * MAXN,), jnp.int32),
        jax.ShapeDtypeStruct((N * MAXN,), jnp.int32),
        jax.ShapeDtypeStruct((NW, L), jnp.int32),
    ),
    mesh=_mesh,
    compiler_params=pltpu.CompilerParams(needs_layout_passes=False),
    scratch_types=[
        pltpu.VMEM((GR * N,), jnp.int32),
        pltpu.VMEM((N + L,), jnp.int32),
        pltpu.VMEM((ROWS * MAXN,), jnp.int32),
        pltpu.VMEM((ROWS * MAXN,), jnp.int32),
        pltpu.VMEM((ROWS * MAXN,), jnp.int32),
        pltpu.VMEM((ROWS * MAXN,), jnp.int32),
        pltpu.VMEM((L,), jnp.int32),
    ],
)
def _sc_kernel(keys_hbm, nbr_hbm, cx_hbm, cy_hbm, cz_hbm, max_hbm,
               kb_v, keys_v, nbr_v, cx_v, cy_v, cz_v, max_v):
    wid = lax.axis_index("s") * NC + lax.axis_index("c")
    base_row = wid * ROWS
    bigv = jnp.full((L,), BIG, jnp.int32)

    def row_body(r, maxcnt):
        @pl.when(r % GR == 0)
        def _fetch():
            pltpu.sync_copy(keys_hbm.at[pl.ds((base_row + r) * N, GR * N)],
                            kb_v)

        rb = (r % GR) * N
        for j in range(BUF // L):
            keys_v[pl.ds(j * L, L)] = bigv

        def chunk_body(i, cnt):
            kv = kb_v[pl.ds(rb + i * L, L)]
            hit = kv < BIG
            pre = plsc.cumsum(hit.astype(jnp.int32))
            idx = cnt + pre - 1
            plsc.store_scatter(keys_v, [idx], kv, mask=hit)
            return cnt + plsc.all_reduce_population_count(hit)

        cnt = lax.fori_loop(0, NCHUNK, chunk_body, jnp.zeros((L,), jnp.int32),
                            unroll=2)

        vs = [keys_v[pl.ds(j * L, L)] for j in range(BUF // L)]
        svs = _sort_vregs(vs, need=MAXN // L)
        for j in range(MAXN // L):
            k = svs[j]
            pad = k >= jnp.int32(27 * N)
            p = jnp.where(pad, -1, k & (N - 1))
            c = k >> 10
            ob = r * MAXN + j * L
            nbr_v[pl.ds(ob, L)] = p
            cx_v[pl.ds(ob, L)] = jnp.where(pad, 1, c % 3 - 1)
            cy_v[pl.ds(ob, L)] = jnp.where(pad, 1, (c // 3) % 3 - 1)
            cz_v[pl.ds(ob, L)] = jnp.where(pad, 1, c // 9 - 1)
        return jnp.maximum(maxcnt, cnt)

    maxcnt = lax.fori_loop(0, ROWS, row_body, jnp.zeros((L,), jnp.int32))
    max_v[...] = maxcnt
    span = pl.ds(wid * ROWS * MAXN, ROWS * MAXN)
    pltpu.sync_copy(nbr_v, nbr_hbm.at[span])
    pltpu.sync_copy(cx_v, cx_hbm.at[span])
    pltpu.sync_copy(cy_v, cy_hbm.at[span])
    pltpu.sync_copy(cz_v, cz_hbm.at[span])
    pltpu.sync_copy(max_v, max_hbm.at[wid])


def kernel(positions, max_neighbours):
    del max_neighbours
    pos = positions.astype(jnp.float32)
    posmat = pos.T.reshape(3, 8, 128)
    keys = _tc_keys(pos, posmat)
    nbr_flat, cx_flat, cy_flat, cz_flat, maxs = _sc_kernel(
        keys.reshape(N * N))
    neighbours = nbr_flat.reshape(N, MAXN)
    cells = jnp.stack(
        [cx_flat.reshape(N, MAXN), cy_flat.reshape(N, MAXN),
         cz_flat.reshape(N, MAXN)], axis=-1)
    return neighbours, cells, jnp.max(maxs)

# --- scband reference (transcript-rebuilt; emitter-appended) ---
"""Pipeline reference for scband-periodic-boundary-18339510354343 (READ-ONLY COPY).

The authoritative reference and input builder live on the scoring server;
editing this copy changes nothing except your own understanding.
"""

import functools
import jax
import jax.numpy as jnp
import numpy as np

MASK_VALUE = -1
NUM_POINTS = 1024
CELL_SIDE = 25.0
CUTOFF = 6.0
MAX_NEIGHBOURS = 80
PBC = (True, True, True)


def get_cell_multiple_ranges(cell, cutoff, pbc):
    # perpendicular plane spacing d_i = 1 / ||b_i||, b_i = reciprocal lattice vectors (columns of inv(cell))
    inv = np.linalg.inv(np.asarray(cell, dtype=np.float64))
    b_norms = np.linalg.norm(inv, axis=0)
    ranges = []
    for i in range(3):
        if pbc is not None and pbc[i]:
            n = int(np.ceil(float(cutoff) * float(b_norms[i])))
            ranges.append((-n, n + 1))
        else:
            ranges.append((0, 1))
    return tuple(ranges)


def get_cell_list(cell, cutoff, pbc):
    cell = np.asarray(cell, dtype=np.float32)
    cell_ranges = get_cell_multiple_ranges(cell, cutoff, pbc)
    cell_grid = np.array(np.meshgrid(
        np.arange(*cell_ranges[0]),
        np.arange(*cell_ranges[1]),
        np.arange(*cell_ranges[2]),
        indexing='ij'))
    reshaped = cell_grid.T.reshape(-1, 3).astype(np.int32)
    grid_points = jnp.asarray(reshaped.astype(np.float32) @ cell)
    return reshaped, grid_points


def neighbours_mask_direct(centre, neighbours, cutoff):
    centred = neighbours - centre
    return jnp.array(jnp.sum(centred ** 2, axis=1) <= cutoff * cutoff, dtype=bool)


def setup_inputs(seed: int = 0):
    key = jax.random.key(seed)
    positions = jax.random.uniform(key, (NUM_POINTS, 3), dtype=jnp.float32) * CELL_SIDE
    return {"positions": positions, "max_neighbours": MAX_NEIGHBOURS}


def reference(positions, max_neighbours):
    cell = np.eye(3, dtype=np.float32) * CELL_SIDE
    cutoff = CUTOFF
    include_self = False
    include_images = True

    cell_list, grid_points = get_cell_list(cell, cutoff, PBC)
    self_cell = int(np.argwhere(np.all(cell_list == 0, axis=1))[0, 0])

    num_points = positions.shape[0]
    num_cells = cell_list.shape[0]

    neighbours = jax.vmap(lambda shift: shift + positions)(grid_points).reshape(-1, 3)
    neigh_mask = jax.vmap(neighbours_mask_direct, (0, None, None))(positions, neighbours, cutoff)

    if (not include_self) or (not include_images):
        neigh_mask2 = neigh_mask.reshape(num_points, num_cells, num_points)
        mask = ~jnp.eye(num_points, dtype=bool)
        if not include_images:
            neigh_mask2 = neigh_mask2 & mask
        if not include_self:
            neigh_mask2 = neigh_mask2.at[:, self_cell, :].set(
                neigh_mask2[:, self_cell, :] & mask)
        neigh_mask = neigh_mask2.reshape(num_points, num_cells * num_points)

    get_neigh = functools.partial(jnp.argwhere, size=MAX_NEIGHBOURS, fill_value=MASK_VALUE)
    to_idx = jax.vmap(get_neigh)(neigh_mask)[..., 0] + max_neighbours * 0
    cells = jnp.repeat(jnp.asarray(cell_list), num_points, axis=0)
    cell_indices = jax.vmap(jnp.take, (None, 0, None))(cells, to_idx, 0)
    neighbours_out = jnp.where(to_idx == MASK_VALUE, MASK_VALUE, to_idx % num_points)
    actual_max_neighbours = jnp.max(neigh_mask.sum(axis=1))
    return neighbours_out, cell_indices, actual_max_neighbours

if __name__ == "__main__":
    import jax
    _d = setup_inputs()
    print(jax.jit(kernel)(*tuple(_d.values())))

</pallas_src>

<mosaic_0001>
#map = affine_map<(d0, d1) -> (0)>
#map1 = affine_map<(d0, d1) -> (0, 0)>
module attributes {stable_mosaic.version = 14 : i64} {
  func.func @_sc_kernel(%arg0: i32, %arg1: i32, %arg2: memref<1048576xi32, #tpu.memory_space<hbm>>, %arg3: memref<81920xi32, #tpu.memory_space<hbm>>, %arg4: memref<81920xi32, #tpu.memory_space<hbm>>, %arg5: memref<81920xi32, #tpu.memory_space<hbm>>, %arg6: memref<81920xi32, #tpu.memory_space<hbm>>, %arg7: memref<32x16xi32, #tpu.memory_space<hbm>>, %arg8: memref<8192xi32, #tpu.memory_space<vmem>>, %arg9: memref<1040xi32, #tpu.memory_space<vmem>>, %arg10: memref<2560xi32, #tpu.memory_space<vmem>>, %arg11: memref<2560xi32, #tpu.memory_space<vmem>>, %arg12: memref<2560xi32, #tpu.memory_space<vmem>>, %arg13: memref<2560xi32, #tpu.memory_space<vmem>>, %arg14: memref<16xi32, #tpu.memory_space<vmem>>) attributes {dimension_semantics = [#tpu.dimension_semantics<core_parallel>, #tpu.dimension_semantics<subcore_parallel>], iteration_bounds = array<i64: 2, 16>, scalar_prefetch = 0 : i64, scratch_operands = 7 : i64, tpu.core_type = #tpu.core_type<sc_vector_subcore>, window_params = [{transform_indices = #map}, {transform_indices = #map}, {transform_indices = #map}, {transform_indices = #map}, {transform_indices = #map}, {transform_indices = #map1}]} {
    %mul3A = arith.constant 2 : i32
    %mul3A_0 = arith.muli %arg1, %mul3A : i32
    %add3A = arith.addi %mul3A_0, %arg0 : i32
    %mul3A_1 = arith.constant 32 : i32
    %mul3A_2 = arith.muli %add3A, %mul3A_1 : i32
    %broadcast_in_dim3A = arith.constant 1073741823 : i32
    %broadcast_in_dim3A_3 = vector.broadcast %broadcast_in_dim3A : i32 to vector<16xi32>
    %broadcast_in_dim3A_4 = arith.constant 0 : i32
    %broadcast_in_dim3A_5 = vector.broadcast %broadcast_in_dim3A_4 : i32 to vector<16xi32>
    %scan3A = arith.constant 0 : i32
    %scan3A_6 = arith.constant 32 : i32
    %scan3A_7 = arith.addi %scan3A, %scan3A_6 : i32
    %scan3A_8 = arith.constant 1 : i32
    %scan3A_9 = scf.for %scan3A_16 = %scan3A to %scan3A_7 step %scan3A_8 iter_args(%scan3A_17 = %broadcast_in_dim3A_5) -> (vector<16xi32>)  : i32 {
      %jit3A = arith.constant 8 : i32
      %eq3A = arith.constant 0 : i32
      %eq3A_18 = arith.cmpi eq, %jit3A, %eq3A : i32
      %jit3A_19 = arith.constant 1 : i32
      %select_n3A = arith.select %eq3A_18, %jit3A_19, %jit3A : i32
      %rem3A = arith.remsi %scan3A_16, %select_n3A : i32
      %ne3A = arith.constant 0 : i32
      %ne3A_20 = arith.cmpi ne, %rem3A, %ne3A : i32
      %lt3A = arith.constant 0 : i32
      %lt3A_21 = arith.cmpi slt, %rem3A, %lt3A : i32
      %lt3A_22 = arith.constant 0 : i32
      %lt3A_23 = arith.cmpi slt, %select_n3A, %lt3A_22 : i32
      %ne3A_24 = arith.xori %lt3A_21, %lt3A_23 : i1
      %and3A = arith.andi %ne3A_24, %ne3A_20 : i1
      %add3A_25 = arith.addi %rem3A, %select_n3A : i32
      %select_n3A_26 = arith.select %and3A, %add3A_25, %rem3A : i32
      %eq3A_27 = arith.constant 0 : i32
      %eq3A_28 = arith.cmpi eq, %select_n3A_26, %eq3A_27 : i32
      %convert_element_type3A = arith.extui %eq3A_28 : i1 to i32
      %cond3A = arith.constant 0 : i32
      %cond3A_29 = arith.cmpi ne, %convert_element_type3A, %cond3A : i32
      scf.if %cond3A_29 {
        %add3A_1043 = arith.addi %mul3A_2, %scan3A_16 : i32
        %mul3A_1044 = arith.constant 1024 : i32
        %mul3A_1045 = arith.muli %add3A_1043, %mul3A_1044 : i32
        "tpu.region"() ({
          %run_scoped3A = tpu.sem_alloc : memref<!tpu.dma_semaphore, #tpu.memory_space<semaphore_mem>>
          %dma_start3A = tpu.memref_slice %arg2[%mul3A_1045] : memref<1048576xi32, #tpu.memory_space<hbm>> -> memref<8192xi32, #tpu.memory_space<hbm>>
          %dma_start3A_1046 = tpu.memref_slice %arg2[%mul3A_1045] : memref<1048576xi32, #tpu.memory_space<hbm>> -> memref<8192xi32, #tpu.memory_space<hbm>>
          tpu.enqueue_dma source(%dma_start3A_1046 : memref<8192xi32, #tpu.memory_space<hbm>>) target(%arg8 : memref<8192xi32, #tpu.memory_space<vmem>>) target_semaphore(%run_scoped3A : memref<!tpu.dma_semaphore, #tpu.memory_space<semaphore_mem>>)
          %dma_wait3A = tpu.memref_slice %arg2[%mul3A_1045] : memref<1048576xi32, #tpu.memory_space<hbm>> -> memref<8192xi32, #tpu.memory_space<hbm>>
          %dma_wait3A_1047 = tpu.memref_slice %arg2[%mul3A_1045] : memref<1048576xi32, #tpu.memory_space<hbm>> -> memref<8192xi32, #tpu.memory_space<hbm>>
          tpu.wait_dma2 semaphore(%run_scoped3A : memref<!tpu.dma_semaphore, #tpu.memory_space<semaphore_mem>>) src(%dma_wait3A_1047 : memref<8192xi32, #tpu.memory_space<hbm>>) dst(%arg8 : memref<8192xi32, #tpu.memory_space<vmem>>)
          tpu.yield
        }) : () -> ()
      } else {
      }
      %jit3A_30 = arith.constant 8 : i32
      %eq3A_31 = arith.constant 0 : i32
      %eq3A_32 = arith.cmpi eq, %jit3A_30, %eq3A_31 : i32
      %jit3A_33 = arith.constant 1 : i32
      %select_n3A_34 = arith.select %eq3A_32, %jit3A_33, %jit3A_30 : i32
      %rem3A_35 = arith.remsi %scan3A_16, %select_n3A_34 : i32
      %ne3A_36 = arith.constant 0 : i32
      %ne3A_37 = arith.cmpi ne, %rem3A_35, %ne3A_36 : i32
      %lt3A_38 = arith.constant 0 : i32
      %lt3A_39 = arith.cmpi slt, %rem3A_35, %lt3A_38 : i32
      %lt3A_40 = arith.constant 0 : i32
      %lt3A_41 = arith.cmpi slt, %select_n3A_34, %lt3A_40 : i32
      %ne3A_42 = arith.xori %lt3A_39, %lt3A_41 : i1
      %and3A_43 = arith.andi %ne3A_42, %ne3A_37 : i1
      %add3A_44 = arith.addi %rem3A_35, %select_n3A_34 : i32
      %select_n3A_45 = arith.select %and3A_43, %add3A_44, %rem3A_35 : i32
      %mul3A_46 = arith.constant 1024 : i32
      %mul3A_47 = arith.muli %select_n3A_45, %mul3A_46 : i32
      %swap3A_48 = arith.constant 0 : index
      %swap3A_49 = tpu.vector_load %arg9[%swap3A_48] {strides = array<i32>} : memref<1040xi32, #tpu.memory_space<vmem>>, vector<16xi32>,
      tpu.vector_store %arg9[%swap3A_48], %broadcast_in_dim3A_3 {strides = array<i32>} : memref<1040xi32, #tpu.memory_space<vmem>>, vector<16xi32>,
      %swap3A_50 = arith.constant 16 : index
      %swap3A_51 = tpu.vector_load %arg9[%swap3A_50] {strides = array<i32>} : memref<1040xi32, #tpu.memory_space<vmem>>, vector<16xi32>,
      tpu.vector_store %arg9[%swap3A_50], %broadcast_in_dim3A_3 {strides = array<i32>} : memref<1040xi32, #tpu.memory_space<vmem>>, vector<16xi32>,
      %swap3A_52 = arith.constant 32 : index
      %swap3A_53 = tpu.vector_load %arg9[%swap3A_52] {strides = array<i32>} : memref<1040xi32, #tpu.memory_space<vmem>>, vector<16xi32>,
      tpu.vector_store %arg9[%swap3A_52], %broadcast_in_dim3A_3 {strides = array<i32>} : memref<1040xi32, #tpu.memory_space<vmem>>, vector<16xi32>,
      %swap3A_54 = arith.constant 48 : index
      %swap3A_55 = tpu.vector_load %arg9[%swap3A_54] {strides = array<i32>} : memref<1040xi32, #tpu.memory_space<vmem>>, vector<16xi32>,
      tpu.vector_store %arg9[%swap3A_54], %broadcast_in_dim3A_3 {strides = array<i32>} : memref<1040xi32, #tpu.memory_space<vmem>>, vector<16xi32>,
      %swap3A_56 = arith.constant 64 : index
      %swap3A_57 = tpu.vector_load %arg9[%swap3A_56] {strides = array<i32>} : memref<1040xi32, #tpu.memory_space<vmem>>, vector<16xi32>,
      tpu.vector_store %arg9[%swap3A_56], %broadcast_in_dim3A_3 {strides = array<i32>} : memref<1040xi32, #tpu.memory_space<vmem>>, vector<16xi32>,
      %swap3A_58 = arith.constant 80 : index
      %swap3A_59 = tpu.vector_load %arg9[%swap3A_58] {strides = array<i32>} : memref<1040xi32, #tpu.memory_space<vmem>>, vector<16xi32>,
      tpu.vector_store %arg9[%swap3A_58], %broadcast_in_dim3A_3 {strides = array<i32>} : memref<1040xi32, #tpu.memory_space<vmem>>, vector<16xi32>,
      %swap3A_60 = arith.constant 96 : index
      %swap3A_61 = tpu.vector_load %arg9[%swap3A_60] {strides = array<i32>} : memref<1040xi32, #tpu.memory_space<vmem>>, vector<16xi32>,
      tpu.vector_store %arg9[%swap3A_60], %broadcast_in_dim3A_3 {strides = array<i32>} : memref<1040xi32, #tpu.memory_space<vmem>>, vector<16xi32>,
      %swap3A_62 = arith.constant 112 : index
      %swap3A_63 = tpu.vector_load %arg9[%swap3A_62] {strides = array<i32>} : memref<1040xi32, #tpu.memory_space<vmem>>, vector<16xi32>,
      tpu.vector_store %arg9[%swap3A_62], %broadcast_in_dim3A_3 {strides = array<i32>} : memref<1040xi32, #tpu.memory_space<vmem>>, vector<16xi32>,
      %broadcast_in_dim3A_64 = arith.constant 0 : i32
      %broadcast_in_dim3A_65 = vector.broadcast %broadcast_in_dim3A_64 : i32 to vector<16xi32>
      %scan3A_66 = arith.constant 0 : i32
      %scan3A_67 = arith.constant 64 : i32
      %scan3A_68 = arith.addi %scan3A_66, %scan3A_67 : i32
      %scan3A_69 = arith.constant 2 : i32
      %scan3A_70 = scf.for %scan3A_1043 = %scan3A_66 to %scan3A_68 step %scan3A_69 iter_args(%scan3A_1044 = %broadcast_in_dim3A_65) -> (vector<16xi32>)  : i32 {
        %mul3A_1045 = arith.constant 16 : i32
        %mul3A_1046 = arith.muli %scan3A_1043, %mul3A_1045 : i32
        %add3A_1047 = arith.addi %mul3A_47, %mul3A_1046 : i32
        %get3A_1048 = arith.index_cast %add3A_1047 : i32 to index
        %get3A_1049 = tpu.vector_load %arg8[%get3A_1048] {strides = array<i32>} : memref<8192xi32, #tpu.memory_space<vmem>>, vector<16xi32>,
        %lt3A_1050 = arith.constant 1073741823 : i32
        %lt3A_1051 = vector.broadcast %lt3A_1050 : i32 to vector<16xi32>
        %lt3A_1052 = arith.cmpi slt, %get3A_1049, %lt3A_1051 : vector<16xi32>
        %convert_element_type3A_1053 = arith.extui %lt3A_1052 : vector<16xi1> to vector<16xi32>
        %broadcast_in_dim3A_1054 = arith.constant true
        %broadcast_in_dim3A_1055 = vector.broadcast %broadcast_in_dim3A_1054 : i1 to vector<16xi1>
        %masked_cumsum3A = tpu.scan <sum>, %convert_element_type3A_1053 masked %broadcast_in_dim3A_1055 : vector<16xi32>, vector<16xi1> -> vector<16xi32>
        %add3A_1056 = arith.addi %scan3A_1044, %masked_cumsum3A : vector<16xi32>
        %sub3A_1057 = arith.constant 1 : i32
        %sub3A_1058 = vector.broadcast %sub3A_1057 : i32 to vector<16xi32>
        %sub3A_1059 = arith.subi %add3A_1056, %sub3A_1058 : vector<16xi32>
        tpu.vector_store_idx %arg9[%sub3A_1059], %get3A_1049 masked %lt3A_1052 : memref<1040xi32, #tpu.memory_space<vmem>>[vector<16xi32>], vector<16xi32>, vector<16xi1>
        %all_reduce_population_count3A = tpu.all_reduce %lt3A_1052 {dim = 0 : i64, kind = #tpu.reduction_kind<sum>} : vector<16xi1> -> vector<16xi32>
        %add3A_1060 = arith.addi %scan3A_1044, %all_reduce_population_count3A : vector<16xi32>
        %scan3A_1061 = arith.constant 1 : i32
        %scan3A_1062 = arith.addi %scan3A_1043, %scan3A_1061 : i32
        %mul3A_1063 = arith.constant 16 : i32
        %mul3A_1064 = arith.muli %scan3A_1062, %mul3A_1063 : i32
        %add3A_1065 = arith.addi %mul3A_47, %mul3A_1064 : i32
        %get3A_1066 = arith.index_cast %add3A_1065 : i32 to index
        %get3A_1067 = tpu.vector_load %arg8[%get3A_1066] {strides = array<i32>} : memref<8192xi32, #tpu.memory_space<vmem>>, vector<16xi32>,
        %lt3A_1068 = arith.constant 1073741823 : i32
        %lt3A_1069 = vector.broadcast %lt3A_1068 : i32 to vector<16xi32>
        %lt3A_1070 = arith.cmpi slt, %get3A_1067, %lt3A_1069 : vector<16xi32>
        %convert_element_type3A_1071 = arith.extui %lt3A_1070 : vector<16xi1> to vector<16xi32>
        %broadcast_in_dim3A_1072 = arith.constant true
        %broadcast_in_dim3A_1073 = vector.broadcast %broadcast_in_dim3A_1072 : i1 to vector<16xi1>
        %masked_cumsum3A_1074 = tpu.scan <sum>, %convert_element_type3A_1071 masked %broadcast_in_dim3A_1073 : vector<16xi32>, vector<16xi1> -> vector<16xi32>
        %add3A_1075 = arith.addi %add3A_1060, %masked_cumsum3A_1074 : vector<16xi32>
        %sub3A_1076 = arith.constant 1 : i32
        %sub3A_1077 = vector.broadcast %sub3A_1076 : i32 to vector<16xi32>
        %sub3A_1078 = arith.subi %add3A_1075, %sub3A_1077 : vector<16xi32>
        tpu.vector_store_idx %arg9[%sub3A_1078], %get3A_1067 masked %lt3A_1070 : memref<1040xi32, #tpu.memory_space<vmem>>[vector<16xi32>], vector<16xi32>, vector<16xi1>
        %all_reduce_population_count3A_1079 = tpu.all_reduce %lt3A_1070 {dim = 0 : i64, kind = #tpu.reduction_kind<sum>} : vector<16xi1> -> vector<16xi32>
        %add3A_1080 = arith.addi %add3A_1060, %all_reduce_population_count3A_1079 : vector<16xi32>
        scf.yield %add3A_1080 : vector<16xi32>
      }
      %scan3A_71 = arith.constant 64 : i32
      %get3A = arith.constant 0 : index
      %get3A_72 = tpu.vector_load %arg9[%get3A] {strides = array<i32>} : memref<1040xi32, #tpu.memory_space<vmem>>, vector<16xi32>,
      %get3A_73 = arith.constant 16 : index
      %get3A_74 = tpu.vector_load %arg9[%get3A_73] {strides = array<i32>} : memref<1040xi32, #tpu.memory_space<vmem>>, vector<16xi32>,
      %get3A_75 = arith.constant 32 : index
      %get3A_76 = tpu.vector_load %arg9[%get3A_75] {strides = array<i32>} : memref<1040xi32, #tpu.memory_space<vmem>>, vector<16xi32>,
      %get3A_77 = arith.constant 48 : index
      %get3A_78 = tpu.vector_load %arg9[%get3A_77] {strides = array<i32>} : memref<1040xi32, #tpu.memory_space<vmem>>, vector<16xi32>,
      %get3A_79 = arith.constant 64 : index
      %get3A_80 = tpu.vector_load %arg9[%get3A_79] {strides = array<i32>} : memref<1040xi32, #tpu.memory_space<vmem>>, vector<16xi32>,
      %get3A_81 = arith.constant 80 : index
      %get3A_82 = tpu.vector_load %arg9[%get3A_81] {strides = array<i32>} : memref<1040xi32, #tpu.memory_space<vmem>>, vector<16xi32>,
      %get3A_83 = arith.constant 96 : index
      %get3A_84 = tpu.vector_load %arg9[%get3A_83] {strides = array<i32>} : memref<1040xi32, #tpu.memory_space<vmem>>, vector<16xi32>,
      %get3A_85 = arith.constant 112 : index
      %get3A_86 = tpu.vector_load %arg9[%get3A_85] {strides = array<i32>} : memref<1040xi32, #tpu.memory_space<vmem>>, vector<16xi32>,
      %sort3A = arith.constant dense<true> : vector<16xi1>
      %sort3A_87, %sort3A_88, %sort3A_89 = tpu.sort %get3A_72, %get3A_72 masked %sort3A : (vector<16xi32>, vector<16xi32>, vector<16xi1>) -> (vector<16xi1>, vector<16xi32>, vector<16xi32>)
      %sort3A_90 = arith.constant dense<true> : vector<16xi1>
      %sort3A_91, %sort3A_92, %sort3A_93 = tpu.sort %get3A_74, %get3A_74 masked %sort3A_90 : (vector<16xi32>, vector<16xi32>, vector<16xi1>) -> (vector<16xi1>, vector<16xi32>, vector<16xi32>)
      %sort3A_94 = arith.constant dense<true> : vector<16xi1>
      %sort3A_95, %sort3A_96, %sort3A_97 = tpu.sort %get3A_76, %get3A_76 masked %sort3A_94 : (vector<16xi32>, vector<16xi32>, vector<16xi1>) -> (vector<16xi1>, vector<16xi32>, vector<16xi32>)
      %sort3A_98 = arith.constant dense<true> : vector<16xi1>
      %sort3A_99, %sort3A_100, %sort3A_101 = tpu.sort %get3A_78, %get3A_78 masked %sort3A_98 : (vector<16xi32>, vector<16xi32>, vector<16xi1>) -> (vector<16xi1>, vector<16xi32>, vector<16xi32>)
      %sort3A_102 = arith.constant dense<true> : vector<16xi1>
      %sort3A_103, %sort3A_104, %sort3A_105 = tpu.sort %get3A_80, %get3A_80 masked %sort3A_102 : (vector<16xi32>, vector<16xi32>, vector<16xi1>) -> (vector<16xi1>, vector<16xi32>, vector<16xi32>)
      %sort3A_106 = arith.constant dense<true> : vector<16xi1>
      %sort3A_107, %sort3A_108, %sort3A_109 = tpu.sort %get3A_82, %get3A_82 masked %sort3A_106 : (vector<16xi32>, vector<16xi32>, vector<16xi1>) -> (vector<16xi1>, vector<16xi32>, vector<16xi32>)
      %sort3A_110 = arith.constant dense<true> : vector<16xi1>
      %sort3A_111, %sort3A_112, %sort3A_113 = tpu.sort %get3A_84, %get3A_84 masked %sort3A_110 : (vector<16xi32>, vector<16xi32>, vector<16xi1>) -> (vector<16xi1>, vector<16xi32>, vector<16xi32>)
      %sort3A_114 = arith.constant dense<true> : vector<16xi1>
      %sort3A_115, %sort3A_116, %sort3A_117 = tpu.sort %get3A_86, %get3A_86 masked %sort3A_114 : (vector<16xi32>, vector<16xi32>, vector<16xi1>) -> (vector<16xi1>, vector<16xi32>, vector<16xi32>)
      %rev3A = arith.constant 15 : i32
      %rev3A_118 = vector.broadcast %rev3A : i32 to vector<16xi32>
      %rev3A_119 = tpu.iota {dimensions = array<i32: 0>} : vector<16xi32>
      %rev3A_120 = arith.subi %rev3A_118, %rev3A_119 : vector<16xi32>
      %rev3A_121 = tpu.dynamic_gather %sort3A_92[%rev3A_120] in [0] : vector<16xi32>, vector<16xi32> -> vector<16xi32>
      %min3A = arith.minsi %sort3A_88, %rev3A_121 : vector<16xi32>
      %max3A = arith.maxsi %sort3A_88, %rev3A_121 : vector<16xi32>
      %sort3A_122 = arith.constant dense<true> : vector<16xi1>
      %sort3A_123, %sort3A_124, %sort3A_125 = tpu.sort %min3A, %min3A masked %sort3A_122 : (vector<16xi32>, vector<16xi32>, vector<16xi1>) -> (vector<16xi1>, vector<16xi32>, vector<16xi32>)
      %sort3A_126 = arith.constant dense<true> : vector<16xi1>
      %sort3A_127, %sort3A_128, %sort3A_129 = tpu.sort %max3A, %max3A masked %sort3A_126 : (vector<16xi32>, vector<16xi32>, vector<16xi1>) -> (vector<16xi1>, vector<16xi32>, vector<16xi32>)
      %rev3A_130 = arith.constant 15 : i32
      %rev3A_131 = vector.broadcast %rev3A_130 : i32 to vector<16xi32>
      %rev3A_132 = tpu.iota {dimensions = array<i32: 0>} : vector<16xi32>
      %rev3A_133 = arith.subi %rev3A_131, %rev3A_132 : vector<16xi32>
      %rev3A_134 = tpu.dynamic_gather %sort3A_100[%rev3A_133] in [0] : vector<16xi32>, vector<16xi32> -> vector<16xi32>
      %min3A_135 = arith.minsi %sort3A_96, %rev3A_134 : vector<16xi32>
      %max3A_136 = arith.maxsi %sort3A_96, %rev3A_134 : vector<16xi32>
      %sort3A_137 = arith.constant dense<true> : vector<16xi1>
      %sort3A_138, %sort3A_139, %sort3A_140 = tpu.sort %min3A_135, %min3A_135 masked %sort3A_137 : (vector<16xi32>, vector<16xi32>, vector<16xi1>) -> (vector<16xi1>, vector<16xi32>, vector<16xi32>)
      %sort3A_141 = arith.constant dense<true> : vector<16xi1>
      %sort3A_142, %sort3A_143, %sort3A_144 = tpu.sort %max3A_136, %max3A_136 masked %sort3A_141 : (vector<16xi32>, vector<16xi32>, vector<16xi1>) -> (vector<16xi1>, vector<16xi32>, vector<16xi32>)
      %rev3A_145 = arith.constant 15 : i32
      %rev3A_146 = vector.broadcast %rev3A_145 : i32 to vector<16xi32>
      %rev3A_147 = tpu.iota {dimensions = array<i32: 0>} : vector<16xi32>
      %rev3A_148 = arith.subi %rev3A_146, %rev3A_147 : vector<16xi32>
      %rev3A_149 = tpu.dynamic_gather %sort3A_108[%rev3A_148] in [0] : vector<16xi32>, vector<16xi32> -> vector<16xi32>
      %min3A_150 = arith.minsi %sort3A_104, %rev3A_149 : vector<16xi32>
      %max3A_151 = arith.maxsi %sort3A_104, %rev3A_149 : vector<16xi32>
      %sort3A_152 = arith.constant dense<true> : vector<16xi1>
      %sort3A_153, %sort3A_154, %sort3A_155 = tpu.sort %min3A_150, %min3A_150 masked %sort3A_152 : (vector<16xi32>, vector<16xi32>, vector<16xi1>) -> (vector<16xi1>, vector<16xi32>, vector<16xi32>)
      %sort3A_156 = arith.constant dense<true> : vector<16xi1>
      %sort3A_157, %sort3A_158, %sort3A_159 = tpu.sort %max3A_151, %max3A_151 masked %sort3A_156 : (vector<16xi32>, vector<16xi32>, vector<16xi1>) -> (vector<16xi1>, vector<16xi32>, vector<16xi32>)
      %rev3A_160 = arith.constant 15 : i32
      %rev3A_161 = vector.broadcast %rev3A_160 : i32 to vector<16xi32>
      %rev3A_162 = tpu.iota {dimensions = array<i32: 0>} : vector<16xi32>
      %rev3A_163 = arith.subi %rev3A_161, %rev3A_162 : vector<16xi32>
      %rev3A_164 = tpu.dynamic_gather %sort3A_116[%rev3A_163] in [0] : vector<16xi32>, vector<16xi32> -> vector<16xi32>
      %min3A_165 = arith.minsi %sort3A_112, %rev3A_164 : vector<16xi32>
      %max3A_166 = arith.maxsi %sort3A_112, %rev3A_164 : vector<16xi32>
      %sort3A_167 = arith.constant dense<true> : vector<16xi1>
      %sort3A_168, %sort3A_169, %sort3A_170 = tpu.sort %min3A_165, %min3A_165 masked %sort3A_167 : (vector<16xi32>, vector<16xi32>, vector<16xi1>) -> (vector<16xi1>, vector<16xi32>, vector<16xi32>)
      %sort3A_171 = arith.constant dense<true> : vector<16xi1>
      %sort3A_172, %sort3A_173, %sort3A_174 = tpu.sort %max3A_166, %max3A_166 masked %sort3A_171 : (vector<16xi32>, vector<16xi32>, vector<16xi1>) -> (vector<16xi1>, vector<16xi32>, vector<16xi32>)
      %rev3A_175 = arith.constant 15 : i32
      %rev3A_176 = vector.broadcast %rev3A_175 : i32 to vector<16xi32>
      %rev3A_177 = tpu.iota {dimensions = array<i32: 0>} : vector<16xi32>
      %rev3A_178 = arith.subi %rev3A_176, %rev3A_177 : vector<16xi32>
      %rev3A_179 = tpu.dynamic_gather %sort3A_143[%rev3A_178] in [0] : vector<16xi32>, vector<16xi32> -> vector<16xi32>
      %rev3A_180 = arith.constant 15 : i32
      %rev3A_181 = vector.broadcast %rev3A_180 : i32 to vector<16xi32>
      %rev3A_182 = tpu.iota {dimensions = array<i32: 0>} : vector<16xi32>
      %rev3A_183 = arith.subi %rev3A_181, %rev3A_182 : vector<16xi32>
      %rev3A_184 = tpu.dynamic_gather %sort3A_139[%rev3A_183] in [0] : vector<16xi32>, vector<16xi32> -> vector<16xi32>
      %min3A_185 = arith.minsi %sort3A_124, %rev3A_179 : vector<16xi32>
      %max3A_186 = arith.maxsi %sort3A_124, %rev3A_179 : vector<16xi32>
      %min3A_187 = arith.minsi %sort3A_128, %rev3A_184 : vector<16xi32>
      %max3A_188 = arith.maxsi %sort3A_128, %rev3A_184 : vector<16xi32>
      %min3A_189 = arith.minsi %min3A_185, %min3A_187 : vector<16xi32>
      %max3A_190 = arith.maxsi %min3A_185, %min3A_187 : vector<16xi32>
      %min3A_191 = arith.minsi %max3A_186, %max3A_188 : vector<16xi32>
      %max3A_192 = arith.maxsi %max3A_186, %max3A_188 : vector<16xi32>
      %sort3A_193 = arith.constant dense<true> : vector<16xi1>
      %sort3A_194, %sort3A_195, %sort3A_196 = tpu.sort %min3A_189, %min3A_189 masked %sort3A_193 : (vector<16xi32>, vector<16xi32>, vector<16xi1>) -> (vector<16xi1>, vector<16xi32>, vector<16xi32>)
      %sort3A_197 = arith.constant dense<true> : vector<16xi1>
      %sort3A_198, %sort3A_199, %sort3A_200 = tpu.sort %max3A_190, %max3A_190 masked %sort3A_197 : (vector<16xi32>, vector<16xi32>, vector<16xi1>) -> (vector<16xi1>, vector<16xi32>, vector<16xi32>)
      %sort3A_201 = arith.constant dense<true> : vector<16xi1>
      %sort3A_202, %sort3A_203, %sort3A_204 = tpu.sort %min3A_191, %min3A_191 masked %sort3A_201 : (vector<16xi32>, vector<16xi32>, vector<16xi1>) -> (vector<16xi1>, vector<16xi32>, vector<16xi32>)
      %sort3A_205 = arith.constant dense<true> : vector<16xi1>
      %sort3A_206, %sort3A_207, %sort3A_208 = tpu.sort %max3A_192, %max3A_192 masked %sort3A_205 : (vector<16xi32>, vector<16xi32>, vector<16xi1>) -> (vector<16xi1>, vector<16xi32>, vector<16xi32>)
      %rev3A_209 = arith.constant 15 : i32
      %rev3A_210 = vector.broadcast %rev3A_209 : i32 to vector<16xi32>
      %rev3A_211 = tpu.iota {dimensions = array<i32: 0>} : vector<16xi32>
      %rev3A_212 = arith.subi %rev3A_210, %rev3A_211 : vector<16xi32>
      %rev3A_213 = tpu.dynamic_gather %sort3A_173[%rev3A_212] in [0] : vector<16xi32>, vector<16xi32> -> vector<16xi32>
      %rev3A_214 = arith.constant 15 : i32
      %rev3A_215 = vector.broadcast %rev3A_214 : i32 to vector<16xi32>
      %rev3A_216 = tpu.iota {dimensions = array<i32: 0>} : vector<16xi32>
      %rev3A_217 = arith.subi %rev3A_215, %rev3A_216 : vector<16xi32>
      %rev3A_218 = tpu.dynamic_gather %sort3A_169[%rev3A_217] in [0] : vector<16xi32>, vector<16xi32> -> vector<16xi32>
      %min3A_219 = arith.minsi %sort3A_154, %rev3A_213 : vector<16xi32>
      %max3A_220 = arith.maxsi %sort3A_154, %rev3A_213 : vector<16xi32>
      %min3A_221 = arith.minsi %sort3A_158, %rev3A_218 : vector<16xi32>
      %max3A_222 = arith.maxsi %sort3A_158, %rev3A_218 : vector<16xi32>
      %min3A_223 = arith.minsi %min3A_219, %min3A_221 : vector<16xi32>
      %max3A_224 = arith.maxsi %min3A_219, %min3A_221 : vector<16xi32>
      %min3A_225 = arith.minsi %max3A_220, %max3A_222 : vector<16xi32>
      %max3A_226 = arith.maxsi %max3A_220, %max3A_222 : vector<16xi32>
      %sort3A_227 = arith.constant dense<true> : vector<16xi1>
      %sort3A_228, %sort3A_229, %sort3A_230 = tpu.sort %min3A_223, %min3A_223 masked %sort3A_227 : (vector<16xi32>, vector<16xi32>, vector<16xi1>) -> (vector<16xi1>, vector<16xi32>, vector<16xi32>)
      %sort3A_231 = arith.constant dense<true> : vector<16xi1>
      %sort3A_232, %sort3A_233, %sort3A_234 = tpu.sort %max3A_224, %max3A_224 masked %sort3A_231 : (vector<16xi32>, vector<16xi32>, vector<16xi1>) -> (vector<16xi1>, vector<16xi32>, vector<16xi32>)
      %sort3A_235 = arith.constant dense<true> : vector<16xi1>
      %sort3A_236, %sort3A_237, %sort3A_238 = tpu.sort %min3A_225, %min3A_225 masked %sort3A_235 : (vector<16xi32>, vector<16xi32>, vector<16xi1>) -> (vector<16xi1>, vector<16xi32>, vector<16xi32>)
      %sort3A_239 = arith.constant dense<true> : vector<16xi1>
      %sort3A_240, %sort3A_241, %sort3A_242 = tpu.sort %max3A_226, %max3A_226 masked %sort3A_239 : (vector<16xi32>, vector<16xi32>, vector<16xi1>) -> (vector<16xi1>, vector<16xi32>, vector<16xi32>)
      %rev3A_243 = arith.constant 15 : i32
      %rev3A_244 = vector.broadcast %rev3A_243 : i32 to vector<16xi32>
      %rev3A_245 = tpu.iota {dimensions = array<i32: 0>} : vector<16xi32>
      %rev3A_246 = arith.subi %rev3A_244, %rev3A_245 : vector<16xi32>
      %rev3A_247 = tpu.dynamic_gather %sort3A_241[%rev3A_246] in [0] : vector<16xi32>, vector<16xi32> -> vector<16xi32>
      %rev3A_248 = arith.constant 15 : i32
      %rev3A_249 = vector.broadcast %rev3A_248 : i32 to vector<16xi32>
      %rev3A_250 = tpu.iota {dimensions = array<i32: 0>} : vector<16xi32>
      %rev3A_251 = arith.subi %rev3A_249, %rev3A_250 : vector<16xi32>
      %rev3A_252 = tpu.dynamic_gather %sort3A_237[%rev3A_251] in [0] : vector<16xi32>, vector<16xi32> -> vector<16xi32>
      %rev3A_253 = arith.constant 15 : i32
      %rev3A_254 = vector.broadcast %rev3A_253 : i32 to vector<16xi32>
      %rev3A_255 = tpu.iota {dimensions = array<i32: 0>} : vector<16xi32>
      %rev3A_256 = arith.subi %rev3A_254, %rev3A_255 : vector<16xi32>
      %rev3A_257 = tpu.dynamic_gather %sort3A_233[%rev3A_256] in [0] : vector<16xi32>, vector<16xi32> -> vector<16xi32>
      %rev3A_258 = arith.constant 15 : i32
      %rev3A_259 = vector.broadcast %rev3A_258 : i32 to vector<16xi32>
      %rev3A_260 = tpu.iota {dimensions = array<i32: 0>} : vector<16xi32>
      %rev3A_261 = arith.subi %rev3A_259, %rev3A_260 : vector<16xi32>
      %rev3A_262 = tpu.dynamic_gather %sort3A_229[%rev3A_261] in [0] : vector<16xi32>, vector<16xi32> -> vector<16xi32>
      %min3A_263 = arith.minsi %sort3A_195, %rev3A_247 : vector<16xi32>
      %max3A_264 = arith.maxsi %sort3A_195, %rev3A_247 : vector<16xi32>
      %min3A_265 = arith.minsi %sort3A_199, %rev3A_252 : vector<16xi32>
      %max3A_266 = arith.maxsi %sort3A_199, %rev3A_252 : vector<16xi32>
      %min3A_267 = arith.minsi %sort3A_203, %rev3A_257 : vector<16xi32>
      %max3A_268 = arith.maxsi %sort3A_203, %rev3A_257 : vector<16xi32>
      %min3A_269 = arith.minsi %sort3A_207, %rev3A_262 : vector<16xi32>
      %max3A_270 = arith.maxsi %sort3A_207, %rev3A_262 : vector<16xi32>
      %min3A_271 = arith.minsi %min3A_263, %min3A_267 : vector<16xi32>
      %max3A_272 = arith.maxsi %min3A_263, %min3A_267 : vector<16xi32>
      %min3A_273 = arith.minsi %min3A_265, %min3A_269 : vector<16xi32>
      %max3A_274 = arith.maxsi %min3A_265, %min3A_269 : vector<16xi32>
      %min3A_275 = arith.minsi %max3A_264, %max3A_268 : vector<16xi32>
      %max3A_276 = arith.maxsi %max3A_264, %max3A_268 : vector<16xi32>
      %min3A_277 = arith.minsi %max3A_266, %max3A_270 : vector<16xi32>
      %max3A_278 = arith.maxsi %max3A_266, %max3A_270 : vector<16xi32>
      %min3A_279 = arith.minsi %min3A_271, %min3A_273 : vector<16xi32>
      %max3A_280 = arith.maxsi %min3A_271, %min3A_273 : vector<16xi32>
      %min3A_281 = arith.minsi %max3A_272, %max3A_274 : vector<16xi32>
      %max3A_282 = arith.maxsi %max3A_272, %max3A_274 : vector<16xi32>
      %min3A_283 = arith.minsi %min3A_275, %min3A_277 : vector<16xi32>
      %max3A_284 = arith.maxsi %min3A_275, %min3A_277 : vector<16xi32>
      %min3A_285 = arith.minsi %max3A_276, %max3A_278 : vector<16xi32>
      %max3A_286 = arith.maxsi %max3A_276, %max3A_278 : vector<16xi32>
      %sort3A_287 = arith.constant dense<true> : vector<16xi1>
      %sort3A_288, %sort3A_289, %sort3A_290 = tpu.sort %min3A_279, %min3A_279 masked %sort3A_287 : (vector<16xi32>, vector<16xi32>, vector<16xi1>) -> (vector<16xi1>, vector<16xi32>, vector<16xi32>)
      %sort3A_291 = arith.constant dense<true> : vector<16xi1>
      %sort3A_292, %sort3A_293, %sort3A_294 = tpu.sort %max3A_280, %max3A_280 masked %sort3A_291 : (vector<16xi32>, vector<16xi32>, vector<16xi1>) -> (vector<16xi1>, vector<16xi32>, vector<16xi32>)
      %sort3A_295 = arith.constant dense<true> : vector<16xi1>
      %sort3A_296, %sort3A_297, %sort3A_298 = tpu.sort %min3A_281, %min3A_281 masked %sort3A_295 : (vector<16xi32>, vector<16xi32>, vector<16xi1>) -> (vector<16xi1>, vector<16xi32>, vector<16xi32>)
      %sort3A_299 = arith.constant dense<true> : vector<16xi1>
      %sort3A_300, %sort3A_301, %sort3A_302 = tpu.sort %max3A_282, %max3A_282 masked %sort3A_299 : (vector<16xi32>, vector<16xi32>, vector<16xi1>) -> (vector<16xi1>, vector<16xi32>, vector<16xi32>)
      %sort3A_303 = arith.constant dense<true> : vector<16xi1>
      %sort3A_304, %sort3A_305, %sort3A_306 = tpu.sort %min3A_283, %min3A_283 masked %sort3A_303 : (vector<16xi32>, vector<16xi32>, vector<16xi1>) -> (vector<16xi1>, vector<16xi32>, vector<16xi32>)
      %ge3A = arith.constant 27648 : i32
      %ge3A_307 = vector.broadcast %ge3A : i32 to vector<16xi32>
      %ge3A_308 = arith.cmpi sge, %sort3A_289, %ge3A_307 : vector<16xi32>
      %and3A_309 = arith.constant 1023 : i32
      %and3A_310 = vector.broadcast %and3A_309 : i32 to vector<16xi32>
      %and3A_311 = arith.andi %sort3A_289, %and3A_310 : vector<16xi32>
      %jit3A_312 = arith.constant -1 : i32
      %broadcast_in_dim3A_313 = vector.broadcast %jit3A_312 : i32 to vector<16xi32>
      %select_n3A_314 = arith.select %ge3A_308, %broadcast_in_dim3A_313, %and3A_311 : vector<16xi1>, vector<16xi32>
      %shift_right_arithmetic3A = arith.constant 10 : i32
      %shift_right_arithmetic3A_315 = vector.broadcast %shift_right_arithmetic3A : i32 to vector<16xi32>
      %shift_right_arithmetic3A_316 = arith.shrsi %sort3A_289, %shift_right_arithmetic3A_315 : vector<16xi32>
      %mul3A_317 = arith.constant 80 : i32
      %mul3A_318 = arith.muli %scan3A_16, %mul3A_317 : i32
      %add3A_319 = arith.constant 0 : i32
      %add3A_320 = arith.addi %mul3A_318, %add3A_319 : i32
      %swap3A_321 = arith.index_cast %add3A_320 : i32 to index
      %swap3A_322 = tpu.vector_load %arg10[%swap3A_321] {strides = array<i32>} : memref<2560xi32, #tpu.memory_space<vmem>>, vector<16xi32>,
      tpu.vector_store %arg10[%swap3A_321], %select_n3A_314 {strides = array<i32>} : memref<2560xi32, #tpu.memory_space<vmem>>, vector<16xi32>,
      %jit3A_323 = arith.constant 3 : i32
      %eq3A_324 = arith.constant 0 : i32
      %eq3A_325 = arith.cmpi eq, %jit3A_323, %eq3A_324 : i32
      %jit3A_326 = arith.constant 1 : i32
      %select_n3A_327 = arith.select %eq3A_325, %jit3A_326, %jit3A_323 : i32
      %rem3A_328 = vector.broadcast %select_n3A_327 : i32 to vector<16xi32>
      %rem3A_329 = arith.remsi %shift_right_arithmetic3A_316, %rem3A_328 : vector<16xi32>
      %ne3A_330 = arith.constant 0 : i32
      %ne3A_331 = vector.broadcast %ne3A_330 : i32 to vector<16xi32>
      %ne3A_332 = arith.cmpi ne, %rem3A_329, %ne3A_331 : vector<16xi32>
      %lt3A_333 = arith.constant 0 : i32
      %lt3A_334 = vector.broadcast %lt3A_333 : i32 to vector<16xi32>
      %lt3A_335 = arith.cmpi slt, %rem3A_329, %lt3A_334 : vector<16xi32>
      %lt3A_336 = arith.constant 0 : i32
      %lt3A_337 = arith.cmpi slt, %select_n3A_327, %lt3A_336 : i32
      %ne3A_338 = vector.broadcast %lt3A_337 : i1 to vector<16xi1>
      %ne3A_339 = vector.broadcast %ne3A_338 : vector<16xi1> to vector<16xi1>
      %ne3A_340 = arith.xori %lt3A_335, %ne3A_339 : vector<16xi1>
      %and3A_341 = arith.andi %ne3A_340, %ne3A_332 : vector<16xi1>
      %add3A_342 = vector.broadcast %select_n3A_327 : i32 to vector<16xi32>
      %add3A_343 = arith.addi %rem3A_329, %add3A_342 : vector<16xi32>
      %select_n3A_344 = arith.select %and3A_341, %add3A_343, %rem3A_329 : vector<16xi1>, vector<16xi32>
      %sub3A = arith.constant 1 : i32
      %sub3A_345 = vector.broadcast %sub3A : i32 to vector<16xi32>
      %sub3A_346 = arith.subi %select_n3A_344, %sub3A_345 : vector<16xi32>
      %jit3A_347 = arith.constant 1 : i32
      %broadcast_in_dim3A_348 = vector.broadcast %jit3A_347 : i32 to vector<16xi32>
      %select_n3A_349 = arith.select %ge3A_308, %broadcast_in_dim3A_348, %sub3A_346 : vector<16xi1>, vector<16xi32>
      %swap3A_350 = arith.index_cast %add3A_320 : i32 to index
      %swap3A_351 = tpu.vector_load %arg11[%swap3A_350] {strides = array<i32>} : memref<2560xi32, #tpu.memory_space<vmem>>, vector<16xi32>,
      tpu.vector_store %arg11[%swap3A_350], %select_n3A_349 {strides = array<i32>} : memref<2560xi32, #tpu.memory_space<vmem>>, vector<16xi32>,
      %jit3A_352 = arith.constant 3 : i32
      %div3A = vector.broadcast %jit3A_352 : i32 to vector<16xi32>
      %div3A_353 = arith.divsi %shift_right_arithmetic3A_316, %div3A : vector<16xi32>
      %sign3A = arith.constant 0 : i32
      %sign3A_354 = vector.broadcast %sign3A : i32 to vector<16xi32>
      %sign3A_355 = arith.cmpi sgt, %shift_right_arithmetic3A_316, %sign3A_354 : vector<16xi32>
      %sign3A_356 = arith.extui %sign3A_355 : vector<16xi1> to vector<16xi32>
      %sign3A_357 = arith.constant 0 : i32
      %sign3A_358 = vector.broadcast %sign3A_357 : i32 to vector<16xi32>
      %sign3A_359 = arith.cmpi slt, %shift_right_arithmetic3A_316, %sign3A_358 : vector<16xi32>
      %sign3A_360 = arith.extui %sign3A_359 : vector<16xi1> to vector<16xi32>
      %sign3A_361 = arith.subi %sign3A_356, %sign3A_360 : vector<16xi32>
      %sign3A_362 = arith.constant 0 : i32
      %sign3A_363 = arith.cmpi sgt, %jit3A_352, %sign3A_362 : i32
      %sign3A_364 = arith.extui %sign3A_363 : i1 to i32
      %sign3A_365 = arith.constant 0 : i32
      %sign3A_366 = arith.cmpi slt, %jit3A_352, %sign3A_365 : i32
      %sign3A_367 = arith.extui %sign3A_366 : i1 to i32
      %sign3A_368 = arith.subi %sign3A_364, %sign3A_367 : i32
      %ne3A_369 = vector.broadcast %sign3A_368 : i32 to vector<16xi32>
      %ne3A_370 = arith.cmpi ne, %sign3A_361, %ne3A_369 : vector<16xi32>
      %rem3A_371 = vector.broadcast %jit3A_352 : i32 to vector<16xi32>
      %rem3A_372 = arith.remsi %shift_right_arithmetic3A_316, %rem3A_371 : vector<16xi32>
      %ne3A_373 = arith.constant 0 : i32
      %ne3A_374 = vector.broadcast %ne3A_373 : i32 to vector<16xi32>
      %ne3A_375 = arith.cmpi ne, %rem3A_372, %ne3A_374 : vector<16xi32>
      %and3A_376 = arith.andi %ne3A_370, %ne3A_375 : vector<16xi1>
      %sub3A_377 = arith.constant 1 : i32
      %sub3A_378 = vector.broadcast %sub3A_377 : i32 to vector<16xi32>
      %sub3A_379 = arith.subi %div3A_353, %sub3A_378 : vector<16xi32>
      %select_n3A_380 = arith.select %and3A_376, %sub3A_379, %div3A_353 : vector<16xi1>, vector<16xi32>
      %jit3A_381 = arith.constant 3 : i32
      %eq3A_382 = arith.constant 0 : i32
      %eq3A_383 = arith.cmpi eq, %jit3A_381, %eq3A_382 : i32
      %jit3A_384 = arith.constant 1 : i32
      %select_n3A_385 = arith.select %eq3A_383, %jit3A_384, %jit3A_381 : i32
      %rem3A_386 = vector.broadcast %select_n3A_385 : i32 to vector<16xi32>
      %rem3A_387 = arith.remsi %select_n3A_380, %rem3A_386 : vector<16xi32>
      %ne3A_388 = arith.constant 0 : i32
      %ne3A_389 = vector.broadcast %ne3A_388 : i32 to vector<16xi32>
      %ne3A_390 = arith.cmpi ne, %rem3A_387, %ne3A_389 : vector<16xi32>
      %lt3A_391 = arith.constant 0 : i32
      %lt3A_392 = vector.broadcast %lt3A_391 : i32 to vector<16xi32>
      %lt3A_393 = arith.cmpi slt, %rem3A_387, %lt3A_392 : vector<16xi32>
      %lt3A_394 = arith.constant 0 : i32
      %lt3A_395 = arith.cmpi slt, %select_n3A_385, %lt3A_394 : i32
      %ne3A_396 = vector.broadcast %lt3A_395 : i1 to vector<16xi1>
      %ne3A_397 = vector.broadcast %ne3A_396 : vector<16xi1> to vector<16xi1>
      %ne3A_398 = arith.xori %lt3A_393, %ne3A_397 : vector<16xi1>
      %and3A_399 = arith.andi %ne3A_398, %ne3A_390 : vector<16xi1>
      %add3A_400 = vector.broadcast %select_n3A_385 : i32 to vector<16xi32>
      %add3A_401 = arith.addi %rem3A_387, %add3A_400 : vector<16xi32>
      %select_n3A_402 = arith.select %and3A_399, %add3A_401, %rem3A_387 : vector<16xi1>, vector<16xi32>
      %sub3A_403 = arith.constant 1 : i32
      %sub3A_404 = vector.broadcast %sub3A_403 : i32 to vector<16xi32>
      %sub3A_405 = arith.subi %select_n3A_402, %sub3A_404 : vector<16xi32>
      %jit3A_406 = arith.constant 1 : i32
      %broadcast_in_dim3A_407 = vector.broadcast %jit3A_406 : i32 to vector<16xi32>
      %select_n3A_408 = arith.select %ge3A_308, %broadcast_in_dim3A_407, %sub3A_405 : vector<16xi1>, vector<16xi32>
      %swap3A_409 = arith.index_cast %add3A_320 : i32 to index
      %swap3A_410 = tpu.vector_load %arg12[%swap3A_409] {strides = array<i32>} : memref<2560xi32, #tpu.memory_space<vmem>>, vector<16xi32>,
      tpu.vector_store %arg12[%swap3A_409], %select_n3A_408 {strides = array<i32>} : memref<2560xi32, #tpu.memory_space<vmem>>, vector<16xi32>,
      %jit3A_411 = arith.constant 9 : i32
      %div3A_412 = vector.broadcast %jit3A_411 : i32 to vector<16xi32>
      %div3A_413 = arith.divsi %shift_right_arithmetic3A_316, %div3A_412 : vector<16xi32>
      %sign3A_414 = arith.constant 0 : i32
      %sign3A_415 = vector.broadcast %sign3A_414 : i32 to vector<16xi32>
      %sign3A_416 = arith.cmpi sgt, %shift_right_arithmetic3A_316, %sign3A_415 : vector<16xi32>
      %sign3A_417 = arith.extui %sign3A_416 : vector<16xi1> to vector<16xi32>
      %sign3A_418 = arith.constant 0 : i32
      %sign3A_419 = vector.broadcast %sign3A_418 : i32 to vector<16xi32>
      %sign3A_420 = arith.cmpi slt, %shift_right_arithmetic3A_316, %sign3A_419 : vector<16xi32>
      %sign3A_421 = arith.extui %sign3A_420 : vector<16xi1> to vector<16xi32>
      %sign3A_422 = arith.subi %sign3A_417, %sign3A_421 : vector<16xi32>
      %sign3A_423 = arith.constant 0 : i32
      %sign3A_424 = arith.cmpi sgt, %jit3A_411, %sign3A_423 : i32
      %sign3A_425 = arith.extui %sign3A_424 : i1 to i32
      %sign3A_426 = arith.constant 0 : i32
      %sign3A_427 = arith.cmpi slt, %jit3A_411, %sign3A_426 : i32
      %sign3A_428 = arith.extui %sign3A_427 : i1 to i32
      %sign3A_429 = arith.subi %sign3A_425, %sign3A_428 : i32
      %ne3A_430 = vector.broadcast %sign3A_429 : i32 to vector<16xi32>
      %ne3A_431 = arith.cmpi ne, %sign3A_422, %ne3A_430 : vector<16xi32>
      %rem3A_432 = vector.broadcast %jit3A_411 : i32 to vector<16xi32>
      %rem3A_433 = arith.remsi %shift_right_arithmetic3A_316, %rem3A_432 : vector<16xi32>
      %ne3A_434 = arith.constant 0 : i32
      %ne3A_435 = vector.broadcast %ne3A_434 : i32 to vector<16xi32>
      %ne3A_436 = arith.cmpi ne, %rem3A_433, %ne3A_435 : vector<16xi32>
      %and3A_437 = arith.andi %ne3A_431, %ne3A_436 : vector<16xi1>
      %sub3A_438 = arith.constant 1 : i32
      %sub3A_439 = vector.broadcast %sub3A_438 : i32 to vector<16xi32>
      %sub3A_440 = arith.subi %div3A_413, %sub3A_439 : vector<16xi32>
      %select_n3A_441 = arith.select %and3A_437, %sub3A_440, %div3A_413 : vector<16xi1>, vector<16xi32>
      %sub3A_442 = arith.constant 1 : i32
      %sub3A_443 = vector.broadcast %sub3A_442 : i32 to vector<16xi32>
      %sub3A_444 = arith.subi %select_n3A_441, %sub3A_443 : vector<16xi32>
      %jit3A_445 = arith.constant 1 : i32
      %broadcast_in_dim3A_446 = vector.broadcast %jit3A_445 : i32 to vector<16xi32>
      %select_n3A_447 = arith.select %ge3A_308, %broadcast_in_dim3A_446, %sub3A_444 : vector<16xi1>, vector<16xi32>
      %swap3A_448 = arith.index_cast %add3A_320 : i32 to index
      %swap3A_449 = tpu.vector_load %arg13[%swap3A_448] {strides = array<i32>} : memref<2560xi32, #tpu.memory_space<vmem>>, vector<16xi32>,
      tpu.vector_store %arg13[%swap3A_448], %select_n3A_447 {strides = array<i32>} : memref<2560xi32, #tpu.memory_space<vmem>>, vector<16xi32>,
      %ge3A_450 = arith.constant 27648 : i32
      %ge3A_451 = vector.broadcast %ge3A_450 : i32 to vector<16xi32>
      %ge3A_452 = arith.cmpi sge, %sort3A_293, %ge3A_451 : vector<16xi32>
      %and3A_453 = arith.constant 1023 : i32
      %and3A_454 = vector.broadcast %and3A_453 : i32 to vector<16xi32>
      %and3A_455 = arith.andi %sort3A_293, %and3A_454 : vector<16xi32>
      %jit3A_456 = arith.constant -1 : i32
      %broadcast_in_dim3A_457 = vector.broadcast %jit3A_456 : i32 to vector<16xi32>
      %select_n3A_458 = arith.select %ge3A_452, %broadcast_in_dim3A_457, %and3A_455 : vector<16xi1>, vector<16xi32>
      %shift_right_arithmetic3A_459 = arith.constant 10 : i32
      %shift_right_arithmetic3A_460 = vector.broadcast %shift_right_arithmetic3A_459 : i32 to vector<16xi32>
      %shift_right_arithmetic3A_461 = arith.shrsi %sort3A_293, %shift_right_arithmetic3A_460 : vector<16xi32>
      %mul3A_462 = arith.constant 80 : i32
      %mul3A_463 = arith.muli %scan3A_16, %mul3A_462 : i32
      %add3A_464 = arith.constant 16 : i32
      %add3A_465 = arith.addi %mul3A_463, %add3A_464 : i32
      %swap3A_466 = arith.index_cast %add3A_465 : i32 to index
      %swap3A_467 = tpu.vector_load %arg10[%swap3A_466] {strides = array<i32>} : memref<2560xi32, #tpu.memory_space<vmem>>, vector<16xi32>,
      tpu.vector_store %arg10[%swap3A_466], %select_n3A_458 {strides = array<i32>} : memref<2560xi32, #tpu.memory_space<vmem>>, vector<16xi32>,
      %jit3A_468 = arith.constant 3 : i32
      %eq3A_469 = arith.constant 0 : i32
      %eq3A_470 = arith.cmpi eq, %jit3A_468, %eq3A_469 : i32
      %jit3A_471 = arith.constant 1 : i32
      %select_n3A_472 = arith.select %eq3A_470, %jit3A_471, %jit3A_468 : i32
      %rem3A_473 = vector.broadcast %select_n3A_472 : i32 to vector<16xi32>
      %rem3A_474 = arith.remsi %shift_right_arithmetic3A_461, %rem3A_473 : vector<16xi32>
      %ne3A_475 = arith.constant 0 : i32
      %ne3A_476 = vector.broadcast %ne3A_475 : i32 to vector<16xi32>
      %ne3A_477 = arith.cmpi ne, %rem3A_474, %ne3A_476 : vector<16xi32>
      %lt3A_478 = arith.constant 0 : i32
      %lt3A_479 = vector.broadcast %lt3A_478 : i32 to vector<16xi32>
      %lt3A_480 = arith.cmpi slt, %rem3A_474, %lt3A_479 : vector<16xi32>
      %lt3A_481 = arith.constant 0 : i32
      %lt3A_482 = arith.cmpi slt, %select_n3A_472, %lt3A_481 : i32
      %ne3A_483 = vector.broadcast %lt3A_482 : i1 to vector<16xi1>
      %ne3A_484 = vector.broadcast %ne3A_483 : vector<16xi1> to vector<16xi1>
      %ne3A_485 = arith.xori %lt3A_480, %ne3A_484 : vector<16xi1>
      %and3A_486 = arith.andi %ne3A_485, %ne3A_477 : vector<16xi1>
      %add3A_487 = vector.broadcast %select_n3A_472 : i32 to vector<16xi32>
      %add3A_488 = arith.addi %rem3A_474, %add3A_487 : vector<16xi32>
      %select_n3A_489 = arith.select %and3A_486, %add3A_488, %rem3A_474 : vector<16xi1>, vector<16xi32>
      %sub3A_490 = arith.constant 1 : i32
      %sub3A_491 = vector.broadcast %sub3A_490 : i32 to vector<16xi32>
      %sub3A_492 = arith.subi %select_n3A_489, %sub3A_491 : vector<16xi32>
      %jit3A_493 = arith.constant 1 : i32
      %broadcast_in_dim3A_494 = vector.broadcast %jit3A_493 : i32 to vector<16xi32>
      %select_n3A_495 = arith.select %ge3A_452, %broadcast_in_dim3A_494, %sub3A_492 : vector<16xi1>, vector<16xi32>
      %swap3A_496 = arith.index_cast %add3A_465 : i32 to index
      %swap3A_497 = tpu.vector_load %arg11[%swap3A_496] {strides = array<i32>} : memref<2560xi32, #tpu.memory_space<vmem>>, vector<16xi32>,
      tpu.vector_store %arg11[%swap3A_496], %select_n3A_495 {strides = array<i32>} : memref<2560xi32, #tpu.memory_space<vmem>>, vector<16xi32>,
      %jit3A_498 = arith.constant 3 : i32
      %div3A_499 = vector.broadcast %jit3A_498 : i32 to vector<16xi32>
      %div3A_500 = arith.divsi %shift_right_arithmetic3A_461, %div3A_499 : vector<16xi32>
      %sign3A_501 = arith.constant 0 : i32
      %sign3A_502 = vector.broadcast %sign3A_501 : i32 to vector<16xi32>
      %sign3A_503 = arith.cmpi sgt, %shift_right_arithmetic3A_461, %sign3A_502 : vector<16xi32>
      %sign3A_504 = arith.extui %sign3A_503 : vector<16xi1> to vector<16xi32>
      %sign3A_505 = arith.constant 0 : i32
      %sign3A_506 = vector.broadcast %sign3A_505 : i32 to vector<16xi32>
      %sign3A_507 = arith.cmpi slt, %shift_right_arithmetic3A_461, %sign3A_506 : vector<16xi32>
      %sign3A_508 = arith.extui %sign3A_507 : vector<16xi1> to vector<16xi32>
      %sign3A_509 = arith.subi %sign3A_504, %sign3A_508 : vector<16xi32>
      %sign3A_510 = arith.constant 0 : i32
      %sign3A_511 = arith.cmpi sgt, %jit3A_498, %sign3A_510 : i32
      %sign3A_512 = arith.extui %sign3A_511 : i1 to i32
      %sign3A_513 = arith.constant 0 : i32
      %sign3A_514 = arith.cmpi slt, %jit3A_498, %sign3A_513 : i32
      %sign3A_515 = arith.extui %sign3A_514 : i1 to i32
      %sign3A_516 = arith.subi %sign3A_512, %sign3A_515 : i32
      %ne3A_517 = vector.broadcast %sign3A_516 : i32 to vector<16xi32>
      %ne3A_518 = arith.cmpi ne, %sign3A_509, %ne3A_517 : vector<16xi32>
      %rem3A_519 = vector.broadcast %jit3A_498 : i32 to vector<16xi32>
      %rem3A_520 = arith.remsi %shift_right_arithmetic3A_461, %rem3A_519 : vector<16xi32>
      %ne3A_521 = arith.constant 0 : i32
      %ne3A_522 = vector.broadcast %ne3A_521 : i32 to vector<16xi32>
      %ne3A_523 = arith.cmpi ne, %rem3A_520, %ne3A_522 : vector<16xi32>
      %and3A_524 = arith.andi %ne3A_518, %ne3A_523 : vector<16xi1>
      %sub3A_525 = arith.constant 1 : i32
      %sub3A_526 = vector.broadcast %sub3A_525 : i32 to vector<16xi32>
      %sub3A_527 = arith.subi %div3A_500, %sub3A_526 : vector<16xi32>
      %select_n3A_528 = arith.select %and3A_524, %sub3A_527, %div3A_500 : vector<16xi1>, vector<16xi32>
      %jit3A_529 = arith.constant 3 : i32
      %eq3A_530 = arith.constant 0 : i32
      %eq3A_531 = arith.cmpi eq, %jit3A_529, %eq3A_530 : i32
      %jit3A_532 = arith.constant 1 : i32
      %select_n3A_533 = arith.select %eq3A_531, %jit3A_532, %jit3A_529 : i32
      %rem3A_534 = vector.broadcast %select_n3A_533 : i32 to vector<16xi32>
      %rem3A_535 = arith.remsi %select_n3A_528, %rem3A_534 : vector<16xi32>
      %ne3A_536 = arith.constant 0 : i32
      %ne3A_537 = vector.broadcast %ne3A_536 : i32 to vector<16xi32>
      %ne3A_538 = arith.cmpi ne, %rem3A_535, %ne3A_537 : vector<16xi32>
      %lt3A_539 = arith.constant 0 : i32
      %lt3A_540 = vector.broadcast %lt3A_539 : i32 to vector<16xi32>
      %lt3A_541 = arith.cmpi slt, %rem3A_535, %lt3A_540 : vector<16xi32>
      %lt3A_542 = arith.constant 0 : i32
      %lt3A_543 = arith.cmpi slt, %select_n3A_533, %lt3A_542 : i32
      %ne3A_544 = vector.broadcast %lt3A_543 : i1 to vector<16xi1>
      %ne3A_545 = vector.broadcast %ne3A_544 : vector<16xi1> to vector<16xi1>
      %ne3A_546 = arith.xori %lt3A_541, %ne3A_545 : vector<16xi1>
      %and3A_547 = arith.andi %ne3A_546, %ne3A_538 : vector<16xi1>
      %add3A_548 = vector.broadcast %select_n3A_533 : i32 to vector<16xi32>
      %add3A_549 = arith.addi %rem3A_535, %add3A_548 : vector<16xi32>
      %select_n3A_550 = arith.select %and3A_547, %add3A_549, %rem3A_535 : vector<16xi1>, vector<16xi32>
      %sub3A_551 = arith.constant 1 : i32
      %sub3A_552 = vector.broadcast %sub3A_551 : i32 to vector<16xi32>
      %sub3A_553 = arith.subi %select_n3A_550, %sub3A_552 : vector<16xi32>
      %jit3A_554 = arith.constant 1 : i32
      %broadcast_in_dim3A_555 = vector.broadcast %jit3A_554 : i32 to vector<16xi32>
      %select_n3A_556 = arith.select %ge3A_452, %broadcast_in_dim3A_555, %sub3A_553 : vector<16xi1>, vector<16xi32>
      %swap3A_557 = arith.index_cast %add3A_465 : i32 to index
      %swap3A_558 = tpu.vector_load %arg12[%swap3A_557] {strides = array<i32>} : memref<2560xi32, #tpu.memory_space<vmem>>, vector<16xi32>,
      tpu.vector_store %arg12[%swap3A_557], %select_n3A_556 {strides = array<i32>} : memref<2560xi32, #tpu.memory_space<vmem>>, vector<16xi32>,
      %jit3A_559 = arith.constant 9 : i32
      %div3A_560 = vector.broadcast %jit3A_559 : i32 to vector<16xi32>
      %div3A_561 = arith.divsi %shift_right_arithmetic3A_461, %div3A_560 : vector<16xi32>
      %sign3A_562 = arith.constant 0 : i32
      %sign3A_563 = vector.broadcast %sign3A_562 : i32 to vector<16xi32>
      %sign3A_564 = arith.cmpi sgt, %shift_right_arithmetic3A_461, %sign3A_563 : vector<16xi32>
      %sign3A_565 = arith.extui %sign3A_564 : vector<16xi1> to vector<16xi32>
      %sign3A_566 = arith.constant 0 : i32
      %sign3A_567 = vector.broadcast %sign3A_566 : i32 to vector<16xi32>
      %sign3A_568 = arith.cmpi slt, %shift_right_arithmetic3A_461, %sign3A_567 : vector<16xi32>
      %sign3A_569 = arith.extui %sign3A_568 : vector<16xi1> to vector<16xi32>
      %sign3A_570 = arith.subi %sign3A_565, %sign3A_569 : vector<16xi32>
      %sign3A_571 = arith.constant 0 : i32
      %sign3A_572 = arith.cmpi sgt, %jit3A_559, %sign3A_571 : i32
      %sign3A_573 = arith.extui %sign3A_572 : i1 to i32
      %sign3A_574 = arith.constant 0 : i32
      %sign3A_575 = arith.cmpi slt, %jit3A_559, %sign3A_574 : i32
      %sign3A_576 = arith.extui %sign3A_575 : i1 to i32
      %sign3A_577 = arith.subi %sign3A_573, %sign3A_576 : i32
      %ne3A_578 = vector.broadcast %sign3A_577 : i32 to vector<16xi32>
      %ne3A_579 = arith.cmpi ne, %sign3A_570, %ne3A_578 : vector<16xi32>
      %rem3A_580 = vector.broadcast %jit3A_559 : i32 to vector<16xi32>
      %rem3A_581 = arith.remsi %shift_right_arithmetic3A_461, %rem3A_580 : vector<16xi32>
      %ne3A_582 = arith.constant 0 : i32
      %ne3A_583 = vector.broadcast %ne3A_582 : i32 to vector<16xi32>
      %ne3A_584 = arith.cmpi ne, %rem3A_581, %ne3A_583 : vector<16xi32>
      %and3A_585 = arith.andi %ne3A_579, %ne3A_584 : vector<16xi1>
      %sub3A_586 = arith.constant 1 : i32
      %sub3A_587 = vector.broadcast %sub3A_586 : i32 to vector<16xi32>
      %sub3A_588 = arith.subi %div3A_561, %sub3A_587 : vector<16xi32>
      %select_n3A_589 = arith.select %and3A_585, %sub3A_588, %div3A_561 : vector<16xi1>, vector<16xi32>
      %sub3A_590 = arith.constant 1 : i32
      %sub3A_591 = vector.broadcast %sub3A_590 : i32 to vector<16xi32>
      %sub3A_592 = arith.subi %select_n3A_589, %sub3A_591 : vector<16xi32>
      %jit3A_593 = arith.constant 1 : i32
      %broadcast_in_dim3A_594 = vector.broadcast %jit3A_593 : i32 to vector<16xi32>
      %select_n3A_595 = arith.select %ge3A_452, %broadcast_in_dim3A_594, %sub3A_592 : vector<16xi1>, vector<16xi32>
      %swap3A_596 = arith.index_cast %add3A_465 : i32 to index
      %swap3A_597 = tpu.vector_load %arg13[%swap3A_596] {strides = array<i32>} : memref<2560xi32, #tpu.memory_space<vmem>>, vector<16xi32>,
      tpu.vector_store %arg13[%swap3A_596], %select_n3A_595 {strides = array<i32>} : memref<2560xi32, #tpu.memory_space<vmem>>, vector<16xi32>,
      %ge3A_598 = arith.constant 27648 : i32
      %ge3A_599 = vector.broadcast %ge3A_598 : i32 to vector<16xi32>
      %ge3A_600 = arith.cmpi sge, %sort3A_297, %ge3A_599 : vector<16xi32>
      %and3A_601 = arith.constant 1023 : i32
      %and3A_602 = vector.broadcast %and3A_601 : i32 to vector<16xi32>
      %and3A_603 = arith.andi %sort3A_297, %and3A_602 : vector<16xi32>
      %jit3A_604 = arith.constant -1 : i32
      %broadcast_in_dim3A_605 = vector.broadcast %jit3A_604 : i32 to vector<16xi32>
      %select_n3A_606 = arith.select %ge3A_600, %broadcast_in_dim3A_605, %and3A_603 : vector<16xi1>, vector<16xi32>
      %shift_right_arithmetic3A_607 = arith.constant 10 : i32
      %shift_right_arithmetic3A_608 = vector.broadcast %shift_right_arithmetic3A_607 : i32 to vector<16xi32>
      %shift_right_arithmetic3A_609 = arith.shrsi %sort3A_297, %shift_right_arithmetic3A_608 : vector<16xi32>
      %mul3A_610 = arith.constant 80 : i32
      %mul3A_611 = arith.muli %scan3A_16, %mul3A_610 : i32
      %add3A_612 = arith.constant 32 : i32
      %add3A_613 = arith.addi %mul3A_611, %add3A_612 : i32
      %swap3A_614 = arith.index_cast %add3A_613 : i32 to index
      %swap3A_615 = tpu.vector_load %arg10[%swap3A_614] {strides = array<i32>} : memref<2560xi32, #tpu.memory_space<vmem>>, vector<16xi32>,
      tpu.vector_store %arg10[%swap3A_614], %select_n3A_606 {strides = array<i32>} : memref<2560xi32, #tpu.memory_space<vmem>>, vector<16xi32>,
      %jit3A_616 = arith.constant 3 : i32
      %eq3A_617 = arith.constant 0 : i32
      %eq3A_618 = arith.cmpi eq, %jit3A_616, %eq3A_617 : i32
      %jit3A_619 = arith.constant 1 : i32
      %select_n3A_620 = arith.select %eq3A_618, %jit3A_619, %jit3A_616 : i32
      %rem3A_621 = vector.broadcast %select_n3A_620 : i32 to vector<16xi32>
      %rem3A_622 = arith.remsi %shift_right_arithmetic3A_609, %rem3A_621 : vector<16xi32>
      %ne3A_623 = arith.constant 0 : i32
      %ne3A_624 = vector.broadcast %ne3A_623 : i32 to vector<16xi32>
      %ne3A_625 = arith.cmpi ne, %rem3A_622, %ne3A_624 : vector<16xi32>
      %lt3A_626 = arith.constant 0 : i32
      %lt3A_627 = vector.broadcast %lt3A_626 : i32 to vector<16xi32>
      %lt3A_628 = arith.cmpi slt, %rem3A_622, %lt3A_627 : vector<16xi32>
      %lt3A_629 = arith.constant 0 : i32
      %lt3A_630 = arith.cmpi slt, %select_n3A_620, %lt3A_629 : i32
      %ne3A_631 = vector.broadcast %lt3A_630 : i1 to vector<16xi1>
      %ne3A_632 = vector.broadcast %ne3A_631 : vector<16xi1> to vector<16xi1>
      %ne3A_633 = arith.xori %lt3A_628, %ne3A_632 : vector<16xi1>
      %and3A_634 = arith.andi %ne3A_633, %ne3A_625 : vector<16xi1>
      %add3A_635 = vector.broadcast %select_n3A_620 : i32 to vector<16xi32>
      %add3A_636 = arith.addi %rem3A_622, %add3A_635 : vector<16xi32>
      %select_n3A_637 = arith.select %and3A_634, %add3A_636, %rem3A_622 : vector<16xi1>, vector<16xi32>
      %sub3A_638 = arith.constant 1 : i32
      %sub3A_639 = vector.broadcast %sub3A_638 : i32 to vector<16xi32>
      %sub3A_640 = arith.subi %select_n3A_637, %sub3A_639 : vector<16xi32>
      %jit3A_641 = arith.constant 1 : i32
      %broadcast_in_dim3A_642 = vector.broadcast %jit3A_641 : i32 to vector<16xi32>
      %select_n3A_643 = arith.select %ge3A_600, %broadcast_in_dim3A_642, %sub3A_640 : vector<16xi1>, vector<16xi32>
      %swap3A_644 = arith.index_cast %add3A_613 : i32 to index
      %swap3A_645 = tpu.vector_load %arg11[%swap3A_644] {strides = array<i32>} : memref<2560xi32, #tpu.memory_space<vmem>>, vector<16xi32>,
      tpu.vector_store %arg11[%swap3A_644], %select_n3A_643 {strides = array<i32>} : memref<2560xi32, #tpu.memory_space<vmem>>, vector<16xi32>,
      %jit3A_646 = arith.constant 3 : i32
      %div3A_647 = vector.broadcast %jit3A_646 : i32 to vector<16xi32>
      %div3A_648 = arith.divsi %shift_right_arithmetic3A_609, %div3A_647 : vector<16xi32>
      %sign3A_649 = arith.constant 0 : i32
      %sign3A_650 = vector.broadcast %sign3A_649 : i32 to vector<16xi32>
      %sign3A_651 = arith.cmpi sgt, %shift_right_arithmetic3A_609, %sign3A_650 : vector<16xi32>
      %sign3A_652 = arith.extui %sign3A_651 : vector<16xi1> to vector<16xi32>
      %sign3A_653 = arith.constant 0 : i32
      %sign3A_654 = vector.broadcast %sign3A_653 : i32 to vector<16xi32>
      %sign3A_655 = arith.cmpi slt, %shift_right_arithmetic3A_609, %sign3A_654 : vector<16xi32>
      %sign3A_656 = arith.extui %sign3A_655 : vector<16xi1> to vector<16xi32>
      %sign3A_657 = arith.subi %sign3A_652, %sign3A_656 : vector<16xi32>
      %sign3A_658 = arith.constant 0 : i32
      %sign3A_659 = arith.cmpi sgt, %jit3A_646, %sign3A_658 : i32
      %sign3A_660 = arith.extui %sign3A_659 : i1 to i32
      %sign3A_661 = arith.constant 0 : i32
      %sign3A_662 = arith.cmpi slt, %jit3A_646, %sign3A_661 : i32
      %sign3A_663 = arith.extui %sign3A_662 : i1 to i32
      %sign3A_664 = arith.subi %sign3A_660, %sign3A_663 : i32
      %ne3A_665 = vector.broadcast %sign3A_664 : i32 to vector<16xi32>
      %ne3A_666 = arith.cmpi ne, %sign3A_657, %ne3A_665 : vector<16xi32>
      %rem3A_667 = vector.broadcast %jit3A_646 : i32 to vector<16xi32>
      %rem3A_668 = arith.remsi %shift_right_arithmetic3A_609, %rem3A_667 : vector<16xi32>
      %ne3A_669 = arith.constant 0 : i32
      %ne3A_670 = vector.broadcast %ne3A_669 : i32 to vector<16xi32>
      %ne3A_671 = arith.cmpi ne, %rem3A_668, %ne3A_670 : vector<16xi32>
      %and3A_672 = arith.andi %ne3A_666, %ne3A_671 : vector<16xi1>
      %sub3A_673 = arith.constant 1 : i32
      %sub3A_674 = vector.broadcast %sub3A_673 : i32 to vector<16xi32>
      %sub3A_675 = arith.subi %div3A_648, %sub3A_674 : vector<16xi32>
      %select_n3A_676 = arith.select %and3A_672, %sub3A_675, %div3A_648 : vector<16xi1>, vector<16xi32>
      %jit3A_677 = arith.constant 3 : i32
      %eq3A_678 = arith.constant 0 : i32
      %eq3A_679 = arith.cmpi eq, %jit3A_677, %eq3A_678 : i32
      %jit3A_680 = arith.constant 1 : i32
      %select_n3A_681 = arith.select %eq3A_679, %jit3A_680, %jit3A_677 : i32
      %rem3A_682 = vector.broadcast %select_n3A_681 : i32 to vector<16xi32>
      %rem3A_683 = arith.remsi %select_n3A_676, %rem3A_682 : vector<16xi32>
      %ne3A_684 = arith.constant 0 : i32
      %ne3A_685 = vector.broadcast %ne3A_684 : i32 to vector<16xi32>
      %ne3A_686 = arith.cmpi ne, %rem3A_683, %ne3A_685 : vector<16xi32>
      %lt3A_687 = arith.constant 0 : i32
      %lt3A_688 = vector.broadcast %lt3A_687 : i32 to vector<16xi32>
      %lt3A_689 = arith.cmpi slt, %rem3A_683, %lt3A_688 : vector<16xi32>
      %lt3A_690 = arith.constant 0 : i32
      %lt3A_691 = arith.cmpi slt, %select_n3A_681, %lt3A_690 : i32
      %ne3A_692 = vector.broadcast %lt3A_691 : i1 to vector<16xi1>
      %ne3A_693 = vector.broadcast %ne3A_692 : vector<16xi1> to vector<16xi1>
      %ne3A_694 = arith.xori %lt3A_689, %ne3A_693 : vector<16xi1>
      %and3A_695 = arith.andi %ne3A_694, %ne3A_686 : vector<16xi1>
      %add3A_696 = vector.broadcast %select_n3A_681 : i32 to vector<16xi32>
      %add3A_697 = arith.addi %rem3A_683, %add3A_696 : vector<16xi32>
      %select_n3A_698 = arith.select %and3A_695, %add3A_697, %rem3A_683 : vector<16xi1>, vector<16xi32>
      %sub3A_699 = arith.constant 1 : i32
      %sub3A_700 = vector.broadcast %sub3A_699 : i32 to vector<16xi32>
      %sub3A_701 = arith.subi %select_n3A_698, %sub3A_700 : vector<16xi32>
      %jit3A_702 = arith.constant 1 : i32
      %broadcast_in_dim3A_703 = vector.broadcast %jit3A_702 : i32 to vector<16xi32>
      %select_n3A_704 = arith.select %ge3A_600, %broadcast_in_dim3A_703, %sub3A_701 : vector<16xi1>, vector<16xi32>
      %swap3A_705 = arith.index_cast %add3A_613 : i32 to index
      %swap3A_706 = tpu.vector_load %arg12[%swap3A_705] {strides = array<i32>} : memref<2560xi32, #tpu.memory_space<vmem>>, vector<16xi32>,
      tpu.vector_store %arg12[%swap3A_705], %select_n3A_704 {strides = array<i32>} : memref<2560xi32, #tpu.memory_space<vmem>>, vector<16xi32>,
      %jit3A_707 = arith.constant 9 : i32
      %div3A_708 = vector.broadcast %jit3A_707 : i32 to vector<16xi32>
      %div3A_709 = arith.divsi %shift_right_arithmetic3A_609, %div3A_708 : vector<16xi32>
      %sign3A_710 = arith.constant 0 : i32
      %sign3A_711 = vector.broadcast %sign3A_710 : i32 to vector<16xi32>
      %sign3A_712 = arith.cmpi sgt, %shift_right_arithmetic3A_609, %sign3A_711 : vector<16xi32>
      %sign3A_713 = arith.extui %sign3A_712 : vector<16xi1> to vector<16xi32>
      %sign3A_714 = arith.constant 0 : i32
      %sign3A_715 = vector.broadcast %sign3A_714 : i32 to vector<16xi32>
      %sign3A_716 = arith.cmpi slt, %shift_right_arithmetic3A_609, %sign3A_715 : vector<16xi32>
      %sign3A_717 = arith.extui %sign3A_716 : vector<16xi1> to vector<16xi32>
      %sign3A_718 = arith.subi %sign3A_713, %sign3A_717 : vector<16xi32>
      %sign3A_719 = arith.constant 0 : i32
      %sign3A_720 = arith.cmpi sgt, %jit3A_707, %sign3A_719 : i32
      %sign3A_721 = arith.extui %sign3A_720 : i1 to i32
      %sign3A_722 = arith.constant 0 : i32
      %sign3A_723 = arith.cmpi slt, %jit3A_707, %sign3A_722 : i32
      %sign3A_724 = arith.extui %sign3A_723 : i1 to i32
      %sign3A_725 = arith.subi %sign3A_721, %sign3A_724 : i32
      %ne3A_726 = vector.broadcast %sign3A_725 : i32 to vector<16xi32>
      %ne3A_727 = arith.cmpi ne, %sign3A_718, %ne3A_726 : vector<16xi32>
      %rem3A_728 = vector.broadcast %jit3A_707 : i32 to vector<16xi32>
      %rem3A_729 = arith.remsi %shift_right_arithmetic3A_609, %rem3A_728 : vector<16xi32>
      %ne3A_730 = arith.constant 0 : i32
      %ne3A_731 = vector.broadcast %ne3A_730 : i32 to vector<16xi32>
      %ne3A_732 = arith.cmpi ne, %rem3A_729, %ne3A_731 : vector<16xi32>
      %and3A_733 = arith.andi %ne3A_727, %ne3A_732 : vector<16xi1>
      %sub3A_734 = arith.constant 1 : i32
      %sub3A_735 = vector.broadcast %sub3A_734 : i32 to vector<16xi32>
      %sub3A_736 = arith.subi %div3A_709, %sub3A_735 : vector<16xi32>
      %select_n3A_737 = arith.select %and3A_733, %sub3A_736, %div3A_709 : vector<16xi1>, vector<16xi32>
      %sub3A_738 = arith.constant 1 : i32
      %sub3A_739 = vector.broadcast %sub3A_738 : i32 to vector<16xi32>
      %sub3A_740 = arith.subi %select_n3A_737, %sub3A_739 : vector<16xi32>
      %jit3A_741 = arith.constant 1 : i32
      %broadcast_in_dim3A_742 = vector.broadcast %jit3A_741 : i32 to vector<16xi32>
      %select_n3A_743 = arith.select %ge3A_600, %broadcast_in_dim3A_742, %sub3A_740 : vector<16xi1>, vector<16xi32>
      %swap3A_744 = arith.index_cast %add3A_613 : i32 to index
      %swap3A_745 = tpu.vector_load %arg13[%swap3A_744] {strides = array<i32>} : memref<2560xi32, #tpu.memory_space<vmem>>, vector<16xi32>,
      tpu.vector_store %arg13[%swap3A_744], %select_n3A_743 {strides = array<i32>} : memref<2560xi32, #tpu.memory_space<vmem>>, vector<16xi32>,
      %ge3A_746 = arith.constant 27648 : i32
      %ge3A_747 = vector.broadcast %ge3A_746 : i32 to vector<16xi32>
      %ge3A_748 = arith.cmpi sge, %sort3A_301, %ge3A_747 : vector<16xi32>
      %and3A_749 = arith.constant 1023 : i32
      %and3A_750 = vector.broadcast %and3A_749 : i32 to vector<16xi32>
      %and3A_751 = arith.andi %sort3A_301, %and3A_750 : vector<16xi32>
      %jit3A_752 = arith.constant -1 : i32
      %broadcast_in_dim3A_753 = vector.broadcast %jit3A_752 : i32 to vector<16xi32>
      %select_n3A_754 = arith.select %ge3A_748, %broadcast_in_dim3A_753, %and3A_751 : vector<16xi1>, vector<16xi32>
      %shift_right_arithmetic3A_755 = arith.constant 10 : i32
      %shift_right_arithmetic3A_756 = vector.broadcast %shift_right_arithmetic3A_755 : i32 to vector<16xi32>
      %shift_right_arithmetic3A_757 = arith.shrsi %sort3A_301, %shift_right_arithmetic3A_756 : vector<16xi32>
      %mul3A_758 = arith.constant 80 : i32
      %mul3A_759 = arith.muli %scan3A_16, %mul3A_758 : i32
      %add3A_760 = arith.constant 48 : i32
      %add3A_761 = arith.addi %mul3A_759, %add3A_760 : i32
      %swap3A_762 = arith.index_cast %add3A_761 : i32 to index
      %swap3A_763 = tpu.vector_load %arg10[%swap3A_762] {strides = array<i32>} : memref<2560xi32, #tpu.memory_space<vmem>>, vector<16xi32>,
      tpu.vector_store %arg10[%swap3A_762], %select_n3A_754 {strides = array<i32>} : memref<2560xi32, #tpu.memory_space<vmem>>, vector<16xi32>,
      %jit3A_764 = arith.constant 3 : i32
      %eq3A_765 = arith.constant 0 : i32
      %eq3A_766 = arith.cmpi eq, %jit3A_764, %eq3A_765 : i32
      %jit3A_767 = arith.constant 1 : i32
      %select_n3A_768 = arith.select %eq3A_766, %jit3A_767, %jit3A_764 : i32
      %rem3A_769 = vector.broadcast %select_n3A_768 : i32 to vector<16xi32>
      %rem3A_770 = arith.remsi %shift_right_arithmetic3A_757, %rem3A_769 : vector<16xi32>
      %ne3A_771 = arith.constant 0 : i32
      %ne3A_772 = vector.broadcast %ne3A_771 : i32 to vector<16xi32>
      %ne3A_773 = arith.cmpi ne, %rem3A_770, %ne3A_772 : vector<16xi32>
      %lt3A_774 = arith.constant 0 : i32
      %lt3A_775 = vector.broadcast %lt3A_774 : i32 to vector<16xi32>
      %lt3A_776 = arith.cmpi slt, %rem3A_770, %lt3A_775 : vector<16xi32>
      %lt3A_777 = arith.constant 0 : i32
      %lt3A_778 = arith.cmpi slt, %select_n3A_768, %lt3A_777 : i32
      %ne3A_779 = vector.broadcast %lt3A_778 : i1 to vector<16xi1>
      %ne3A_780 = vector.broadcast %ne3A_779 : vector<16xi1> to vector<16xi1>
      %ne3A_781 = arith.xori %lt3A_776, %ne3A_780 : vector<16xi1>
      %and3A_782 = arith.andi %ne3A_781, %ne3A_773 : vector<16xi1>
      %add3A_783 = vector.broadcast %select_n3A_768 : i32 to vector<16xi32>
      %add3A_784 = arith.addi %rem3A_770, %add3A_783 : vector<16xi32>
      %select_n3A_785 = arith.select %and3A_782, %add3A_784, %rem3A_770 : vector<16xi1>, vector<16xi32>
      %sub3A_786 = arith.constant 1 : i32
      %sub3A_787 = vector.broadcast %sub3A_786 : i32 to vector<16xi32>
      %sub3A_788 = arith.subi %select_n3A_785, %sub3A_787 : vector<16xi32>
      %jit3A_789 = arith.constant 1 : i32
      %broadcast_in_dim3A_790 = vector.broadcast %jit3A_789 : i32 to vector<16xi32>
      %select_n3A_791 = arith.select %ge3A_748, %broadcast_in_dim3A_790, %sub3A_788 : vector<16xi1>, vector<16xi32>
      %swap3A_792 = arith.index_cast %add3A_761 : i32 to index
      %swap3A_793 = tpu.vector_load %arg11[%swap3A_792] {strides = array<i32>} : memref<2560xi32, #tpu.memory_space<vmem>>, vector<16xi32>,
      tpu.vector_store %arg11[%swap3A_792], %select_n3A_791 {strides = array<i32>} : memref<2560xi32, #tpu.memory_space<vmem>>, vector<16xi32>,
      %jit3A_794 = arith.constant 3 : i32
      %div3A_795 = vector.broadcast %jit3A_794 : i32 to vector<16xi32>
      %div3A_796 = arith.divsi %shift_right_arithmetic3A_757, %div3A_795 : vector<16xi32>
      %sign3A_797 = arith.constant 0 : i32
      %sign3A_798 = vector.broadcast %sign3A_797 : i32 to vector<16xi32>
      %sign3A_799 = arith.cmpi sgt, %shift_right_arithmetic3A_757, %sign3A_798 : vector<16xi32>
      %sign3A_800 = arith.extui %sign3A_799 : vector<16xi1> to vector<16xi32>
      %sign3A_801 = arith.constant 0 : i32
      %sign3A_802 = vector.broadcast %sign3A_801 : i32 to vector<16xi32>
      %sign3A_803 = arith.cmpi slt, %shift_right_arithmetic3A_757, %sign3A_802 : vector<16xi32>
      %sign3A_804 = arith.extui %sign3A_803 : vector<16xi1> to vector<16xi32>
      %sign3A_805 = arith.subi %sign3A_800, %sign3A_804 : vector<16xi32>
      %sign3A_806 = arith.constant 0 : i32
      %sign3A_807 = arith.cmpi sgt, %jit3A_794, %sign3A_806 : i32
      %sign3A_808 = arith.extui %sign3A_807 : i1 to i32
      %sign3A_809 = arith.constant 0 : i32
      %sign3A_810 = arith.cmpi slt, %jit3A_794, %sign3A_809 : i32
      %sign3A_811 = arith.extui %sign3A_810 : i1 to i32
      %sign3A_812 = arith.subi %sign3A_808, %sign3A_811 : i32
      %ne3A_813 = vector.broadcast %sign3A_812 : i32 to vector<16xi32>
      %ne3A_814 = arith.cmpi ne, %sign3A_805, %ne3A_813 : vector<16xi32>
      %rem3A_815 = vector.broadcast %jit3A_794 : i32 to vector<16xi32>
      %rem3A_816 = arith.remsi %shift_right_arithmetic3A_757, %rem3A_815 : vector<16xi32>
      %ne3A_817 = arith.constant 0 : i32
      %ne3A_818 = vector.broadcast %ne3A_817 : i32 to vector<16xi32>
      %ne3A_819 = arith.cmpi ne, %rem3A_816, %ne3A_818 : vector<16xi32>
      %and3A_820 = arith.andi %ne3A_814, %ne3A_819 : vector<16xi1>
      %sub3A_821 = arith.constant 1 : i32
      %sub3A_822 = vector.broadcast %sub3A_821 : i32 to vector<16xi32>
      %sub3A_823 = arith.subi %div3A_796, %sub3A_822 : vector<16xi32>
      %select_n3A_824 = arith.select %and3A_820, %sub3A_823, %div3A_796 : vector<16xi1>, vector<16xi32>
      %jit3A_825 = arith.constant 3 : i32
      %eq3A_826 = arith.constant 0 : i32
      %eq3A_827 = arith.cmpi eq, %jit3A_825, %eq3A_826 : i32
      %jit3A_828 = arith.constant 1 : i32
      %select_n3A_829 = arith.select %eq3A_827, %jit3A_828, %jit3A_825 : i32
      %rem3A_830 = vector.broadcast %select_n3A_829 : i32 to vector<16xi32>
      %rem3A_831 = arith.remsi %select_n3A_824, %rem3A_830 : vector<16xi32>
      %ne3A_832 = arith.constant 0 : i32
      %ne3A_833 = vector.broadcast %ne3A_832 : i32 to vector<16xi32>
      %ne3A_834 = arith.cmpi ne, %rem3A_831, %ne3A_833 : vector<16xi32>
      %lt3A_835 = arith.constant 0 : i32
      %lt3A_836 = vector.broadcast %lt3A_835 : i32 to vector<16xi32>
      %lt3A_837 = arith.cmpi slt, %rem3A_831, %lt3A_836 : vector<16xi32>
      %lt3A_838 = arith.constant 0 : i32
      %lt3A_839 = arith.cmpi slt, %select_n3A_829, %lt3A_838 : i32
      %ne3A_840 = vector.broadcast %lt3A_839 : i1 to vector<16xi1>
      %ne3A_841 = vector.broadcast %ne3A_840 : vector<16xi1> to vector<16xi1>
      %ne3A_842 = arith.xori %lt3A_837, %ne3A_841 : vector<16xi1>
      %and3A_843 = arith.andi %ne3A_842, %ne3A_834 : vector<16xi1>
      %add3A_844 = vector.broadcast %select_n3A_829 : i32 to vector<16xi32>
      %add3A_845 = arith.addi %rem3A_831, %add3A_844 : vector<16xi32>
      %select_n3A_846 = arith.select %and3A_843, %add3A_845, %rem3A_831 : vector<16xi1>, vector<16xi32>
      %sub3A_847 = arith.constant 1 : i32
      %sub3A_848 = vector.broadcast %sub3A_847 : i32 to vector<16xi32>
      %sub3A_849 = arith.subi %select_n3A_846, %sub3A_848 : vector<16xi32>
      %jit3A_850 = arith.constant 1 : i32
      %broadcast_in_dim3A_851 = vector.broadcast %jit3A_850 : i32 to vector<16xi32>
      %select_n3A_852 = arith.select %ge3A_748, %broadcast_in_dim3A_851, %sub3A_849 : vector<16xi1>, vector<16xi32>
      %swap3A_853 = arith.index_cast %add3A_761 : i32 to index
      %swap3A_854 = tpu.vector_load %arg12[%swap3A_853] {strides = array<i32>} : memref<2560xi32, #tpu.memory_space<vmem>>, vector<16xi32>,
      tpu.vector_store %arg12[%swap3A_853], %select_n3A_852 {strides = array<i32>} : memref<2560xi32, #tpu.memory_space<vmem>>, vector<16xi32>,
      %jit3A_855 = arith.constant 9 : i32
      %div3A_856 = vector.broadcast %jit3A_855 : i32 to vector<16xi32>
      %div3A_857 = arith.divsi %shift_right_arithmetic3A_757, %div3A_856 : vector<16xi32>
      %sign3A_858 = arith.constant 0 : i32
      %sign3A_859 = vector.broadcast %sign3A_858 : i32 to vector<16xi32>
      %sign3A_860 = arith.cmpi sgt, %shift_right_arithmetic3A_757, %sign3A_859 : vector<16xi32>
      %sign3A_861 = arith.extui %sign3A_860 : vector<16xi1> to vector<16xi32>
      %sign3A_862 = arith.constant 0 : i32
      %sign3A_863 = vector.broadcast %sign3A_862 : i32 to vector<16xi32>
      %sign3A_864 = arith.cmpi slt, %shift_right_arithmetic3A_757, %sign3A_863 : vector<16xi32>
      %sign3A_865 = arith.extui %sign3A_864 : vector<16xi1> to vector<16xi32>
      %sign3A_866 = arith.subi %sign3A_861, %sign3A_865 : vector<16xi32>
      %sign3A_867 = arith.constant 0 : i32
      %sign3A_868 = arith.cmpi sgt, %jit3A_855, %sign3A_867 : i32
      %sign3A_869 = arith.extui %sign3A_868 : i1 to i32
      %sign3A_870 = arith.constant 0 : i32
      %sign3A_871 = arith.cmpi slt, %jit3A_855, %sign3A_870 : i32
      %sign3A_872 = arith.extui %sign3A_871 : i1 to i32
      %sign3A_873 = arith.subi %sign3A_869, %sign3A_872 : i32
      %ne3A_874 = vector.broadcast %sign3A_873 : i32 to vector<16xi32>
      %ne3A_875 = arith.cmpi ne, %sign3A_866, %ne3A_874 : vector<16xi32>
      %rem3A_876 = vector.broadcast %jit3A_855 : i32 to vector<16xi32>
      %rem3A_877 = arith.remsi %shift_right_arithmetic3A_757, %rem3A_876 : vector<16xi32>
      %ne3A_878 = arith.constant 0 : i32
      %ne3A_879 = vector.broadcast %ne3A_878 : i32 to vector<16xi32>
      %ne3A_880 = arith.cmpi ne, %rem3A_877, %ne3A_879 : vector<16xi32>
      %and3A_881 = arith.andi %ne3A_875, %ne3A_880 : vector<16xi1>
      %sub3A_882 = arith.constant 1 : i32
      %sub3A_883 = vector.broadcast %sub3A_882 : i32 to vector<16xi32>
      %sub3A_884 = arith.subi %div3A_857, %sub3A_883 : vector<16xi32>
      %select_n3A_885 = arith.select %and3A_881, %sub3A_884, %div3A_857 : vector<16xi1>, vector<16xi32>
      %sub3A_886 = arith.constant 1 : i32
      %sub3A_887 = vector.broadcast %sub3A_886 : i32 to vector<16xi32>
      %sub3A_888 = arith.subi %select_n3A_885, %sub3A_887 : vector<16xi32>
      %jit3A_889 = arith.constant 1 : i32
      %broadcast_in_dim3A_890 = vector.broadcast %jit3A_889 : i32 to vector<16xi32>
      %select_n3A_891 = arith.select %ge3A_748, %broadcast_in_dim3A_890, %sub3A_888 : vector<16xi1>, vector<16xi32>
      %swap3A_892 = arith.index_cast %add3A_761 : i32 to index
      %swap3A_893 = tpu.vector_load %arg13[%swap3A_892] {strides = array<i32>} : memref<2560xi32, #tpu.memory_space<vmem>>, vector<16xi32>,
      tpu.vector_store %arg13[%swap3A_892], %select_n3A_891 {strides = array<i32>} : memref<2560xi32, #tpu.memory_space<vmem>>, vector<16xi32>,
      %ge3A_894 = arith.constant 27648 : i32
      %ge3A_895 = vector.broadcast %ge3A_894 : i32 to vector<16xi32>
      %ge3A_896 = arith.cmpi sge, %sort3A_305, %ge3A_895 : vector<16xi32>
      %and3A_897 = arith.constant 1023 : i32
      %and3A_898 = vector.broadcast %and3A_897 : i32 to vector<16xi32>
      %and3A_899 = arith.andi %sort3A_305, %and3A_898 : vector<16xi32>
      %jit3A_900 = arith.constant -1 : i32
      %broadcast_in_dim3A_901 = vector.broadcast %jit3A_900 : i32 to vector<16xi32>
      %select_n3A_902 = arith.select %ge3A_896, %broadcast_in_dim3A_901, %and3A_899 : vector<16xi1>, vector<16xi32>
      %shift_right_arithmetic3A_903 = arith.constant 10 : i32
      %shift_right_arithmetic3A_904 = vector.broadcast %shift_right_arithmetic3A_903 : i32 to vector<16xi32>
      %shift_right_arithmetic3A_905 = arith.shrsi %sort3A_305, %shift_right_arithmetic3A_904 : vector<16xi32>
      %mul3A_906 = arith.constant 80 : i32
      %mul3A_907 = arith.muli %scan3A_16, %mul3A_906 : i32
      %add3A_908 = arith.constant 64 : i32
      %add3A_909 = arith.addi %mul3A_907, %add3A_908 : i32
      %swap3A_910 = arith.index_cast %add3A_909 : i32 to index
      %swap3A_911 = tpu.vector_load %arg10[%swap3A_910] {strides = array<i32>} : memref<2560xi32, #tpu.memory_space<vmem>>, vector<16xi32>,
      tpu.vector_store %arg10[%swap3A_910], %select_n3A_902 {strides = array<i32>} : memref<2560xi32, #tpu.memory_space<vmem>>, vector<16xi32>,
      %jit3A_912 = arith.constant 3 : i32
      %eq3A_913 = arith.constant 0 : i32
      %eq3A_914 = arith.cmpi eq, %jit3A_912, %eq3A_913 : i32
      %jit3A_915 = arith.constant 1 : i32
      %select_n3A_916 = arith.select %eq3A_914, %jit3A_915, %jit3A_912 : i32
      %rem3A_917 = vector.broadcast %select_n3A_916 : i32 to vector<16xi32>
      %rem3A_918 = arith.remsi %shift_right_arithmetic3A_905, %rem3A_917 : vector<16xi32>
      %ne3A_919 = arith.constant 0 : i32
      %ne3A_920 = vector.broadcast %ne3A_919 : i32 to vector<16xi32>
      %ne3A_921 = arith.cmpi ne, %rem3A_918, %ne3A_920 : vector<16xi32>
      %lt3A_922 = arith.constant 0 : i32
      %lt3A_923 = vector.broadcast %lt3A_922 : i32 to vector<16xi32>
      %lt3A_924 = arith.cmpi slt, %rem3A_918, %lt3A_923 : vector<16xi32>
      %lt3A_925 = arith.constant 0 : i32
      %lt3A_926 = arith.cmpi slt, %select_n3A_916, %lt3A_925 : i32
      %ne3A_927 = vector.broadcast %lt3A_926 : i1 to vector<16xi1>
      %ne3A_928 = vector.broadcast %ne3A_927 : vector<16xi1> to vector<16xi1>
      %ne3A_929 = arith.xori %lt3A_924, %ne3A_928 : vector<16xi1>
      %and3A_930 = arith.andi %ne3A_929, %ne3A_921 : vector<16xi1>
      %add3A_931 = vector.broadcast %select_n3A_916 : i32 to vector<16xi32>
      %add3A_932 = arith.addi %rem3A_918, %add3A_931 : vector<16xi32>
      %select_n3A_933 = arith.select %and3A_930, %add3A_932, %rem3A_918 : vector<16xi1>, vector<16xi32>
      %sub3A_934 = arith.constant 1 : i32
      %sub3A_935 = vector.broadcast %sub3A_934 : i32 to vector<16xi32>
      %sub3A_936 = arith.subi %select_n3A_933, %sub3A_935 : vector<16xi32>
      %jit3A_937 = arith.constant 1 : i32
      %broadcast_in_dim3A_938 = vector.broadcast %jit3A_937 : i32 to vector<16xi32>
      %select_n3A_939 = arith.select %ge3A_896, %broadcast_in_dim3A_938, %sub3A_936 : vector<16xi1>, vector<16xi32>
      %swap3A_940 = arith.index_cast %add3A_909 : i32 to index
      %swap3A_941 = tpu.vector_load %arg11[%swap3A_940] {strides = array<i32>} : memref<2560xi32, #tpu.memory_space<vmem>>, vector<16xi32>,
      tpu.vector_store %arg11[%swap3A_940], %select_n3A_939 {strides = array<i32>} : memref<2560xi32, #tpu.memory_space<vmem>>, vector<16xi32>,
      %jit3A_942 = arith.constant 3 : i32
      %div3A_943 = vector.broadcast %jit3A_942 : i32 to vector<16xi32>
      %div3A_944 = arith.divsi %shift_right_arithmetic3A_905, %div3A_943 : vector<16xi32>
      %sign3A_945 = arith.constant 0 : i32
      %sign3A_946 = vector.broadcast %sign3A_945 : i32 to vector<16xi32>
      %sign3A_947 = arith.cmpi sgt, %shift_right_arithmetic3A_905, %sign3A_946 : vector<16xi32>
      %sign3A_948 = arith.extui %sign3A_947 : vector<16xi1> to vector<16xi32>
      %sign3A_949 = arith.constant 0 : i32
      %sign3A_950 = vector.broadcast %sign3A_949 : i32 to vector<16xi32>
      %sign3A_951 = arith.cmpi slt, %shift_right_arithmetic3A_905, %sign3A_950 : vector<16xi32>
      %sign3A_952 = arith.extui %sign3A_951 : vector<16xi1> to vector<16xi32>
      %sign3A_953 = arith.subi %sign3A_948, %sign3A_952 : vector<16xi32>
      %sign3A_954 = arith.constant 0 : i32
      %sign3A_955 = arith.cmpi sgt, %jit3A_942, %sign3A_954 : i32
      %sign3A_956 = arith.extui %sign3A_955 : i1 to i32
      %sign3A_957 = arith.constant 0 : i32
      %sign3A_958 = arith.cmpi slt, %jit3A_942, %sign3A_957 : i32
      %sign3A_959 = arith.extui %sign3A_958 : i1 to i32
      %sign3A_960 = arith.subi %sign3A_956, %sign3A_959 : i32
      %ne3A_961 = vector.broadcast %sign3A_960 : i32 to vector<16xi32>
      %ne3A_962 = arith.cmpi ne, %sign3A_953, %ne3A_961 : vector<16xi32>
      %rem3A_963 = vector.broadcast %jit3A_942 : i32 to vector<16xi32>
      %rem3A_964 = arith.remsi %shift_right_arithmetic3A_905, %rem3A_963 : vector<16xi32>
      %ne3A_965 = arith.constant 0 : i32
      %ne3A_966 = vector.broadcast %ne3A_965 : i32 to vector<16xi32>
      %ne3A_967 = arith.cmpi ne, %rem3A_964, %ne3A_966 : vector<16xi32>
      %and3A_968 = arith.andi %ne3A_962, %ne3A_967 : vector<16xi1>
      %sub3A_969 = arith.constant 1 : i32
      %sub3A_970 = vector.broadcast %sub3A_969 : i32 to vector<16xi32>
      %sub3A_971 = arith.subi %div3A_944, %sub3A_970 : vector<16xi32>
      %select_n3A_972 = arith.select %and3A_968, %sub3A_971, %div3A_944 : vector<16xi1>, vector<16xi32>
      %jit3A_973 = arith.constant 3 : i32
      %eq3A_974 = arith.constant 0 : i32
      %eq3A_975 = arith.cmpi eq, %jit3A_973, %eq3A_974 : i32
      %jit3A_976 = arith.constant 1 : i32
      %select_n3A_977 = arith.select %eq3A_975, %jit3A_976, %jit3A_973 : i32
      %rem3A_978 = vector.broadcast %select_n3A_977 : i32 to vector<16xi32>
      %rem3A_979 = arith.remsi %select_n3A_972, %rem3A_978 : vector<16xi32>
      %ne3A_980 = arith.constant 0 : i32
      %ne3A_981 = vector.broadcast %ne3A_980 : i32 to vector<16xi32>
      %ne3A_982 = arith.cmpi ne, %rem3A_979, %ne3A_981 : vector<16xi32>
      %lt3A_983 = arith.constant 0 : i32
      %lt3A_984 = vector.broadcast %lt3A_983 : i32 to vector<16xi32>
      %lt3A_985 = arith.cmpi slt, %rem3A_979, %lt3A_984 : vector<16xi32>
      %lt3A_986 = arith.constant 0 : i32
      %lt3A_987 = arith.cmpi slt, %select_n3A_977, %lt3A_986 : i32
      %ne3A_988 = vector.broadcast %lt3A_987 : i1 to vector<16xi1>
      %ne3A_989 = vector.broadcast %ne3A_988 : vector<16xi1> to vector<16xi1>
      %ne3A_990 = arith.xori %lt3A_985, %ne3A_989 : vector<16xi1>
      %and3A_991 = arith.andi %ne3A_990, %ne3A_982 : vector<16xi1>
      %add3A_992 = vector.broadcast %select_n3A_977 : i32 to vector<16xi32>
      %add3A_993 = arith.addi %rem3A_979, %add3A_992 : vector<16xi32>
      %select_n3A_994 = arith.select %and3A_991, %add3A_993, %rem3A_979 : vector<16xi1>, vector<16xi32>
      %sub3A_995 = arith.constant 1 : i32
      %sub3A_996 = vector.broadcast %sub3A_995 : i32 to vector<16xi32>
      %sub3A_997 = arith.subi %select_n3A_994, %sub3A_996 : vector<16xi32>
      %jit3A_998 = arith.constant 1 : i32
      %broadcast_in_dim3A_999 = vector.broadcast %jit3A_998 : i32 to vector<16xi32>
      %select_n3A_1000 = arith.select %ge3A_896, %broadcast_in_dim3A_999, %sub3A_997 : vector<16xi1>, vector<16xi32>
      %swap3A_1001 = arith.index_cast %add3A_909 : i32 to index
      %swap3A_1002 = tpu.vector_load %arg12[%swap3A_1001] {strides = array<i32>} : memref<2560xi32, #tpu.memory_space<vmem>>, vector<16xi32>,
      tpu.vector_store %arg12[%swap3A_1001], %select_n3A_1000 {strides = array<i32>} : memref<2560xi32, #tpu.memory_space<vmem>>, vector<16xi32>,
      %jit3A_1003 = arith.constant 9 : i32
      %div3A_1004 = vector.broadcast %jit3A_1003 : i32 to vector<16xi32>
      %div3A_1005 = arith.divsi %shift_right_arithmetic3A_905, %div3A_1004 : vector<16xi32>
      %sign3A_1006 = arith.constant 0 : i32
      %sign3A_1007 = vector.broadcast %sign3A_1006 : i32 to vector<16xi32>
      %sign3A_1008 = arith.cmpi sgt, %shift_right_arithmetic3A_905, %sign3A_1007 : vector<16xi32>
      %sign3A_1009 = arith.extui %sign3A_1008 : vector<16xi1> to vector<16xi32>
      %sign3A_1010 = arith.constant 0 : i32
      %sign3A_1011 = vector.broadcast %sign3A_1010 : i32 to vector<16xi32>
      %sign3A_1012 = arith.cmpi slt, %shift_right_arithmetic3A_905, %sign3A_1011 : vector<16xi32>
      %sign3A_1013 = arith.extui %sign3A_1012 : vector<16xi1> to vector<16xi32>
      %sign3A_1014 = arith.subi %sign3A_1009, %sign3A_1013 : vector<16xi32>
      %sign3A_1015 = arith.constant 0 : i32
      %sign3A_1016 = arith.cmpi sgt, %jit3A_1003, %sign3A_1015 : i32
      %sign3A_1017 = arith.extui %sign3A_1016 : i1 to i32
      %sign3A_1018 = arith.constant 0 : i32
      %sign3A_1019 = arith.cmpi slt, %jit3A_1003, %sign3A_1018 : i32
      %sign3A_1020 = arith.extui %sign3A_1019 : i1 to i32
      %sign3A_1021 = arith.subi %sign3A_1017, %sign3A_1020 : i32
      %ne3A_1022 = vector.broadcast %sign3A_1021 : i32 to vector<16xi32>
      %ne3A_1023 = arith.cmpi ne, %sign3A_1014, %ne3A_1022 : vector<16xi32>
      %rem3A_1024 = vector.broadcast %jit3A_1003 : i32 to vector<16xi32>
      %rem3A_1025 = arith.remsi %shift_right_arithmetic3A_905, %rem3A_1024 : vector<16xi32>
      %ne3A_1026 = arith.constant 0 : i32
      %ne3A_1027 = vector.broadcast %ne3A_1026 : i32 to vector<16xi32>
      %ne3A_1028 = arith.cmpi ne, %rem3A_1025, %ne3A_1027 : vector<16xi32>
      %and3A_1029 = arith.andi %ne3A_1023, %ne3A_1028 : vector<16xi1>
      %sub3A_1030 = arith.constant 1 : i32
      %sub3A_1031 = vector.broadcast %sub3A_1030 : i32 to vector<16xi32>
      %sub3A_1032 = arith.subi %div3A_1005, %sub3A_1031 : vector<16xi32>
      %select_n3A_1033 = arith.select %and3A_1029, %sub3A_1032, %div3A_1005 : vector<16xi1>, vector<16xi32>
      %sub3A_1034 = arith.constant 1 : i32
      %sub3A_1035 = vector.broadcast %sub3A_1034 : i32 to vector<16xi32>
      %sub3A_1036 = arith.subi %select_n3A_1033, %sub3A_1035 : vector<16xi32>
      %jit3A_1037 = arith.constant 1 : i32
      %broadcast_in_dim3A_1038 = vector.broadcast %jit3A_1037 : i32 to vector<16xi32>
      %select_n3A_1039 = arith.select %ge3A_896, %broadcast_in_dim3A_1038, %sub3A_1036 : vector<16xi1>, vector<16xi32>
      %swap3A_1040 = arith.index_cast %add3A_909 : i32 to index
      %swap3A_1041 = tpu.vector_load %arg13[%swap3A_1040] {strides = array<i32>} : memref<2560xi32, #tpu.memory_space<vmem>>, vector<16xi32>,
      tpu.vector_store %arg13[%swap3A_1040], %select_n3A_1039 {strides = array<i32>} : memref<2560xi32, #tpu.memory_space<vmem>>, vector<16xi32>,
      %max3A_1042 = arith.maxsi %scan3A_17, %scan3A_70 : vector<16xi32>
      scf.yield %max3A_1042 : vector<16xi32>
    }
    %scan3A_10 = arith.constant 32 : i32
    %swap3A = arith.constant 0 : index
    %swap3A_11 = tpu.vector_load %arg14[%swap3A] {strides = array<i32>} : memref<16xi32, #tpu.memory_space<vmem>>, vector<16xi32>,
    tpu.vector_store %arg14[%swap3A], %scan3A_9 {strides = array<i32>} : memref<16xi32, #tpu.memory_space<vmem>>, vector<16xi32>,
    %mul3A_12 = arith.constant 32 : i32
    %mul3A_13 = arith.muli %add3A, %mul3A_12 : i32
    %mul3A_14 = arith.constant 80 : i32
    %mul3A_15 = arith.muli %mul3A_13, %mul3A_14 : i32
    "tpu.region"() ({
      %run_scoped3A = tpu.sem_alloc : memref<!tpu.dma_semaphore, #tpu.memory_space<semaphore_mem>>
      %dma_start3A = tpu.memref_slice %arg3[%mul3A_15] : memref<81920xi32, #tpu.memory_space<hbm>> -> memref<2560xi32, #tpu.memory_space<hbm>>
      %dma_start3A_16 = tpu.memref_slice %arg3[%mul3A_15] : memref<81920xi32, #tpu.memory_space<hbm>> -> memref<2560xi32, #tpu.memory_space<hbm>>
      tpu.enqueue_dma source(%arg10 : memref<2560xi32, #tpu.memory_space<vmem>>) target(%dma_start3A_16 : memref<2560xi32, #tpu.memory_space<hbm>>) target_semaphore(%run_scoped3A : memref<!tpu.dma_semaphore, #tpu.memory_space<semaphore_mem>>)
      %dma_wait3A = tpu.memref_slice %arg3[%mul3A_15] : memref<81920xi32, #tpu.memory_space<hbm>> -> memref<2560xi32, #tpu.memory_space<hbm>>
      %dma_wait3A_17 = tpu.memref_slice %arg3[%mul3A_15] : memref<81920xi32, #tpu.memory_space<hbm>> -> memref<2560xi32, #tpu.memory_space<hbm>>
      tpu.wait_dma2 semaphore(%run_scoped3A : memref<!tpu.dma_semaphore, #tpu.memory_space<semaphore_mem>>) src(%arg10 : memref<2560xi32, #tpu.memory_space<vmem>>) dst(%dma_wait3A_17 : memref<2560xi32, #tpu.memory_space<hbm>>)
      tpu.yield
    }) : () -> ()
    "tpu.region"() ({
      %run_scoped3A = tpu.sem_alloc : memref<!tpu.dma_semaphore, #tpu.memory_space<semaphore_mem>>
      %dma_start3A = tpu.memref_slice %arg4[%mul3A_15] : memref<81920xi32, #tpu.memory_space<hbm>> -> memref<2560xi32, #tpu.memory_space<hbm>>
      %dma_start3A_16 = tpu.memref_slice %arg4[%mul3A_15] : memref<81920xi32, #tpu.memory_space<hbm>> -> memref<2560xi32, #tpu.memory_space<hbm>>
      tpu.enqueue_dma source(%arg11 : memref<2560xi32, #tpu.memory_space<vmem>>) target(%dma_start3A_16 : memref<2560xi32, #tpu.memory_space<hbm>>) target_semaphore(%run_scoped3A : memref<!tpu.dma_semaphore, #tpu.memory_space<semaphore_mem>>)
      %dma_wait3A = tpu.memref_slice %arg4[%mul3A_15] : memref<81920xi32, #tpu.memory_space<hbm>> -> memref<2560xi32, #tpu.memory_space<hbm>>
      %dma_wait3A_17 = tpu.memref_slice %arg4[%mul3A_15] : memref<81920xi32, #tpu.memory_space<hbm>> -> memref<2560xi32, #tpu.memory_space<hbm>>
      tpu.wait_dma2 semaphore(%run_scoped3A : memref<!tpu.dma_semaphore, #tpu.memory_space<semaphore_mem>>) src(%arg11 : memref<2560xi32, #tpu.memory_space<vmem>>) dst(%dma_wait3A_17 : memref<2560xi32, #tpu.memory_space<hbm>>)
      tpu.yield
    }) : () -> ()
    "tpu.region"() ({
      %run_scoped3A = tpu.sem_alloc : memref<!tpu.dma_semaphore, #tpu.memory_space<semaphore_mem>>
      %dma_start3A = tpu.memref_slice %arg5[%mul3A_15] : memref<81920xi32, #tpu.memory_space<hbm>> -> memref<2560xi32, #tpu.memory_space<hbm>>
      %dma_start3A_16 = tpu.memref_slice %arg5[%mul3A_15] : memref<81920xi32, #tpu.memory_space<hbm>> -> memref<2560xi32, #tpu.memory_space<hbm>>
      tpu.enqueue_dma source(%arg12 : memref<2560xi32, #tpu.memory_space<vmem>>) target(%dma_start3A_16 : memref<2560xi32, #tpu.memory_space<hbm>>) target_semaphore(%run_scoped3A : memref<!tpu.dma_semaphore, #tpu.memory_space<semaphore_mem>>)
      %dma_wait3A = tpu.memref_slice %arg5[%mul3A_15] : memref<81920xi32, #tpu.memory_space<hbm>> -> memref<2560xi32, #tpu.memory_space<hbm>>
      %dma_wait3A_17 = tpu.memref_slice %arg5[%mul3A_15] : memref<81920xi32, #tpu.memory_space<hbm>> -> memref<2560xi32, #tpu.memory_space<hbm>>
      tpu.wait_dma2 semaphore(%run_scoped3A : memref<!tpu.dma_semaphore, #tpu.memory_space<semaphore_mem>>) src(%arg12 : memref<2560xi32, #tpu.memory_space<vmem>>) dst(%dma_wait3A_17 : memref<2560xi32, #tpu.memory_space<hbm>>)
      tpu.yield
    }) : () -> ()
    "tpu.region"() ({
      %run_scoped3A = tpu.sem_alloc : memref<!tpu.dma_semaphore, #tpu.memory_space<semaphore_mem>>
      %dma_start3A = tpu.memref_slice %arg6[%mul3A_15] : memref<81920xi32, #tpu.memory_space<hbm>> -> memref<2560xi32, #tpu.memory_space<hbm>>
      %dma_start3A_16 = tpu.memref_slice %arg6[%mul3A_15] : memref<81920xi32, #tpu.memory_space<hbm>> -> memref<2560xi32, #tpu.memory_space<hbm>>
      tpu.enqueue_dma source(%arg13 : memref<2560xi32, #tpu.memory_space<vmem>>) target(%dma_start3A_16 : memref<2560xi32, #tpu.memory_space<hbm>>) target_semaphore(%run_scoped3A : memref<!tpu.dma_semaphore, #tpu.memory_space<semaphore_mem>>)
      %dma_wait3A = tpu.memref_slice %arg6[%mul3A_15] : memref<81920xi32, #tpu.memory_space<hbm>> -> memref<2560xi32, #tpu.memory_space<hbm>>
      %dma_wait3A_17 = tpu.memref_slice %arg6[%mul3A_15] : memref<81920xi32, #tpu.memory_space<hbm>> -> memref<2560xi32, #tpu.memory_space<hbm>>
      tpu.wait_dma2 semaphore(%run_scoped3A : memref<!tpu.dma_semaphore, #tpu.memory_space<semaphore_mem>>) src(%arg13 : memref<2560xi32, #tpu.memory_space<vmem>>) dst(%dma_wait3A_17 : memref<2560xi32, #tpu.memory_space<hbm>>)
      tpu.yield
    }) : () -> ()
    "tpu.region"() ({
      %run_scoped3A = tpu.sem_alloc : memref<!tpu.dma_semaphore, #tpu.memory_space<semaphore_mem>>
      %dma_start3A = arith.constant 0 : i32
      %dma_start3A_16 = tpu.memref_slice %arg7[%add3A, %dma_start3A] : memref<32x16xi32, #tpu.memory_space<hbm>> -> memref<1x16xi32, #tpu.memory_space<hbm>>
      %dma_start3A_17 = tpu.memref_squeeze %dma_start3A_16 : memref<1x16xi32, #tpu.memory_space<hbm>> -> memref<16xi32, #tpu.memory_space<hbm>>
      %dma_start3A_18 = arith.constant 0 : i32
      %dma_start3A_19 = tpu.memref_slice %arg7[%add3A, %dma_start3A_18] : memref<32x16xi32, #tpu.memory_space<hbm>> -> memref<1x16xi32, #tpu.memory_space<hbm>>
      %dma_start3A_20 = tpu.memref_squeeze %dma_start3A_19 : memref<1x16xi32, #tpu.memory_space<hbm>> -> memref<16xi32, #tpu.memory_space<hbm>>
      tpu.enqueue_dma source(%arg14 : memref<16xi32, #tpu.memory_space<vmem>>) target(%dma_start3A_20 : memref<16xi32, #tpu.memory_space<hbm>>) target_semaphore(%run_scoped3A : memref<!tpu.dma_semaphore, #tpu.memory_space<semaphore_mem>>)
      %dma_wait3A = arith.constant 0 : i32
      %dma_wait3A_21 = tpu.memref_slice %arg7[%add3A, %dma_wait3A] : memref<32x16xi32, #tpu.memory_space<hbm>> -> memref<1x16xi32, #tpu.memory_space<hbm>>
      %dma_wait3A_22 = tpu.memref_squeeze %dma_wait3A_21 : memref<1x16xi32, #tpu.memory_space<hbm>> -> memref<16xi32, #tpu.memory_space<hbm>>
      %dma_wait3A_23 = arith.constant 0 : i32
      %dma_wait3A_24 = tpu.memref_slice %arg7[%add3A, %dma_wait3A_23] : memref<32x16xi32, #tpu.memory_space<hbm>> -> memref<1x16xi32, #tpu.memory_space<hbm>>
      %dma_wait3A_25 = tpu.memref_squeeze %dma_wait3A_24 : memref<1x16xi32, #tpu.memory_space<hbm>> -> memref<16xi32, #tpu.memory_space<hbm>>
      tpu.wait_dma2 semaphore(%run_scoped3A : memref<!tpu.dma_semaphore, #tpu.memory_space<semaphore_mem>>) src(%arg14 : memref<16xi32, #tpu.memory_space<vmem>>) dst(%dma_wait3A_25 : memref<16xi32, #tpu.memory_space<hbm>>)
      tpu.yield
    }) : () -> ()
    return
  }
}

module attributes {stable_mosaic.version = 14 : i64} {
  func.func @_tc_body(%arg0: i32, %arg1: memref<32x3xf32, #tpu.memory_space<vmem>>, %arg2: memref<3x8x128xf32, #tpu.memory_space<vmem>>, %arg3: memref<256x128xi32, #tpu.memory_space<vmem>>) attributes {dimension_semantics = [#tpu.dimension_semantics<arbitrary>], iteration_bounds = array<i64: 32>, scalar_prefetch = 0 : i64, scratch_operands = 0 : i64, tpu.core_type = #tpu.core_type<tc>, window_params = [{transform_indices = @transform_0, window_bounds = array<i64: 32, 3>}, {pipeline_mode = #tpu.pipeline_mode<synchronous>, transform_indices = @transform_1, window_bounds = array<i64: 3, 8, 128>}, {transform_indices = @transform_2, window_bounds = array<i64: 256, 128>}]} {
    %get3A = arith.constant 0 : index
    %get3A_0 = arith.constant 0 : index
    %get3A_1 = vector.load %arg1[%get3A, %get3A_0] : memref<32x3xf32, #tpu.memory_space<vmem>>, vector<32x1xf32>
    %reshape3A = vector.shape_cast %get3A_1 : vector<32x1xf32> to vector<32x1x1xf32>
    %get3A_2 = arith.constant 0 : index
    %get3A_3 = arith.constant 1 : index
    %get3A_4 = vector.load %arg1[%get3A_2, %get3A_3] : memref<32x3xf32, #tpu.memory_space<vmem>>, vector<32x1xf32>
    %reshape3A_5 = vector.shape_cast %get3A_4 : vector<32x1xf32> to vector<32x1x1xf32>
    %get3A_6 = arith.constant 0 : index
    %get3A_7 = arith.constant 2 : index
    %get3A_8 = vector.load %arg1[%get3A_6, %get3A_7] : memref<32x3xf32, #tpu.memory_space<vmem>>, vector<32x1xf32>
    %reshape3A_9 = vector.shape_cast %get3A_8 : vector<32x1xf32> to vector<32x1x1xf32>
    %get3A_10 = arith.constant 0 : index
    %get3A_11 = arith.constant 0 : index
    %get3A_12 = arith.constant 0 : index
    %get3A_13 = vector.load %arg2[%get3A_10, %get3A_11, %get3A_12] : memref<3x8x128xf32, #tpu.memory_space<vmem>>, vector<1x8x128xf32>
    %get3A_14 = vector.shape_cast %get3A_13 : vector<1x8x128xf32> to vector<8x128xf32>
    %broadcast_in_dim3A = vector.shape_cast %get3A_14 : vector<8x128xf32> to vector<1x8x128xf32>
    %get3A_15 = arith.constant 1 : index
    %get3A_16 = arith.constant 0 : index
    %get3A_17 = arith.constant 0 : index
    %get3A_18 = vector.load %arg2[%get3A_15, %get3A_16, %get3A_17] : memref<3x8x128xf32, #tpu.memory_space<vmem>>, vector<1x8x128xf32>
    %get3A_19 = vector.shape_cast %get3A_18 : vector<1x8x128xf32> to vector<8x128xf32>
    %broadcast_in_dim3A_20 = vector.shape_cast %get3A_19 : vector<8x128xf32> to vector<1x8x128xf32>
    %get3A_21 = arith.constant 2 : index
    %get3A_22 = arith.constant 0 : index
    %get3A_23 = arith.constant 0 : index
    %get3A_24 = vector.load %arg2[%get3A_21, %get3A_22, %get3A_23] : memref<3x8x128xf32, #tpu.memory_space<vmem>>, vector<1x8x128xf32>
    %get3A_25 = vector.shape_cast %get3A_24 : vector<1x8x128xf32> to vector<8x128xf32>
    %broadcast_in_dim3A_26 = vector.shape_cast %get3A_25 : vector<8x128xf32> to vector<1x8x128xf32>
    %sub3A = vector.broadcast %broadcast_in_dim3A : vector<1x8x128xf32> to vector<32x8x128xf32>
    %sub3A_27 = vector.broadcast %reshape3A : vector<32x1x1xf32> to vector<32x8x128xf32>
    %sub3A_28 = arith.subf %sub3A, %sub3A_27 : vector<32x8x128xf32>
    %sub3A_29 = vector.broadcast %broadcast_in_dim3A_20 : vector<1x8x128xf32> to vector<32x8x128xf32>
    %sub3A_30 = vector.broadcast %reshape3A_5 : vector<32x1x1xf32> to vector<32x8x128xf32>
    %sub3A_31 = arith.subf %sub3A_29, %sub3A_30 : vector<32x8x128xf32>
    %sub3A_32 = vector.broadcast %broadcast_in_dim3A_26 : vector<1x8x128xf32> to vector<32x8x128xf32>
    %sub3A_33 = vector.broadcast %reshape3A_9 : vector<32x1x1xf32> to vector<32x8x128xf32>
    %sub3A_34 = arith.subf %sub3A_32, %sub3A_33 : vector<32x8x128xf32>
    %gt3A = arith.constant 1.250000e+01 : f32
    %gt3A_35 = vector.broadcast %gt3A : f32 to vector<32x8x128xf32>
    %gt3A_36 = arith.cmpf ogt, %sub3A_28, %gt3A_35 : vector<32x8x128xf32>
    %lt3A = arith.constant -1.250000e+01 : f32
    %lt3A_37 = vector.broadcast %lt3A : f32 to vector<32x8x128xf32>
    %lt3A_38 = arith.cmpf olt, %sub3A_28, %lt3A_37 : vector<32x8x128xf32>
    %gt3A_39 = arith.constant 1.250000e+01 : f32
    %gt3A_40 = vector.broadcast %gt3A_39 : f32 to vector<32x8x128xf32>
    %gt3A_41 = arith.cmpf ogt, %sub3A_31, %gt3A_40 : vector<32x8x128xf32>
    %lt3A_42 = arith.constant -1.250000e+01 : f32
    %lt3A_43 = vector.broadcast %lt3A_42 : f32 to vector<32x8x128xf32>
    %lt3A_44 = arith.cmpf olt, %sub3A_31, %lt3A_43 : vector<32x8x128xf32>
    %gt3A_45 = arith.constant 1.250000e+01 : f32
    %gt3A_46 = vector.broadcast %gt3A_45 : f32 to vector<32x8x128xf32>
    %gt3A_47 = arith.cmpf ogt, %sub3A_34, %gt3A_46 : vector<32x8x128xf32>
    %lt3A_48 = arith.constant -1.250000e+01 : f32
    %lt3A_49 = vector.broadcast %lt3A_48 : f32 to vector<32x8x128xf32>
    %lt3A_50 = arith.cmpf olt, %sub3A_34, %lt3A_49 : vector<32x8x128xf32>
    %jit3A = arith.constant 2.500000e+01 : f32
    %jit3A_51 = arith.constant 0.000000e+00 : f32
    %broadcast_in_dim3A_52 = vector.broadcast %jit3A : f32 to vector<32x8x128xf32>
    %broadcast_in_dim3A_53 = vector.broadcast %jit3A_51 : f32 to vector<32x8x128xf32>
    %select_n3A = arith.select %lt3A_38, %broadcast_in_dim3A_52, %broadcast_in_dim3A_53 : vector<32x8x128xi1>, vector<32x8x128xf32>
    %jit3A_54 = arith.constant -2.500000e+01 : f32
    %broadcast_in_dim3A_55 = vector.broadcast %jit3A_54 : f32 to vector<32x8x128xf32>
    %select_n3A_56 = arith.select %gt3A_36, %broadcast_in_dim3A_55, %select_n3A : vector<32x8x128xi1>, vector<32x8x128xf32>
    %add3A = vector.broadcast %broadcast_in_dim3A : vector<1x8x128xf32> to vector<32x8x128xf32>
    %add3A_57 = arith.addf %add3A, %select_n3A_56 : vector<32x8x128xf32>
    %sub3A_58 = vector.broadcast %reshape3A : vector<32x1x1xf32> to vector<32x8x128xf32>
    %sub3A_59 = arith.subf %add3A_57, %sub3A_58 : vector<32x8x128xf32>
    %jit3A_60 = arith.constant 2.500000e+01 : f32
    %jit3A_61 = arith.constant 0.000000e+00 : f32
    %broadcast_in_dim3A_62 = vector.broadcast %jit3A_60 : f32 to vector<32x8x128xf32>
    %broadcast_in_dim3A_63 = vector.broadcast %jit3A_61 : f32 to vector<32x8x128xf32>
    %select_n3A_64 = arith.select %lt3A_44, %broadcast_in_dim3A_62, %broadcast_in_dim3A_63 : vector<32x8x128xi1>, vector<32x8x128xf32>
    %jit3A_65 = arith.constant -2.500000e+01 : f32
    %broadcast_in_dim3A_66 = vector.broadcast %jit3A_65 : f32 to vector<32x8x128xf32>
    %select_n3A_67 = arith.select %gt3A_41, %broadcast_in_dim3A_66, %select_n3A_64 : vector<32x8x128xi1>, vector<32x8x128xf32>
    %add3A_68 = vector.broadcast %broadcast_in_dim3A_20 : vector<1x8x128xf32> to vector<32x8x128xf32>
    %add3A_69 = arith.addf %add3A_68, %select_n3A_67 : vector<32x8x128xf32>
    %sub3A_70 = vector.broadcast %reshape3A_5 : vector<32x1x1xf32> to vector<32x8x128xf32>
    %sub3A_71 = arith.subf %add3A_69, %sub3A_70 : vector<32x8x128xf32>
    %jit3A_72 = arith.constant 2.500000e+01 : f32
    %jit3A_73 = arith.constant 0.000000e+00 : f32
    %broadcast_in_dim3A_74 = vector.broadcast %jit3A_72 : f32 to vector<32x8x128xf32>
    %broadcast_in_dim3A_75 = vector.broadcast %jit3A_73 : f32 to vector<32x8x128xf32>
    %select_n3A_76 = arith.select %lt3A_50, %broadcast_in_dim3A_74, %broadcast_in_dim3A_75 : vector<32x8x128xi1>, vector<32x8x128xf32>
    %jit3A_77 = arith.constant -2.500000e+01 : f32
    %broadcast_in_dim3A_78 = vector.broadcast %jit3A_77 : f32 to vector<32x8x128xf32>
    %select_n3A_79 = arith.select %gt3A_47, %broadcast_in_dim3A_78, %select_n3A_76 : vector<32x8x128xi1>, vector<32x8x128xf32>
    %add3A_80 = vector.broadcast %broadcast_in_dim3A_26 : vector<1x8x128xf32> to vector<32x8x128xf32>
    %add3A_81 = arith.addf %add3A_80, %select_n3A_79 : vector<32x8x128xf32>
    %sub3A_82 = vector.broadcast %reshape3A_9 : vector<32x1x1xf32> to vector<32x8x128xf32>
    %sub3A_83 = arith.subf %add3A_81, %sub3A_82 : vector<32x8x128xf32>
    %mul3A = arith.mulf %sub3A_59, %sub3A_59 : vector<32x8x128xf32>
    %mul3A_84 = arith.mulf %sub3A_71, %sub3A_71 : vector<32x8x128xf32>
    %add3A_85 = arith.addf %mul3A, %mul3A_84 : vector<32x8x128xf32>
    %mul3A_86 = arith.mulf %sub3A_83, %sub3A_83 : vector<32x8x128xf32>
    %add3A_87 = arith.addf %add3A_85, %mul3A_86 : vector<32x8x128xf32>
    %mul3A_88 = arith.constant 32 : i32
    %mul3A_89 = arith.muli %arg0, %mul3A_88 : i32
    %iota3A = tpu.iota {dimensions = array<i32: 0>} : vector<32x8x128xi32>
    %add3A_90 = vector.broadcast %mul3A_89 : i32 to vector<32x8x128xi32>
    %add3A_91 = arith.addi %add3A_90, %iota3A : vector<32x8x128xi32>
    %iota3A_92 = tpu.iota {dimensions = array<i32: 1>} : vector<32x8x128xi32>
    %mul3A_93 = arith.constant 128 : i32
    %mul3A_94 = vector.broadcast %mul3A_93 : i32 to vector<32x8x128xi32>
    %mul3A_95 = arith.muli %iota3A_92, %mul3A_94 : vector<32x8x128xi32>
    %iota3A_96 = tpu.iota {dimensions = array<i32: 2>} : vector<32x8x128xi32>
    %add3A_97 = arith.addi %mul3A_95, %iota3A_96 : vector<32x8x128xi32>
    %le3A = arith.constant 3.600000e+01 : f32
    %le3A_98 = vector.broadcast %le3A : f32 to vector<32x8x128xf32>
    %le3A_99 = arith.cmpf ole, %add3A_87, %le3A_98 : vector<32x8x128xf32>
    %ne3A = arith.cmpi ne, %add3A_91, %add3A_97 : vector<32x8x128xi32>
    %and3A = arith.andi %le3A_99, %ne3A : vector<32x8x128xi1>
    %add3A_100 = arith.constant 13312 : i32
    %add3A_101 = vector.broadcast %add3A_100 : i32 to vector<32x8x128xi32>
    %add3A_102 = arith.addi %add3A_101, %add3A_97 : vector<32x8x128xi32>
    %jit3A_103 = arith.constant 1024 : i32
    %jit3A_104 = arith.constant 0 : i32
    %broadcast_in_dim3A_105 = vector.broadcast %jit3A_103 : i32 to vector<32x8x128xi32>
    %broadcast_in_dim3A_106 = vector.broadcast %jit3A_104 : i32 to vector<32x8x128xi32>
    %select_n3A_107 = arith.select %lt3A_38, %broadcast_in_dim3A_105, %broadcast_in_dim3A_106 : vector<32x8x128xi1>, vector<32x8x128xi32>
    %jit3A_108 = arith.constant -1024 : i32
    %broadcast_in_dim3A_109 = vector.broadcast %jit3A_108 : i32 to vector<32x8x128xi32>
    %select_n3A_110 = arith.select %gt3A_36, %broadcast_in_dim3A_109, %select_n3A_107 : vector<32x8x128xi1>, vector<32x8x128xi32>
    %add3A_111 = arith.addi %add3A_102, %select_n3A_110 : vector<32x8x128xi32>
    %jit3A_112 = arith.constant 3072 : i32
    %jit3A_113 = arith.constant 0 : i32
    %broadcast_in_dim3A_114 = vector.broadcast %jit3A_112 : i32 to vector<32x8x128xi32>
    %broadcast_in_dim3A_115 = vector.broadcast %jit3A_113 : i32 to vector<32x8x128xi32>
    %select_n3A_116 = arith.select %lt3A_44, %broadcast_in_dim3A_114, %broadcast_in_dim3A_115 : vector<32x8x128xi1>, vector<32x8x128xi32>
    %jit3A_117 = arith.constant -3072 : i32
    %broadcast_in_dim3A_118 = vector.broadcast %jit3A_117 : i32 to vector<32x8x128xi32>
    %select_n3A_119 = arith.select %gt3A_41, %broadcast_in_dim3A_118, %select_n3A_116 : vector<32x8x128xi1>, vector<32x8x128xi32>
    %add3A_120 = arith.addi %add3A_111, %select_n3A_119 : vector<32x8x128xi32>
    %jit3A_121 = arith.constant 9216 : i32
    %jit3A_122 = arith.constant 0 : i32
    %broadcast_in_dim3A_123 = vector.broadcast %jit3A_121 : i32 to vector<32x8x128xi32>
    %broadcast_in_dim3A_124 = vector.broadcast %jit3A_122 : i32 to vector<32x8x128xi32>
    %select_n3A_125 = arith.select %lt3A_50, %broadcast_in_dim3A_123, %broadcast_in_dim3A_124 : vector<32x8x128xi1>, vector<32x8x128xi32>
    %jit3A_126 = arith.constant -9216 : i32
    %broadcast_in_dim3A_127 = vector.broadcast %jit3A_126 : i32 to vector<32x8x128xi32>
    %select_n3A_128 = arith.select %gt3A_47, %broadcast_in_dim3A_127, %select_n3A_125 : vector<32x8x128xi1>, vector<32x8x128xi32>
    %add3A_129 = arith.addi %add3A_120, %select_n3A_128 : vector<32x8x128xi32>
    %jit3A_130 = arith.constant 1073741823 : i32
    %broadcast_in_dim3A_131 = vector.broadcast %jit3A_130 : i32 to vector<32x8x128xi32>
    %select_n3A_132 = arith.select %and3A, %add3A_129, %broadcast_in_dim3A_131 : vector<32x8x128xi1>, vector<32x8x128xi32>
    %reshape3A_133 = vector.shape_cast %select_n3A_132 : vector<32x8x128xi32> to vector<256x128xi32>
    %swap3A = arith.constant 0 : index
    %swap3A_134 = arith.constant 0 : index
    %swap3A_135 = vector.load %arg3[%swap3A, %swap3A_134] : memref<256x128xi32, #tpu.memory_space<vmem>>, vector<256x128xi32>
    tpu.vector_store %arg3[%swap3A, %swap3A_134], %reshape3A_133 {strides = array<i32>} : memref<256x128xi32, #tpu.memory_space<vmem>>, vector<256x128xi32>,
    return
  }
  func.func @transform_0(%arg0: i32) -> (i32, i32) {
    %c0_i32 = arith.constant 0 : i32
    %c0_i32_0 = arith.constant 0 : i32
    return %arg0, %c0_i32 : i32, i32
  }
  func.func @transform_1(%arg0: i32) -> (i32, i32, i32) {
    %c0_i32 = arith.constant 0 : i32
    %c0_i32_0 = arith.constant 0 : i32
    %c0_i32_1 = arith.constant 0 : i32
    %c0_i32_2 = arith.constant 0 : i32
    return %c0_i32, %c0_i32_0, %c0_i32_1 : i32, i32, i32
  }
  func.func @transform_2(%arg0: i32) -> (i32, i32) {
    %c0_i32 = arith.constant 0 : i32
    %c0_i32_0 = arith.constant 0 : i32
    return %arg0, %c0_i32 : i32, i32
  }
}

</mosaic_0001>

<sc_bundles>
// kernel: kernel.4.cloned.1.call-start
scs
__scs_entry_jumppad:
0x0: {  	(pc) =	sbr.rel $0x88, $3  }
0x1: {  	(tag) =	ssettag $0x0;
	lr =	simm.s32 $0x1  }
0x2: {  	[smem:$0x3FA0] =	sst lr;
	_ =	strace $0xD0000000  }
0x3: {  	_ = 	snop  }
0x4: {  	_ = 	snop  }
0x5: {  	_ = 	snop  }
0x6: {  	_ = 	snop  }
0x7: {  	_ = 	snop  }
__scs_overlays_trampoline_lowered:
0x8: {  	[smem:$0x3FAF] =	sst s0  }
0x9: {  	[smem:$0x3FB0] =	sst s1  }
0xa: {  	[smem:$0x3FB1] =	sst s2  }
0xb: {  	[smem:$0x3FB2] =	sst s3  }
0xc: {  	[smem:$0x3FB3] =	sst s4  }
0xd: {  	[smem:$0x3FB4] =	sst s5  }
0xe: {  	[smem:$0x3FB5] =	sst s6  }
0xf: {  	[smem:$0x3FB6] =	sst s7  }
0x10: {  	[smem:$0x3FB7] =	sst s8  }
0x11: {  	[smem:$0x3FB8] =	sst s9;
	s0 =	simm.s32 @!p0 $0x0  }
0x12: {  	s1 =	sld [smem:$0x3F9E];
	s0 =	simm.s32 @p0 $0x1  }
0x13: {  	[smem:$0x3FB9] =	sst s0;
	s0 =	simm.s32 @!p1 $0x0  }
0x14: {  	s2 =	sld [smem:$0x3F9D];
	s0 =	simm.s32 @p1 $0x1  }
0x15: {  	[smem:$0x3FBA] =	sst s0;
	s0 =	simm.s32 @!p2 $0x0  }
0x16: {  	s3 =	sld [smem:$0x3FDB];
	s0 =	simm.s32 @p2 $0x1  }
0x17: {  	s4 =	simm.s32 $0x1BF5;
	[smem:$0x3FBC] =	sst s0  }
0x18: {  	s0 =	sld [smem:$0x3F9F];
	_ =	swait.ge [sflag:s4], $0x0  }
0x19: {  	s7 =	sld [smem:$0x3FA0]  }
0x1a: {  	s8 =	sadd.s32 $0xFFFFE003, lr  }
0x1b: {  	s9 =	sadd.s32 $0xFFFFFEF7, lr;
	s5 =	simm.s32 $0xFFFFFFFF;
	p2 =	slt.u32 s8, $0xFFFFF086  }
0x1c: {  	p1 =	slt.u32 s9, $0xF7A;
	s5 =	simm.s32 @!p2 $0x0  }
0x1d: {  	s5 =	simm.s32 @p1 $0x1;
	p0 =	seq.s32 s7, s2  }
0x1e: {  	s7 =	smul.u32 @!p0 $0xF7A, s2;
	p2 =	seq.s32 @!p0 s5, $0x0  }
0x1f: {  	s9 =	smul.u32 $0xF7A, s1;
	s8 =	simm.s32 @!p0 $0x1BF5;
	p2 =	por !p2, p0  }
0x20: {  	[sflag:s8] =	ssyncset.s32 @!p0 $0xFFFFF086;
	s6 =	sadd.s32 @!p0 s3, s7;
	s7 =	simm.s32 @!p0 $0x108  }
0x21: {  	s3 =	sadd.s32 s3, s9;
	s6 =	sadd.s32 @!p0 $0x88, s6;
	s7 =	simm.s32 @p2 $0x1082  }
0x22: {  	[simem:s7], [sflag:s8] =	dma.local @!p0 [hbm:s6], $0xF7A  }
0x23: {  	s9 =	sor.u32 $0xD0000000, s2;
	s6 =	simm.s32 $0x108;
	_ =	swait.ge @!p0 [sflag:s8], $0x0  }
0x24: {  	s3 =	sadd.s32 $0x88, s3;
	s6 =	simm.s32 @!p1 $0x1082;
	[sflag:s4] =	ssyncset.s32 $0xFFFFF086  }
0x25: {  	[simem:s6], [sflag:s4] =	dma.local [hbm:s3], $0xF7A  }
0x26: {  	[smem:$0x3FA0] =	sst s1;
	(tag) =	ssettag s2;
	_ =	strace s9  }
0x27: {  	s1 =	sld [smem:$0x3FB0]  }
0x28: {  	s2 =	sld [smem:$0x3FB1]  }
0x29: {  	s4 =	sld [smem:$0x3FB3]  }
0x2a: {  	p0 =	seq.s32 s5, $0x0;
	s5 =	sld [smem:$0x3FB4]  }
0x2b: {  	s6 =	sld [smem:$0x3FB5]  }
0x2c: {  	s7 =	sld [smem:$0x3FB6]  }
0x2d: {  	s3 =	simm.s32 $0x108;
	s8 =	sld [smem:$0x3FB7]  }
0x2e: {  	s3 =	simm.s32 @!p0 $0x1082;
	s9 =	sld [smem:$0x3FB8]  }
0x2f: {  	lr =	sadd.s32 s0, s3;
	s0 =	sld [smem:$0x3FAF]  }
0x30: {  	s3 =	sld [smem:$0x3FB2]  }
0x31: {  	[smem:$0x3FBB] =	sst s10  }
0x32: {  	s10 =	sld [smem:$0x3FB9];
	_ =	sdelay $0x3  }
0x33: {  	p0 =	seq.s32 s10, $0x1;
	s10 =	sld [smem:$0x3FBB];
	_ =	sdelay $0x3  }
0x34: {  	[smem:$0x3FBB] =	sst s10  }
0x35: {  	s10 =	sld [smem:$0x3FBA];
	_ =	sdelay $0x3  }
0x36: {  	p1 =	seq.s32 s10, $0x1;
	s10 =	sld [smem:$0x3FBB];
	_ =	sdelay $0x3  }
0x37: {  	[smem:$0x3FBB] =	sst s10  }
0x38: {  	s10 =	sld [smem:$0x3FBC]  }
0x39: {  	_ = 	snop;
	(pc) =	sbr.ind lr, $3  }
0x3a: {  	_ = 	snop  }
0x3b: {  	_ = 	snop  }
0x3c: {  	p2 =	seq.s32 s10, $0x1;
	s10 =	sld [smem:$0x3FBB]  }
0x3d: {  	_ =	shalt  }
0x3e: {  	_ =	shalt  }
0x3f: {  	_ =	shalt  }
0x40: {  	_ =	shalt  }
0x41: {  	_ =	shalt  }
0x42: {  	_ =	shalt  }
0x43: {  	_ =	shalt  }
0x44: {  	_ =	shalt  }
0x45: {  	_ =	shalt  }
0x46: {  	_ =	shalt  }
0x47: {  	_ =	shalt  }
0x48: {  	_ =	shalt  }
0x49: {  	_ =	shalt  }
0x4a: {  	_ =	shalt  }
0x4b: {  	_ =	shalt  }
0x4c: {  	_ =	shalt  }
0x4d: {  	_ =	shalt  }
0x4e: {  	_ =	shalt  }
0x4f: {  	_ =	shalt  }
0x50: {  	_ =	shalt  }
0x51: {  	_ =	shalt  }
0x52: {  	_ =	shalt  }
0x53: {  	_ =	shalt  }
0x54: {  	_ =	shalt  }
0x55: {  	_ =	shalt  }
0x56: {  	_ =	shalt  }
0x57: {  	_ =	shalt  }
0x58: {  	_ =	shalt  }
0x59: {  	_ =	shalt  }
0x5a: {  	_ =	shalt  }
0x5b: {  	_ =	shalt  }
0x5c: {  	_ =	shalt  }
0x5d: {  	_ =	shalt  }
0x5e: {  	_ =	shalt  }
0x5f: {  	_ =	shalt  }
0x60: {  	_ =	shalt  }
0x61: {  	_ =	shalt  }
0x62: {  	_ =	shalt  }
0x63: {  	_ =	shalt  }
0x64: {  	_ =	shalt  }
0x65: {  	_ =	shalt  }
0x66: {  	_ =	shalt  }
0x67: {  	_ =	shalt  }
0x68: {  	_ =	shalt  }
0x69: {  	_ =	shalt  }
0x6a: {  	_ =	shalt  }
0x6b: {  	_ =	shalt  }
0x6c: {  	_ =	shalt  }
0x6d: {  	_ =	shalt  }
0x6e: {  	_ =	shalt  }
0x6f: {  	_ =	shalt  }
0x70: {  	_ =	shalt  }
0x71: {  	_ =	shalt  }
0x72: {  	_ =	shalt  }
0x73: {  	_ =	shalt  }
0x74: {  	_ =	shalt  }
0x75: {  	_ =	shalt  }
0x76: {  	_ =	shalt  }
0x77: {  	_ =	shalt  }
0x78: {  	_ =	shalt  }
0x79: {  	_ =	shalt  }
0x7a: {  	_ =	shalt  }
0x7b: {  	_ =	shalt  }
0x7c: {  	_ =	shalt  }
0x7d: {  	_ =	shalt  }
0x7e: {  	_ =	shalt  }
0x7f: {  	_ =	shalt  }
0x80: {  	_ =	shalt  }
0x81: {  	_ =	shalt  }
0x82: {  	_ =	shalt  }
0x83: {  	_ =	shalt  }
0x84: {  	_ =	shalt  }
0x85: {  	_ =	shalt  }
0x86: {  	_ =	shalt  }
0x87: {  	_ =	shalt  }
.Lfunc_end0:
.L_simem_size_0:
called_computation_lowered:
.L_overlay_start_0:
0x88: {  	s2 =	sld [smem:$0x3FD9]  }
0x89: {  	s3 =	sld [smem:$0x3FFE];
	_ =	sdelay $0x1  }
0x8a: {  	s1 =	srdreg.scid  }
0x8b: {  	s0 =	sand.u32 $0x1, s1  }
0x8c: {  	s14 =	sshll.u32 s0, $0xA;
	s2 =	sadd.s32 s3, s2  }
0x8d: {  	s2 =	sadd.s32 s2, s14  }
0x8e: {  	[smem:$0x3FC7] =	sst s2  }
0x8f: {  	_ = 	snop  }
0x90: {  	s2 =	sld [smem:$0x3FD0];
	_ =	sdelay $0x2  }
0x91: {  	s15 =	simm.s32 $0xA;
	s4 =	simm.s32 $0x10  }
0x92: {  	[smem:s4], [sflag:s15] =	dma.local [hbm:s2], $0x1  }
0x93: {  	_ =	swait.eq [sflag:s15], $0x1  }
0x94: {  	[sflag:s15] =	ssyncset.done $0x0  }
0x95: {  	s16 =	sld [smem:$0x10];
	[sflag:s15] =	ssyncadd.s32 $0xFFFFFFFF  }
0x96: {  	s17 =	sld [smem:$0x11];
	(tm) =	ssettm $0x1  }
0x97: {  	s18 =	sld [smem:$0x3FFB];
	_ =	sdelay $0x3  }
0x98: {  	_ =	strace s18  }
0x99: {  	s4 =	sld [smem:$0x3FFC];
	_ =	sdelay $0x3  }
0x9a: {  	_ =	strace s4  }
0x9b: {  	s4 =	sld [smem:$0x3FFD];
	_ =	sdelay $0x3  }
0x9c: {  	_ =	strace s4  }
0x9d: {  	_ =	strace $0x8FFFFFFF  }
0x9e: {  	s19 =	sld [smem:$0x3FDB];
	_ =	sdelay $0x1  }
0x9f: {  	s5 =	simm.s32 $_scs_section_size  }
0xa0: {  	s6 =	simm.s32 $_size__tile_overlayer_lowered;
	s7 =	simm.s32 $_tile_overlayer_lowered  }
0xa1: {  	s22 =	simm.s32 $0x1BFF;
	s21 =	sshll.u32 s7, $0x1;
	s4 =	sadd.s32 s5, s19  }
0xa2: {  	s8 =	simm.s32 $0x0;
	s20 =	sshll.u32 s6, $0x1;
	s6 =	sadd.s32 s21, s4  }
0xa3: {  	[timem:s8], [sflag:s22] =	dma.local [hbm:s6], s20  }
0xa4: {  	_ =	swait.ge [sflag:s22], s20  }
0xa5: {  	s5 =	ssub.s32 $0x0, s20;
	[sflag:s22] =	ssyncset.done $0x0  }
0xa6: {  	[sflag:s22] =	ssyncadd.s32 s5;
	_ =	sdelay $0x1  }
0xa7: {  	s23 =	simm.s32 $0x1B8B  }
0xa8: {  	_ =	swait.ge [sflag:s23], $0x1  }
0xa9: {  	[sflag:s23] =	ssyncset.done $0x0  }
0xaa: {  	s25 =	simm.s32 $0x1B8E;
	s24 =	sld [smem:$0x3FFE];
	[sflag:s23] =	ssyncadd.s32 $0xFFFFFFFF  }
0xab: {  	s26 =	simm.s32 $execute0_lowered;
	[smem:$0x3FD2] =	sst s25  }
0xac: {  	s6 =	sshll.u32 s26, $0x1;
	_ =	strace $0x80000046;
	[dreg:$0x1] =	wrdreg $0xFFFFFFFF  }
0xad: {  	s28 =	simm.s32 $_size_execute0_lowered;
	s4 =	sadd.s32 s4, s6;
	[dreg:$0x0] =	wrdreg $0x0  }
0xae: {  	s6 =	sshll.u32 s28, $0x1;
	[dreg:$0x2] =	wrdreg s4  }
0xaf: {  	[dreg:$0x3] =	wrdreg s6  }
0xb0: {  	[dreg:$0x4] =	wrdreg $0xC0  }
0xb1: {  	_ =	task [dreg:s8], $0x5FFFF  }
0xb2: {  	[dreg:$0x1] =	wrdreg $0xFFFFFFFF  }
0xb3: {  	[dreg:$0x0] =	wrdreg $0x60  }
0xb4: {  	[dreg:$0x2] =	wrdreg s24  }
0xb5: {  	[dreg:$0x3] =	wrdreg s16  }
0xb6: {  	[dreg:$0x4] =	wrdreg s17  }
0xb7: {  	[dreg:$0x5] =	wrdreg $0x9  }
0xb8: {  	_ =	task.clear_ibuf [dreg:s8], $0x6FFFF;
	_ =	strace $0x90000046  }
0xb9: {  	s29 =	simm.s32 $0x9;
	_ =	strace $0x80000048  }
0xba: {  	_ =	swait.ge [sflag:s29], $0x1  }
0xbb: {  	[sflag:s29] =	ssyncadd.s32 $0xFFFFFFFF  }
0xbc: {  	_ =	strace $0x90000048  }
0xbd: {  	_ =	sfence  }
0xbe: {  	s30 =	sld [smem:$0x0];
	_ =	sdelay $0x2  }
0xbf: {  	s31 =	sshll.u32 s1, $0xD;
	s1 =	sshrl.u32 s1, $0x2  }
0xc0: {  	s3 =	sand.u32 $0x4000, s31;
	s1 =	sadd.s32 s1, s30  }
0xc1: {  	s0 =	sor.u32 s3, s0;
	s1 =	sshll.u32 s1, $0x11  }
0xc2: {  	s0 =	sor.u32 s1, s0  }
0xc3: {  	s0 =	sadd.s32 $0x8F2B, s0  }
0xc4: {  	[sflag:s0] =	ssyncadd.remote.s32 $0x1  }
0xc5: {  	_ =	sfence.sel $0xFFFF  }
0xc6: {  	[dreg:$0x0] =	wrdreg $0xFFFFFFFF;
	(pc) =	sbr.abs _section_cstart, $3  }
0xc7: {  	[dreg:$0x1] =	wrdreg $0xFFFFFFFF  }
0xc8: {  	_ =	task.clear_ibuf [dreg:s8], $0x2FFFF;
	_ =	strace $0x9FFFFFFF  }
0xc9: {  	(tm) =	ssettm $0x7FFFFFFF  }
tec
execute0_lowered:
.L_overlay_start_1:
0x0: {  	(tag) =	ssettag $0x1  }
0x1: {  	s3 =	srdreg.scid;
	s4 =	stileid.u32  }
0x2: {  	s0 =	rddreg [dreg:$0x0];
	s3 =	sand.u32 $0x1, s3;
	s4 =	sshll.u32 s4, $0x1  }
0x3: {  	s1 =	rddreg [dreg:$0x1];
	s4 =	sor.u32 s3, s4  }
0x4: {  	s2 =	rddreg [dreg:$0x2];
	s5 =	simm.s32 $0x0;
	s25 =	sshll.u32 s4, $0xC  }
0x5: {  	[smem:$0x7FF] =	sst s5;
	s6 =	smul.u32 $0x140, s4;
	s5 =	sadd.s32 s25, s0  }
0x6: {  	_ =	strace $0x80000047;
	s3 =	ssub.s32 $0x2, s3;
	s26 =	sadd.s32 $0xE00, s5  }
0x7: {  	s7 =	sshrl.u32 s3, $0x1;
	s1 =	sadd.s32 s1, s6;
	[dreg:$0x4] =	wrdreg s26  }
0x8: {  	v0 =	vlaneseq.u32;
	v1 =	vimm.s32 $0xECA86420;
	s3 =	ssub.s32 s3, s7;
	s28 =	sadd.s32 s2, s6;
	[dreg:$0x5] =	wrdreg s1  }
0x9: {  	vm0 =	vcmask $0xB08;
	vm1 =	vcmask $0x1310;
	vm2 =	vcmask $0x1B18;
	s8 =	sadd.s32 s6, s0;
	s31 =	smax.u32 s3, $0x1;
	[dreg:$0x6] =	wrdreg s28  }
0xa: {  	vm12 =	vcmask $0x300;
	vm4 =	vcmask $0x2320;
	vm5 =	vcmask $0x2B28;
	s4 =	sshll.u32 s4, $0x4;
	s29 =	sadd.s32 $0x20E00, s8;
	[dreg:$0xa] =	wrdreg s31  }
0xb: {  	vm6 =	vcmask $0x3330;
	v2 =	vmul.u32 $0xFFFFFFFF, v0;
	v3 =	vunpack.c.l.s4.s8 v1;
	s0 =	sadd.s32 s4, s0;
	s30 =	sadd.s32 $0x23600, s8;
	[dreg:$0x7] =	wrdreg s29  }
0xc: {  	vm7 =	vcmask $0x3B38;
	vm8 =	vmmov $0xff;
	v1 =	vimm.s32 $0x0;
	s0 =	sadd.s32 $0x25E00, s0;
	[dreg:$0x8] =	wrdreg s30  }
0xd: {  	s10 =	simm.s32 $0x2000;
	v4 =	vmul.u32 $0x2, v0;
	v23 =	vadd.s32 $0xF, v2;
	v3 =	vunpack.c.0.s8.s32 v3;
	s1 =	simm.s32 $0x0;
	[dreg:$0x9] =	wrdreg s0  }
.LBB2_1:
0xe: {  	[dreg:$0xb] =	wrdreg s1;
	v2 =	vimm.s32 $0x0;
	s1 =	simm.s32 $0x0  }
.LBB2_2:
0xf: {  	s0 =	sand.u32 $0x7, s1  }
0x10: {  	[dreg:$0xc] =	wrdreg s1;
	p0 =	sne.s32 s0, $0x0  }
0x11: {  	s2 =	rddreg [dreg:$0x4];
	s1 =	sshll.u32 @!p0 s1, $0x7  }
0x12: {  	s1 =	sadd.s32 @!p0 s1, s2;
	s2 =	simm.s32 @!p0 $0x0  }
0x13: {  	[tilespmem:s2], [sflag:$0x1] =	stream.linear.gather @!p0 [hbm4b:s1+s2], $0x2000, $0x38;
	[tilespmem:$0x4D00] =	vst v63  }
0x14: {  	[tilespmem:$0x1FFF0] =	vst v2;
	s1 =	simm.s32 @!p0 $0x1  }
0x15: {  	_ =	swait.ge @!p0 [sflag:s1], $0x2000  }
0x16: {  	[sflag:s1] =	ssyncset.done @!p0 $0x0  }
0x17: {  	v0 =	vimm.s32 $0x3FFFFFFF;
	[sflag:s1] =	ssyncadd.s32 @!p0 $0xFFFFE000  }
0x18: {  	[tilespmem:$0x2000] =	vst v0  }
0x19: {  	[tilespmem:$0x2010] =	vst v0  }
0x1a: {  	[tilespmem:$0x2020] =	vst v0  }
0x1b: {  	[tilespmem:$0x2030] =	vst v0  }
0x1c: {  	s30 =	simm.s32 $0x0;
	[tilespmem:$0x2040] =	vst v0  }
0x1d: {  	s0 =	sshll.u32 s0, $0xA;
	s31 =	sand.u32 $0x380, s30;
	[tilespmem:$0x2050] =	vst v0  }
0x1e: {  	s2 =	sadd.s32 s31, s0;
	s1 =	sand.u32 $0x60, s30;
	[tilespmem:$0x2060] =	vst v0  }
0x1f: {  	[tilespmem:$0x2070] =	vst v0;
	s1 =	sadd.s32 s1, s2  }
0x20: {  	v0 =	vld [tilespmem:s1+$0x0];
	_ =	sdelay $0x4  }
0x21: {  	vm10 =	vlt.s32 v0, $0x3FFFFFFF  }
0x22: {  	v2 =	vsel vm10, $0x1, v1  }
0x23: {  	(xrf0) =	vadd.scan.msk.s32 $0xffff, v2;
	_ =	sdelay $0x5  }
0x24: {  	v2 =	vimm.s32 $0x0;
	v5, _, _ =	vpop (xrf0)  }
0x25: {  	v5 =	vadd.s32 v5, v2  }
0x26: {  	v5 =	vadd.s32 $0xFFFFFFFF, v5;
	_ =	sdelay $0x4  }
0x27: {  	[tilespmem:v5+s10+$0x0] =	vst.idx.msk vm10, v0  }
0x28: {  	v0 =	vld [tilespmem:s1+$0x10];
	_ =	sdelay $0x4  }
0x29: {  	vm3 =	vlt.s32 v0, $0x3FFFFFFF  }
0x2a: {  	v5 =	vsel vm3, $0x1, v1  }
0x2b: {  	(xrf0) =	vadd.scan.msk.s32 $0xffff, v5;
	_ =	sdelay $0x1  }
0x2c: {  	v5 =	vmpcnt.ones.xlane vm10;
	_ =	sdelay $0x3  }
0x2d: {  	v6 =	vmpcnt.ones.xlane vm3;
	v2 =	vadd.s32 v2, v5;
	v5, _, _ =	vpop (xrf0)  }
0x2e: {  	v5 =	vadd.s32 v5, v2  }
0x2f: {  	v7 =	vadd.s32 v2, v6;
	v2 =	vadd.s32 $0xFFFFFFFF, v5;
	_ =	sdelay $0x1  }
0x30: {  	s2 =	simm.s32 $0x20;
	s1 =	simm.s32 $0x0  }
.LBB2_3:
0x31: {  	s3 =	sand.u32 $0x380, s2;
	s1 =	sadd.s32 $0x2, s1  }
0x32: {  	s4 =	sand.u32 $0x60, s2;
	s3 =	sadd.s32 s3, s0;
	p0 =	slt.u32 s1, $0x3E  }
0x33: {  	s3 =	sadd.s32 s4, s3;
	[tilespmem:v2+s10+$0x0] =	vst.idx.msk vm3, v0  }
0x34: {  	v0 =	vld [tilespmem:s3+$0x0];
	_ =	sdelay $0x4  }
0x35: {  	vm10 =	vlt.s32 v0, $0x3FFFFFFF  }
0x36: {  	v2 =	vsel vm10, $0x1, v1  }
0x37: {  	(xrf0) =	vadd.scan.msk.s32 $0xffff, v2;
	_ =	sdelay $0x5  }
0x38: {  	v2, _, _ =	vpop (xrf0)  }
0x39: {  	v2 =	vadd.s32 v2, v7  }
0x3a: {  	v2 =	vadd.s32 $0xFFFFFFFF, v2;
	_ =	sdelay $0x4  }
0x3b: {  	[tilespmem:v2+s10+$0x0] =	vst.idx.msk vm10, v0  }
0x3c: {  	v0 =	vld [tilespmem:s3+$0x10];
	_ =	sdelay $0x4  }
0x3d: {  	vm3 =	vlt.s32 v0, $0x3FFFFFFF  }
0x3e: {  	v2 =	vsel vm3, $0x1, v1;
	v5 =	vmpcnt.ones.xlane vm3  }
0x3f: {  	(xrf0) =	vadd.scan.msk.s32 $0xffff, v2;
	_ =	sdelay $0x3  }
0x40: {  	v2 =	vmpcnt.ones.xlane vm10;
	_ =	sdelay $0x1  }
.Ltmp0:
0x41: {  	v2 =	vadd.s32 v7, v2;
	v6, _, _ =	vpop (xrf0);
	(pc) =	sbr.rel @p0 .LBB2_3-.Ltmp0, $3  }
0x42: {  	v7 =	vadd.s32 v2, v5;
	v6 =	vadd.s32 v6, v2  }
0x43: {  	v2 =	vadd.s32 $0xFFFFFFFF, v6;
	_ =	sdelay $0x1  }
0x44: {  	s2 =	sadd.s32 $0x20, s2  }
0x45: {  	_ =	sdelay $0x4  }
0x46: {  	[tilespmem:v2+s10+$0x0] =	vst.idx.msk vm3, v0  }
0x47: {  	v0 =	vld [tilespmem:$0x2000]  }
0x48: {  	v2 =	vld [tilespmem:$0x2010]  }
0x49: {  	v5 =	vld [tilespmem:$0x2020]  }
0x4a: {  	v6 =	vld [tilespmem:$0x2030];
	_ =	sdelay $0x1  }
0x4b: {  	(xrf1) =	vsort.ascd.msk.u32 $0xffff, v0, v0  }
0x4c: {  	v0 =	vld [tilespmem:$0x2040];
	(xrf1) =	vsort.ascd.msk.u32 $0xffff, v2, v2  }
0x4d: {  	v2 =	vld [tilespmem:$0x2050];
	(xrf1) =	vsort.ascd.msk.u32 $0xffff, v5, v5  }
0x4e: {  	v5 =	vld [tilespmem:$0x2060];
	(xrf1) =	vsort.ascd.msk.u32 $0xffff, v6, v6  }
0x4f: {  	v6 =	vld [tilespmem:$0x2070];
	_ =	sdelay $0x1  }
0x50: {  	(xrf1) =	vsort.ascd.msk.u32 $0xffff, v0, v0  }
0x51: {  	(xrf1) =	vsort.ascd.msk.u32 $0xffff, v2, v2  }
0x52: {  	(xrf1) =	vsort.ascd.msk.u32 $0xffff, v5, v5  }
0x53: {  	(xrf1) =	vsort.ascd.msk.u32 $0xffff, v6, v6;
	_ =	sdelay $0x4  }
0x54: {  	v0, _, _ =	vpop (xrf1)  }
0x55: {  	v2, _, _ =	vpop (xrf1)  }
0x56: {  	v5, _, _ =	vpop (xrf1);
	v2 =	vperm.xlane v2, v23  }
0x57: {  	v6, _, _ =	vpop (xrf1)  }
0x58: {  	vm3 =	vlt.s32 v0, v2;
	v6 =	vperm.xlane v6, v23  }
0x59: {  	v8 =	vsel vm3, v0, v2  }
0x5a: {  	v9, _, _ =	vpop (xrf1);
	v0 =	vsel vm3, v2, v0;
	(xrf1) =	vsort.ascd.msk.u32 $0xffff, v8, v8;
	vm3 =	vlt.s32 v5, v6  }
0x5b: {  	v2, _, _ =	vpop (xrf1);
	(xrf1) =	vsort.ascd.msk.u32 $0xffff, v0, v0;
	v0 =	vsel vm3, v5, v6  }
0x5c: {  	v52, _, _ =	vpop (xrf1);
	v5 =	vsel vm3, v6, v5;
	(xrf1) =	vsort.ascd.msk.u32 $0xffff, v0, v0;
	v0 =	vperm.xlane v2, v23  }
0x5d: {  	v2, _, _ =	vpop (xrf1);
	(xrf1) =	vsort.ascd.msk.u32 $0xffff, v5, v5  }
0x5e: {  	v2 =	vperm.xlane v2, v23;
	vm3 =	vlt.s32 v9, v0  }
0x5f: {  	v5 =	vsel vm3, v9, v0  }
0x60: {  	v0 =	vsel vm3, v0, v9;
	vm3 =	vlt.s32 v52, v2;
	(xrf1) =	vsort.ascd.msk.u32 $0xffff, v5, v5  }
0x61: {  	(xrf1) =	vsort.ascd.msk.u32 $0xffff, v0, v0;
	v0 =	vsel vm3, v52, v2  }
0x62: {  	v2 =	vsel vm3, v2, v52;
	(xrf1) =	vsort.ascd.msk.u32 $0xffff, v0, v0  }
0x63: {  	(xrf1) =	vsort.ascd.msk.u32 $0xffff, v2, v2;
	_ =	sdelay $0x4  }
0x64: {  	v0, _, _ =	vpop (xrf1)  }
0x65: {  	v2, _, _ =	vpop (xrf1)  }
0x66: {  	v5, _, _ =	vpop (xrf1)  }
0x67: {  	v6, _, _ =	vpop (xrf1)  }
0x68: {  	v5 =	vperm.xlane v5, v23;
	v6 =	vperm.xlane v6, v23;
	_ =	sdelay $0x1  }
0x69: {  	vm10 =	vlt.s32 v2, v5;
	v53, _, _ =	vpop (xrf1);
	vm3 =	vlt.s32 v0, v6  }
0x6a: {  	v11 =	vsel vm10, v2, v5;
	v54, _, _ =	vpop (xrf1);
	v10 =	vsel vm3, v0, v6  }
0x6b: {  	v0 =	vsel vm3, v6, v0;
	v12, _, _ =	vpop (xrf1);
	vm3 =	vgt.s32 v10, v11  }
0x6c: {  	v2 =	vsel vm10, v5, v2;
	v6, _, _ =	vpop (xrf1);
	v5 =	vsel vm3, v11, v10;
	v10 =	vsel vm3, v10, v11  }
0x6d: {  	vm3 =	vgt.s32 v0, v2;
	v55 =	vperm.xlane v12, v23;
	v6 =	vperm.xlane v6, v23  }
0x6e: {  	v56 =	vsel vm3, v2, v0;
	v0 =	vsel vm3, v0, v2;
	(xrf1) =	vsort.ascd.msk.u32 $0xffff, v5, v5  }
0x6f: {  	(xrf1) =	vsort.ascd.msk.u32 $0xffff, v10, v10;
	vm10 =	vlt.s32 v54, v55;
	vm3 =	vlt.s32 v53, v6  }
0x70: {  	(xrf1) =	vsort.ascd.msk.u32 $0xffff, v56, v56;
	v5 =	vsel vm10, v54, v55;
	v2 =	vsel vm3, v53, v6  }
0x71: {  	(xrf1) =	vsort.ascd.msk.u32 $0xffff, v0, v0;
	vm11 =	vgt.s32 v2, v5  }
0x72: {  	v0 =	vsel vm3, v6, v53;
	v6 =	vsel vm10, v55, v54;
	v57 =	vsel vm11, v5, v2  }
0x73: {  	vm3 =	vgt.s32 v0, v6;
	v2 =	vsel vm11, v2, v5;
	(xrf1) =	vsort.ascd.msk.u32 $0xffff, v57, v57  }
0x74: {  	v5 =	vsel vm3, v6, v0;
	(xrf1) =	vsort.ascd.msk.u32 $0xffff, v2, v2  }
0x75: {  	v0 =	vsel vm3, v0, v6;
	(xrf1) =	vsort.ascd.msk.u32 $0xffff, v5, v5  }
0x76: {  	(xrf1) =	vsort.ascd.msk.u32 $0xffff, v0, v0;
	_ =	sdelay $0x6  }
0x77: {  	v22, _, _ =	vpop (xrf1)  }
0x78: {  	v25, _, _ =	vpop (xrf1)  }
0x79: {  	v30, _, _ =	vpop (xrf1)  }
0x7a: {  	v24, _, _ =	vpop (xrf1)  }
0x7b: {  	v0, _, _ =	vpop (xrf1)  }
0x7c: {  	v2, _, _ =	vpop (xrf1)  }
0x7d: {  	v27 =	vperm.xlane v0, v23;
	v5, _, _ =	vpop (xrf1)  }
0x7e: {  	v26 =	vperm.xlane v2, v23;
	v6, _, _ =	vpop (xrf1);
	v28 =	vperm.xlane v5, v23  }
0x7f: {  	v0 =	vimm.s32 $0x0;
	vm9 =	vlt.s32 v24, v27;
	v29 =	vperm.xlane v6, v23  }
0x80: {  	vm3 =	vlt.s32 v30, v26;
	v19 =	vsel vm9, v24, v27;
	vm14 =	vlt.s32 v25, v28  }
0x81: {  	v0 =	vsel vm3, $0xFFFFFFFF, v0;
	v18 =	vsel vm3, v30, v26;
	vm15 =	vlt.s32 v22, v29  }
0x82: {  	[tilespmem:$0x1FED0] =	vst v0;
	v0 =	vimm.s32 $0x0;
	v17 =	vsel vm14, v25, v28;
	v15 =	vsel vm15, v22, v29  }
0x83: {  	v0 =	vsel vm9, $0xFFFFFFFF, v0;
	vm3 =	vgt.s32 v17, v19;
	vm11 =	vgt.s32 v15, v18  }
0x84: {  	[tilespmem:$0x1FEE0] =	vst v0;
	v2 =	vsel vm3, v19, v17;
	v0 =	vsel vm11, v18, v15  }
0x85: {  	vm10 =	vgt.s32 v0, v2  }
0x86: {  	v5 =	vsel vm10, v2, v0  }
0x87: {  	(xrf1) =	vsort.ascd.msk.u32 $0xffff, v5, v5;
	_ =	sdelay $0xd  }
0x88: {  	v13, _, _ =	vpop (xrf1)  }
0x89: {  	v10 =	vshra.s32 v13, $0xA  }
0x8a: {  	(v2sf) =	vpush v10, $0xD  }
0x8b: {  	(v2sf) =	vpush v10, $0xC;
	_ =	sdelay $0x2  }
0x8c: {  	(v2sf) =	vpush v10, $0xE;
	_ =	sdelay $0x1  }
0x8d: {  	(v2sf) =	vpush v10, $0xF;
	_ =	sdelay $0x2  }
0x8e: {  	(v2sf) =	vpush v10, $0x9;
	_ =	sdelay $0x1  }
0x8f: {  	(v2sf) =	vpush v10, $0x8;
	_ =	sdelay $0x2  }
0x90: {  	(v2sf) =	vpush v10, $0xA  }
0x91: {  	s21 =	spop (v2sf)  }
0x92: {  	(v2sf) =	vpush v10, $0xB;
	s0 =	smulhi.u32 $0x55555556, s21;
	s1 =	sshra.s32 s21, $0x1F;
	s2 =	spop (v2sf)  }
0x93: {  	[smem:$0x624] =	sst s1;
	s1 =	smul.u32 $0x55555556, s1  }
0x94: {  	[smem:$0x625] =	sst s2;
	s3 =	smulhi.u32 $0x55555556, s2;
	s2 =	sshra.s32 s2, $0x1F  }
0x95: {  	(v2sf) =	vpush v10, $0x1;
	s26 =	spop (v2sf);
	[smem:$0x626] =	sst s2  }
0x96: {  	s4 =	smul.u32 $0x55555556, s2;
	[smem:$0x627] =	sst s26  }
0x97: {  	(v2sf) =	vpush v10, $0x0;
	s5 =	smulhi.u32 $0x55555556, s26;
	s2 =	sshra.s32 s26, $0x1F;
	s28 =	spop (v2sf)  }
0x98: {  	[smem:$0x628] =	sst s2;
	s6 =	smul.u32 $0x55555556, s2  }
0x99: {  	[smem:$0x629] =	sst s28;
	s7 =	smulhi.u32 $0x55555556, s28;
	s2 =	sshra.s32 s28, $0x1F  }
0x9a: {  	(v2sf) =	vpush v10, $0x2;
	s29 =	spop (v2sf);
	[smem:$0x62A] =	sst s2  }
0x9b: {  	s0 =	sadd.s32 s1, s0;
	s9 =	smul.u32 $0x55555556, s2;
	[smem:$0x62B] =	sst s29  }
0x9c: {  	(v2sf) =	vpush v10, $0x3;
	s11 =	smulhi.u32 $0x55555556, s29;
	s2 =	sshra.s32 s29, $0x1F;
	s30 =	spop (v2sf)  }
0x9d: {  	s3 =	sadd.s32 s4, s3;
	[smem:$0x62C] =	sst s2;
	s14 =	smul.u32 $0x55555556, s2  }
0x9e: {  	[smem:$0x62D] =	sst s30;
	s15 =	smulhi.u32 $0x55555556, s30;
	s2 =	sshra.s32 s30, $0x1F  }
0x9f: {  	(v2sf) =	vpush v10, $0x4;
	s31 =	spop (v2sf);
	s6 =	sadd.s32 s6, s5;
	[smem:$0x62E] =	sst s2  }
0xa0: {  	v5 =	vmov s3;
	s3 =	sshrl.u32 s3, $0x1F;
	s17 =	smul.u32 $0x55555556, s2;
	[smem:$0x62F] =	sst s31  }
0xa1: {  	(v2sf) =	vpush v10, $0x5;
	s18 =	smulhi.u32 $0x55555556, s31;
	s2 =	sshra.s32 s31, $0x1F;
	s8 =	spop (v2sf)  }
0xa2: {  	s23 =	sadd.s32 s9, s7;
	[smem:$0x630] =	sst s2;
	s19 =	smul.u32 $0x55555556, s2  }
0xa3: {  	[smem:$0x631] =	sst s8;
	s22 =	smulhi.u32 $0x55555556, s8;
	s2 =	sshra.s32 s8, $0x1F  }
0xa4: {  	v5 =	vsel vm0, s0, v5;
	s0 =	sshrl.u32 s0, $0x1F;
	s13 =	spop (v2sf);
	[smem:$0x632] =	sst s2  }
0xa5: {  	s4 =	sshrl.u32 s6, $0x1F;
	s12 =	smul.u32 $0x55555556, s2;
	[smem:$0x635] =	sst s13  }
0xa6: {  	(v2sf) =	vpush v10, $0x6;
	s16 =	smulhi.u32 $0x55555556, s13;
	s2 =	sshra.s32 s13, $0x1F;
	s24 =	spop (v2sf)  }
0xa7: {  	s11 =	sadd.s32 s14, s11;
	[smem:$0x636] =	sst s2;
	s20 =	smul.u32 $0x55555556, s2  }
0xa8: {  	(v2sf) =	vpush v10, $0x7;
	[smem:$0x633] =	sst s24;
	s25 =	smulhi.u32 $0x55555556, s24;
	s2 =	sshra.s32 s24, $0x1F  }
0xa9: {  	s15 =	sadd.s32 s17, s15;
	s31 =	spop (v2sf);
	[smem:$0x634] =	sst s2  }
0xaa: {  	s18 =	sadd.s32 s19, s18;
	s26 =	smul.u32 $0x55555556, s2;
	[smem:$0x637] =	sst s31  }
0xab: {  	s7 =	smulhi.u32 $0x55555556, s31;
	s2 =	sshra.s32 s31, $0x1F;
	s9 =	spop (v2sf)  }
0xac: {  	s22 =	sadd.s32 s12, s22;
	[smem:$0x638] =	sst s2;
	s8 =	smul.u32 $0x55555556, s2  }
0xad: {  	[smem:$0x639] =	sst s9;
	s12 =	smulhi.u32 $0x55555556, s9;
	s2 =	sshra.s32 s9, $0x1F  }
0xae: {  	s28 =	sadd.s32 s20, s16;
	s29 =	spop (v2sf);
	s30 =	smul.u32 $0x55555556, s2  }
0xaf: {  	[smem:$0x63A] =	sst s2;
	s13 =	smulhi.u32 $0x55555556, s29;
	s16 =	sshra.s32 s29, $0x1F  }
0xb0: {  	s14 =	sadd.s32 s26, s25;
	s26 =	spop (v2sf);
	s31 =	smul.u32 $0x55555556, s16  }
0xb1: {  	v6 =	vmov s3;
	s9 =	sshrl.u32 s11, $0x1F;
	[smem:$0x63B] =	sst s16;
	s20 =	smulhi.u32 $0x55555556, s26  }
0xb2: {  	v6 =	vsel vm0, s0, v6;
	v58 =	vmov s15;
	s24 =	sshra.s32 s26, $0x1F;
	s17 =	sadd.s32 s8, s7;
	s8 =	sshrl.u32 s23, $0x1F  }
0xb3: {  	v5 =	vsel vm1, s6, v5;
	v8 =	vsel vm0, s11, v58;
	v59 =	vmov s14;
	s11 =	sshrl.u32 s14, $0x1F;
	s14 =	sshrl.u32 s28, $0x1F;
	[smem:$0x63C] =	sst s24  }
0xb4: {  	v6 =	vsel vm1, s4, v6;
	v5 =	vsel vm2, s23, v5;
	v8 =	vsel vm1, s18, v8;
	s5 =	smul.u32 $0x55555556, s24;
	s7 =	sadd.s32 s30, s12;
	s12 =	sshrl.u32 s15, $0x1F  }
0xb5: {  	v8 =	vsel vm2, s22, v8;
	v60 =	vmov s11;
	v9 =	vnsel vm12, $0x0, v59;
	s24 =	spop (v2sf);
	s25 =	sadd.s32 s31, s13;
	s13 =	sshrl.u32 s18, $0x1F  }
0xb6: {  	v5 =	vcombine.low v8, v5;
	v9 =	vsel vm0, s28, v9;
	v11 =	vnsel vm12, $0x0, v60;
	s15 =	smulhi.u32 $0x55555556, s24;
	s16 =	sshra.s32 s24, $0x1F;
	s6 =	sadd.s32 s5, s20  }
0xb7: {  	v61 =	vmov s12;
	v11 =	vsel vm0, s14, v11;
	v9 =	vsel vm1, s17, v9;
	s17 =	sshrl.u32 s17, $0x1F;
	s18 =	smul.u32 $0x55555556, s16;
	s20 =	spop (v2sf)  }
0xb8: {  	v6 =	vsel vm2, s8, v6;
	s19 =	sshrl.u32 s7, $0x1F;
	v12 =	vsel vm0, s9, v61;
	v11 =	vsel vm1, s17, v11;
	s23 =	smulhi.u32 $0x55555556, s20;
	s28 =	sshra.s32 s20, $0x1F  }
0xb9: {  	s30 =	sshrl.u32 s22, $0x1F;
	s31 =	sshrl.u32 s25, $0x1F;
	v12 =	vsel vm1, s13, v12;
	v9 =	vsel vm2, s7, v9;
	v11 =	vsel vm2, s19, v11;
	s2 =	smul.u32 $0x55555556, s28  }
0xba: {  	s3 =	sshrl.u32 s6, $0x1F;
	v9 =	vsel vm4, s25, v9;
	s14 =	sadd.s32 s18, s15;
	v12 =	vsel vm2, s30, v12;
	v11 =	vsel vm4, s31, v11  }
0xbb: {  	v9 =	vsel vm5, s6, v9;
	s5 =	sshrl.u32 s14, $0x1F;
	v6 =	vcombine.low v12, v6;
	v11 =	vsel vm5, s3, v11;
	s4 =	sadd.s32 s2, s23  }
0xbc: {  	v5 =	vperm.xlane v5, v3;
	v62 =	vsel vm6, s14, v9;
	v63 =	vsel vm6, s5, v11;
	s6 =	sshrl.u32 s4, $0x1F  }
0xbd: {  	v6 =	vperm.xlane v6, v3;
	v8 =	vsel vm7, s4, v62;
	v9 =	vsel vm7, s6, v63  }
0xbe: {  	v8 =	vperm.xlane v8, v4;
	v9 =	vperm.xlane v9, v4;
	_ =	sdelay $0x1  }
0xbf: {  	v5 =	vsel vm8, v8, v5;
	v6 =	vsel vm8, v9, v6  }
0xc0: {  	v5 =	vadd.s32 v6, v5  }
0xc1: {  	vm13 =	vlt.s32 v1, v10;
	v6 =	vmul.u32 $0xFFFFFFFD, v5  }
0xc2: {  	v16 =	vshra.s32 v13, $0x1F;
	v14 =	vsel vm13, $0x1, v1  }
0xc3: {  	v46 =	vadd.s32 v10, v6;
	v6 =	vadd.s32 v14, v16  }
0xc4: {  	vm13 =	vne.s32 v46, $0x0;
	vm9 =	vne.s32 v6, $0x1;
	v6 =	vimm.s32 $0x0  }
0xc5: {  	v6 =	vsel vm9, $0xFFFFFFFF, v6;
	vm13 =	vmand vm13, vm9  }
0xc6: {  	[tilespmem:$0x1FF30] =	vst v6;
	v6 =	vsel vm13, $0xFFFFFFFF, v1  }
0xc7: {  	[tilespmem:$0x1FF50] =	vst v13;
	v13 =	vadd.s32 v6, v5  }
0xc8: {  	(v2sf) =	vpush v13, $0xD;
	_ =	sdelay $0x1  }
0xc9: {  	(v2sf) =	vpush v13, $0xC;
	_ =	sdelay $0x1  }
0xca: {  	(v2sf) =	vpush v13, $0xE;
	_ =	sdelay $0x1  }
0xcb: {  	(v2sf) =	vpush v13, $0xF  }
0xcc: {  	(v2sf) =	vpush v13, $0x9;
	_ =	sdelay $0x1  }
0xcd: {  	(v2sf) =	vpush v13, $0x8;
	_ =	sdelay $0x1  }
0xce: {  	(v2sf) =	vpush v13, $0xA;
	_ =	sdelay $0x1  }
0xcf: {  	(v2sf) =	vpush v13, $0xB;
	_ =	sdelay $0x1  }
0xd0: {  	v0 =	vsel vm10, v0, v2;
	(v2sf) =	vpush v13, $0x1;
	s7 =	spop (v2sf)  }
0xd1: {  	(xrf1) =	vsort.ascd.msk.u32 $0xffff, v0, v0;
	[smem:$0x63D] =	sst s16;
	s8 =	smulhi.u32 $0x55555556, s7;
	s0 =	sshra.s32 s7, $0x1F  }
0xd2: {  	(v2sf) =	vpush v13, $0x0;
	s9 =	spop (v2sf);
	s0 =	smul.u32 $0x55555556, s0  }
0xd3: {  	[smem:$0x63E] =	sst s28;
	s11 =	smulhi.u32 $0x55555556, s9  }
0xd4: {  	(v2sf) =	vpush v13, $0x2;
	s12 =	spop (v2sf);
	[smem:$0x656] =	sst s8  }
0xd5: {  	s13 =	smulhi.u32 $0x55555556, s12;
	[smem:$0x657] =	sst s0  }
0xd6: {  	(v2sf) =	vpush v13, $0x3;
	s14 =	spop (v2sf);
	[smem:$0x658] =	sst s11  }
0xd7: {  	s0 =	sshra.s32 s9, $0x1F;
	s15 =	smulhi.u32 $0x55555556, s14;
	s16 =	spop (v2sf)  }
0xd8: {  	s0 =	smul.u32 $0x55555556, s0;
	[smem:$0x65A] =	sst s13  }
0xd9: {  	(v2sf) =	vpush v13, $0x4;
	s17 =	smulhi.u32 $0x55555556, s16;
	s18 =	spop (v2sf)  }
0xda: {  	[smem:$0x65C] =	sst s15;
	s19 =	smulhi.u32 $0x55555556, s18  }
0xdb: {  	s22 =	spop (v2sf);
	[smem:$0x659] =	sst s0  }
0xdc: {  	(v2sf) =	vpush v13, $0x5;
	s0 =	sshra.s32 s12, $0x1F;
	[smem:$0x65E] =	sst s17;
	s23 =	smulhi.u32 $0x55555556, s22  }
0xdd: {  	s25 =	spop (v2sf);
	s0 =	smul.u32 $0x55555556, s0  }
0xde: {  	(v2sf) =	vpush v13, $0x6;
	[smem:$0x660] =	sst s19;
	s28 =	smulhi.u32 $0x55555556, s25  }
0xdf: {  	v31, _, _ =	vpop (xrf1);
	s30 =	spop (v2sf);
	[smem:$0x662] =	sst s23  }
0xe0: {  	v11 =	vshra.s32 v31, $0xA;
	(v2sf) =	vpush v13, $0x7;
	s31 =	smulhi.u32 $0x55555556, s30;
	[smem:$0x65B] =	sst s0;
	s0 =	sshra.s32 s14, $0x1F  }
0xe1: {  	(v2sf) =	vpush v11, $0xD;
	s2 =	spop (v2sf);
	s0 =	smul.u32 $0x55555556, s0  }
0xe2: {  	(v2sf) =	vpush v11, $0xC;
	[smem:$0x664] =	sst s28;
	s3 =	smulhi.u32 $0x55555556, s2  }
0xe3: {  	s4 =	spop (v2sf);
	[smem:$0x65D] =	sst s0;
	s0 =	sshra.s32 s16, $0x1F  }
0xe4: {  	[smem:$0x666] =	sst s31;
	s0 =	smul.u32 $0x55555556, s0  }
0xe5: {  	s5 =	smulhi.u32 $0x55555556, s4;
	s6 =	spop (v2sf)  }
0xe6: {  	(v2sf) =	vpush v11, $0xE;
	s7 =	smulhi.u32 $0x55555556, s6;
	[smem:$0x65F] =	sst s0;
	s0 =	sshra.s32 s18, $0x1F  }
0xe7: {  	[smem:$0x668] =	sst s3;
	s0 =	smul.u32 $0x55555556, s0  }
0xe8: {  	(v2sf) =	vpush v11, $0xF;
	s8 =	spop (v2sf);
	[smem:$0x66A] =	sst s5  }
0xe9: {  	s9 =	smulhi.u32 $0x55555556, s8;
	[smem:$0x661] =	sst s0;
	s0 =	sshra.s32 s22, $0x1F  }
0xea: {  	(v2sf) =	vpush v11, $0x9;
	[smem:$0x66C] =	sst s7;
	s0 =	smul.u32 $0x55555556, s0  }
0xeb: {  	[smem:$0x66E] =	sst s9;
	s11 =	spop (v2sf)  }
0xec: {  	s12 =	smulhi.u32 $0x55555556, s11;
	[smem:$0x663] =	sst s0;
	s0 =	sshra.s32 s25, $0x1F  }
0xed: {  	s13 =	spop (v2sf);
	s0 =	smul.u32 $0x55555556, s0  }
0xee: {  	[smem:$0x670] =	sst s12;
	s14 =	smulhi.u32 $0x55555556, s13  }
0xef: {  	s16 =	spop (v2sf);
	[smem:$0x665] =	sst s0;
	s0 =	sshra.s32 s30, $0x1F  }
0xf0: {  	s22 =	spop (v2sf);
	s0 =	smul.u32 $0x55555556, s0  }
0xf1: {  	[smem:$0x672] =	sst s14;
	s15 =	sshra.s32 s22, $0x1F;
	s31 =	spop (v2sf)  }
0xf2: {  	s17 =	smul.u32 $0x55555556, s15;
	[smem:$0x667] =	sst s0;
	s0 =	sshra.s32 s2, $0x1F  }
0xf3: {  	(v2sf) =	vpush v11, $0x8;
	[smem:$0x63F] =	sst s15;
	s1 =	sshra.s32 s31, $0x1F;
	s0 =	smul.u32 $0x55555556, s0  }
0xf4: {  	s30 =	smulhi.u32 $0x55555556, s31;
	[smem:$0x640] =	sst s1  }
0xf5: {  	s18 =	spop (v2sf);
	[smem:$0x669] =	sst s0;
	s0 =	sshra.s32 s4, $0x1F  }
0xf6: {  	[smem:$0x641] =	sst s18;
	s0 =	smul.u32 $0x55555556, s0  }
0xf7: {  	s19 =	smulhi.u32 $0x55555556, s18;
	s5 =	spop (v2sf)  }
0xf8: {  	(v2sf) =	vpush v11, $0xA;
	s2 =	smul.u32 $0x55555556, s1;
	[smem:$0x66B] =	sst s0;
	s0 =	sshra.s32 s6, $0x1F  }
0xf9: {  	s9 =	sshra.s32 s18, $0x1F;
	s18 =	spop (v2sf);
	s0 =	smul.u32 $0x55555556, s0  }
0xfa: {  	(v2sf) =	vpush v11, $0xB;
	[smem:$0x642] =	sst s9;
	s23 =	smulhi.u32 $0x55555556, s18  }
0xfb: {  	[smem:$0x66D] =	sst s0;
	s0 =	sshra.s32 s8, $0x1F;
	s8 =	smulhi.u32 $0x55555556, s22  }
0xfc: {  	(v2sf) =	vpush v11, $0x1;
	[smem:$0x643] =	sst s5;
	s0 =	smul.u32 $0x55555556, s0  }
0xfd: {  	[smem:$0x645] =	sst s18;
	s6 =	smulhi.u32 $0x55555556, s5;
	s8 =	sadd.s32 s17, s8  }
0xfe: {  	s17 =	sadd.s32 s2, s30;
	[smem:$0x66F] =	sst s0;
	s0 =	sshra.s32 s11, $0x1F  }
0xff: {  	s12 =	sshra.s32 s18, $0x1F;
	v0 =	vmov s17;
	s17 =	sshrl.u32 s17, $0x1F;
	s0 =	smul.u32 $0x55555556, s0  }
0x100: {  	(v2sf) =	vpush v11, $0x0;
	[smem:$0x646] =	sst s12;
	v2 =	vmov s17;
	s17 =	smulhi.u32 $0x55555556, s16  }
0x101: {  	s11 =	smul.u32 $0x55555556, s9;
	[smem:$0x671] =	sst s0  }
0x102: {  	(v2sf) =	vpush v11, $0x2;
	s0 =	sshra.s32 s13, $0x1F;
	s13 =	spop (v2sf);
	[smem:$0x674] =	sst s17  }
0x103: {  	s0 =	smul.u32 $0x55555556, s0;
	[smem:$0x647] =	sst s13;
	s25 =	sshra.s32 s13, $0x1F  }
0x104: {  	s18 =	smulhi.u32 $0x55555556, s13;
	[smem:$0x648] =	sst s25  }
0x105: {  	(v2sf) =	vpush v11, $0x3;
	s28 =	smul.u32 $0x55555556, s25;
	[smem:$0x673] =	sst s0;
	s0 =	sshra.s32 s5, $0x1F  }
0x106: {  	[smem:$0x644] =	sst s0;
	s7 =	smul.u32 $0x55555556, s0  }
0x107: {  	s0 =	smul.u32 $0x55555556, s12;
	s12 =	spop (v2sf)  }
0x108: {  	(v2sf) =	vpush v11, $0x4;
	[smem:$0x649] =	sst s12;
	s4 =	smulhi.u32 $0x55555556, s12;
	s1 =	sshra.s32 s12, $0x1F  }
0x109: {  	v0 =	vsel vm0, s8, v0;
	s8 =	sshrl.u32 s8, $0x1F;
	s13 =	spop (v2sf);
	[smem:$0x64A] =	sst s1  }
0x10a: {  	s5 =	sadd.s32 s11, s19;
	s3 =	smul.u32 $0x55555556, s1;
	[smem:$0x64B] =	sst s13  }
0x10b: {  	s14 =	smulhi.u32 $0x55555556, s13;
	s1 =	sshra.s32 s13, $0x1F;
	s30 =	spop (v2sf)  }
0x10c: {  	(v2sf) =	vpush v11, $0x5;
	v0 =	vsel vm1, s5, v0;
	s5 =	sshrl.u32 s5, $0x1F;
	[smem:$0x64C] =	sst s1;
	s25 =	smul.u32 $0x55555556, s1  }
0x10d: {  	v2 =	vsel vm0, s8, v2;
	s6 =	sadd.s32 s7, s6;
	[smem:$0x64E] =	sst s30;
	s1 =	smulhi.u32 $0x55555556, s30  }
0x10e: {  	v2 =	vsel vm1, s5, v2;
	s12 =	sshra.s32 s30, $0x1F;
	v0 =	vsel vm2, s6, v0;
	s5 =	sshrl.u32 s6, $0x1F;
	s6 =	smulhi.u32 $0x38E38E39, s21  }
0x10f: {  	s30 =	spop (v2sf);
	s9 =	smul.u32 $0x55555556, s12  }
0x110: {  	s11 =	sadd.s32 s0, s23;
	[smem:$0x64F] =	sst s12;
	s0 =	smulhi.u32 $0x55555556, s30  }
0x111: {  	s13 =	sshra.s32 s30, $0x1F;
	s12 =	sadd.s32 s28, s18;
	s28 =	spop (v2sf)  }
0x112: {  	s7 =	sadd.s32 s3, s4;
	v2 =	vsel vm2, s5, v2;
	s5 =	sld [smem:$0x627];
	s2 =	smul.u32 $0x55555556, s13  }
0x113: {  	(v2sf) =	vpush v11, $0x6;
	[smem:$0x64D] =	sst s13;
	s3 =	smulhi.u32 $0x55555556, s28;
	s18 =	sshra.s32 s28, $0x1F  }
0x114: {  	s15 =	sadd.s32 s25, s14;
	s25 =	spop (v2sf);
	[smem:$0x677] =	sst s6  }
0x115: {  	(v2sf) =	vpush v11, $0x7;
	s8 =	sshrl.u32 s11, $0x1F;
	s6 =	sld [smem:$0x628];
	s19 =	smul.u32 $0x55555556, s18  }
0x116: {  	v5 =	vmov s12;
	[smem:$0x650] =	sst s18;
	s9 =	sadd.s32 s9, s1;
	s1 =	smulhi.u32 $0x55555556, s25  }
0x117: {  	s13 =	sshra.s32 s25, $0x1F;
	s23 =	spop (v2sf);
	v5 =	vsel vm0, s11, v5;
	s11 =	sshrl.u32 s12, $0x1F  }
0x118: {  	s12 =	sshrl.u32 s7, $0x1F;
	[smem:$0x651] =	sst s13;
	s18 =	smul.u32 $0x55555556, s13  }
0x119: {  	v5 =	vsel vm1, s7, v5;
	s7 =	sld [smem:$0x629];
	s3 =	sadd.s32 s19, s3;
	s19 =	sshra.s32 s23, $0x1F  }
0x11a: {  	s4 =	sadd.s32 s2, s0;
	s2 =	smulhi.u32 $0x55555556, s23;
	[smem:$0x652] =	sst s19  }
0x11b: {  	v6 =	vmov s4;
	s14 =	smul.u32 $0x55555556, s19;
	s19 =	spop (v2sf)  }
0x11c: {  	s4 =	sshrl.u32 s4, $0x1F;
	s13 =	sadd.s32 s18, s1;
	v6 =	vnsel vm12, $0x0, v6;
	s18 =	sshra.s32 s19, $0x1F  }
0x11d: {  	v33 =	vmov s11;
	v32 =	vmov s4;
	v6 =	vsel vm0, s9, v6;
	s2 =	sadd.s32 s14, s2;
	[smem:$0x653] =	sst s18  }
0x11e: {  	v9 =	vsel vm0, s8, v33;
	v8 =	vnsel vm12, $0x0, v32;
	v6 =	vsel vm1, s3, v6;
	s14 =	smul.u32 $0x55555556, s18;
	s18 =	sshra.s32 s16, $0x1F;
	s16 =	sshrl.u32 s9, $0x1F  }
0x11f: {  	v9 =	vsel vm1, s12, v9;
	v6 =	vsel vm2, s13, v6;
	s9 =	sshrl.u32 s13, $0x1F;
	s13 =	sshrl.u32 s15, $0x1F;
	v8 =	vsel vm0, s16, v8;
	s16 =	sld [smem:$0x624]  }
0x120: {  	s3 =	sshrl.u32 s3, $0x1F;
	s1 =	smul.u32 $0x55555556, s18;
	v9 =	vsel vm2, s13, v9;
	s13 =	sld [smem:$0x62E]  }
0x121: {  	s0 =	smulhi.u32 $0x55555556, s19;
	v8 =	vsel vm1, s3, v8;
	s3 =	sld [smem:$0x626]  }
0x122: {  	[smem:$0x675] =	sst s1;
	s18 =	spop (v2sf)  }
0x123: {  	v8 =	vsel vm2, s9, v8;
	s9 =	sld [smem:$0x62B];
	s21 =	sshra.s32 s18, $0x1F  }
0x124: {  	s0 =	sadd.s32 s14, s0;
	s14 =	spop (v2sf);
	[smem:$0x654] =	sst s21  }
0x125: {  	s8 =	smul.u32 $0x55555556, s21;
	s21 =	sld [smem:$0x625]  }
0x126: {  	v6 =	vsel vm4, s2, v6;
	s2 =	sshrl.u32 s2, $0x1F;
	s1 =	smul.u32 $0x38E38E39, s16;
	s16 =	sld [smem:$0x630]  }
0x127: {  	v6 =	vsel vm5, s0, v6;
	s0 =	sshrl.u32 s0, $0x1F;
	v8 =	vsel vm4, s2, v8;
	s2 =	sld [smem:$0x634];
	s12 =	sshra.s32 s14, $0x1F  }
0x128: {  	v8 =	vsel vm5, s0, v8;
	[smem:$0x655] =	sst s12;
	s0 =	smulhi.u32 $0x38E38E39, s21  }
0x129: {  	s17 =	smulhi.u32 $0x55555556, s18;
	[smem:$0x678] =	sst s1  }
0x12a: {  	[smem:$0x67A] =	sst s0;
	s0 =	smul.u32 $0x38E38E39, s3  }
0x12b: {  	v5 =	vsel vm2, s15, v5;
	s15 =	smul.u32 $0x55555556, s12;
	s12 =	sld [smem:$0x62D]  }
0x12c: {  	[smem:$0x67B] =	sst s0;
	s0 =	smulhi.u32 $0x38E38E39, s5  }
0x12d: {  	s11 =	smulhi.u32 $0x55555556, s14;
	s4 =	sadd.s32 s8, s17;
	s8 =	sld [smem:$0x62A]  }
0x12e: {  	[smem:$0x67C] =	sst s0;
	s0 =	smul.u32 $0x38E38E39, s6  }
0x12f: {  	s17 =	sadd.s32 s15, s11;
	s11 =	sld [smem:$0x62C]  }
0x130: {  	[smem:$0x67D] =	sst s0;
	s0 =	smulhi.u32 $0x38E38E39, s7  }
0x131: {  	s15 =	sld [smem:$0x62F]  }
0x132: {  	[smem:$0x67F] =	sst s0;
	s0 =	smul.u32 $0x38E38E39, s8  }
0x133: {  	s21 =	sld [smem:$0x632]  }
0x134: {  	v0 =	vcombine.low v5, v0;
	v5 =	vsel vm6, s4, v6;
	[smem:$0x680] =	sst s0;
	s0 =	smulhi.u32 $0x38E38E39, s9  }
0x135: {  	s1 =	sshrl.u32 s4, $0x1F;
	v5 =	vsel vm7, s17, v5;
	s4 =	sshrl.u32 s17, $0x1F;
	s17 =	sld [smem:$0x631]  }
0x136: {  	v2 =	vcombine.low v9, v2;
	[smem:$0x681] =	sst s0;
	s0 =	smul.u32 $0x38E38E39, s11  }
0x137: {  	v6 =	vsel vm6, s1, v8;
	s1 =	sld [smem:$0x633]  }
0x138: {  	v0 =	vperm.xlane v0, v3;
	v2 =	vperm.xlane v2, v3;
	v6 =	vsel vm7, s4, v6;
	[smem:$0x682] =	sst s0;
	s0 =	smulhi.u32 $0x38E38E39, s12  }
0x139: {  	v5 =	vperm.xlane v5, v4;
	s3 =	sld [smem:$0x635];
	v6 =	vperm.xlane v6, v4  }
0x13a: {  	[smem:$0x684] =	sst s0;
	s0 =	smul.u32 $0x38E38E39, s13  }
0x13b: {  	s4 =	sld [smem:$0x636];
	v0 =	vsel vm8, v5, v0;
	v2 =	vsel vm8, v6, v2  }
0x13c: {  	v0 =	vadd.s32 v2, v0;
	[smem:$0x685] =	sst s0;
	s0 =	smulhi.u32 $0x38E38E39, s15  }
0x13d: {  	vm10 =	vlt.s32 v1, v11;
	s5 =	sld [smem:$0x637];
	v2 =	vmul.u32 $0xFFFFFFFD, v0  }
0x13e: {  	v5 =	vsel vm10, $0x1, v1;
	v6 =	vshra.s32 v31, $0x1F;
	[smem:$0x686] =	sst s0;
	s0 =	smul.u32 $0x38E38E39, s16  }
0x13f: {  	s6 =	sld [smem:$0x638];
	v34 =	vadd.s32 v11, v2;
	v2 =	vadd.s32 v5, v6  }
0x140: {  	vm13 =	vne.s32 v34, $0x0;
	vm10 =	vne.s32 v2, $0x1;
	[smem:$0x687] =	sst s0;
	s0 =	smulhi.u32 $0x38E38E39, s17  }
0x141: {  	s7 =	sld [smem:$0x639];
	vm13 =	vmand vm13, vm10  }
0x142: {  	v2 =	vsel vm13, $0xFFFFFFFF, v1;
	[smem:$0x689] =	sst s0;
	s0 =	smul.u32 $0x38E38E39, s21  }
0x143: {  	s8 =	sld [smem:$0x63A];
	s9 =	smulhi.u32 $0x38E38E39, s29;
	v16 =	vadd.s32 v2, v0  }
0x144: {  	(v2sf) =	vpush v16, $0xD;
	[smem:$0x68A] =	sst s0;
	s0 =	smulhi.u32 $0x38E38E39, s1  }
0x145: {  	[smem:$0x695] =	sst s9  }
0x146: {  	(v2sf) =	vpush v16, $0xC;
	[smem:$0x68B] =	sst s0;
	s0 =	smul.u32 $0x38E38E39, s2  }
0x147: {  	s11 =	sld [smem:$0x63B];
	s12 =	smulhi.u32 $0x38E38E39, s26  }
0x148: {  	(v2sf) =	vpush v16, $0xE;
	[smem:$0x68C] =	sst s0;
	s0 =	smulhi.u32 $0x38E38E39, s3  }
0x149: {  	[smem:$0x698] =	sst s12  }
0x14a: {  	[smem:$0x68E] =	sst s0;
	s0 =	smul.u32 $0x38E38E39, s4  }
0x14b: {  	s13 =	sld [smem:$0x63C];
	s15 =	smulhi.u32 $0x38E38E39, s24  }
0x14c: {  	(v2sf) =	vpush v16, $0xF;
	[smem:$0x68F] =	sst s0;
	s0 =	smulhi.u32 $0x38E38E39, s5  }
0x14d: {  	[smem:$0x69A] =	sst s15  }
0x14e: {  	[smem:$0x690] =	sst s0;
	s0 =	smul.u32 $0x38E38E39, s6  }
0x14f: {  	(v2sf) =	vpush v16, $0x9;
	s16 =	sld [smem:$0x63D]  }
0x150: {  	[smem:$0x691] =	sst s0;
	s0 =	smulhi.u32 $0x38E38E39, s7  }
0x151: {  	(v2sf) =	vpush v16, $0x8;
	s17 =	smulhi.u32 $0x38E38E39, s20;
	s20 =	sld [smem:$0x63E]  }
0x152: {  	[smem:$0x693] =	sst s0;
	s0 =	smul.u32 $0x38E38E39, s8  }
0x153: {  	(v2sf) =	vpush v16, $0xA;
	[smem:$0x69D] =	sst s17;
	s21 =	spop (v2sf)  }
0x154: {  	[smem:$0x694] =	sst s0;
	s0 =	smul.u32 $0x38E38E39, s11  }
0x155: {  	v0 =	vsel vm11, v15, v18;
	v2 =	vsel vm3, v17, v19;
	(v2sf) =	vpush v16, $0xB;
	s24 =	smulhi.u32 $0x55555556, s21;
	s26 =	spop (v2sf)  }
0x156: {  	vm3 =	vgt.s32 v0, v2;
	[smem:$0x696] =	sst s0;
	s0 =	smul.u32 $0x38E38E39, s13  }
0x157: {  	v5 =	vsel vm3, v2, v0;
	s29 =	smulhi.u32 $0x55555556, s26;
	s2 =	spop (v2sf)  }
0x158: {  	(xrf1) =	vsort.ascd.msk.u32 $0xffff, v5, v5;
	(v2sf) =	vpush v16, $0x1;
	[smem:$0x699] =	sst s0;
	s0 =	smul.u32 $0x38E38E39, s16  }
0x159: {  	[smem:$0x69F] =	sst s24;
	s3 =	smulhi.u32 $0x55555556, s2  }
0x15a: {  	(v2sf) =	vpush v16, $0x0;
	[smem:$0x69B] =	sst s0;
	s0 =	smul.u32 $0x38E38E39, s20  }
0x15b: {  	(v2sf) =	vpush v16, $0x2;
	[smem:$0x6A2] =	sst s29;
	s4 =	spop (v2sf)  }
0x15c: {  	s5 =	smulhi.u32 $0x55555556, s4;
	[smem:$0x69E] =	sst s0;
	s0 =	sshra.s32 s21, $0x1F  }
0x15d: {  	(v2sf) =	vpush v16, $0x3;
	[smem:$0x6A4] =	sst s3;
	s0 =	smul.u32 $0x55555556, s0  }
0x15e: {  	(v2sf) =	vpush v16, $0x4;
	[smem:$0x6A7] =	sst s5;
	s6 =	spop (v2sf)  }
0x15f: {  	s7 =	smulhi.u32 $0x55555556, s6;
	[smem:$0x6A0] =	sst s0;
	s0 =	sshra.s32 s26, $0x1F  }
0x160: {  	(v2sf) =	vpush v16, $0x5;
	s8 =	spop (v2sf);
	s0 =	smul.u32 $0x55555556, s0  }
0x161: {  	[smem:$0x6A9] =	sst s7;
	s9 =	smulhi.u32 $0x55555556, s8  }
0x162: {  	s11 =	spop (v2sf);
	[smem:$0x6A3] =	sst s0;
	s0 =	sshra.s32 s2, $0x1F  }
0x163: {  	(v2sf) =	vpush v16, $0x6;
	[smem:$0x6AC] =	sst s9;
	s0 =	smul.u32 $0x55555556, s0  }
0x164: {  	s12 =	smulhi.u32 $0x55555556, s11;
	s13 =	spop (v2sf)  }
0x165: {  	s15 =	smulhi.u32 $0x55555556, s13;
	[smem:$0x6A5] =	sst s0;
	s0 =	sshra.s32 s4, $0x1F  }
0x166: {  	v35, _, _ =	vpop (xrf1);
	[smem:$0x6AE] =	sst s12;
	s0 =	smul.u32 $0x55555556, s0  }
0x167: {  	v17 =	vshra.s32 v35, $0xA;
	(v2sf) =	vpush v16, $0x7;
	s16 =	spop (v2sf);
	[smem:$0x6B1] =	sst s15  }
0x168: {  	(v2sf) =	vpush v17, $0xD;
	s17 =	smulhi.u32 $0x55555556, s16;
	[smem:$0x6A8] =	sst s0;
	s0 =	sshra.s32 s6, $0x1F  }
0x169: {  	s20 =	spop (v2sf);
	s0 =	smul.u32 $0x55555556, s0  }
0x16a: {  	[smem:$0x6B3] =	sst s17;
	s24 =	spop (v2sf)  }
0x16b: {  	(v2sf) =	vpush v17, $0xC;
	s21 =	smulhi.u32 $0x55555556, s20;
	[smem:$0x6AA] =	sst s0;
	s0 =	sshra.s32 s8, $0x1F  }
0x16c: {  	(v2sf) =	vpush v17, $0xE;
	s29 =	spop (v2sf);
	s0 =	smul.u32 $0x55555556, s0  }
0x16d: {  	s3 =	spop (v2sf);
	[smem:$0x6B6] =	sst s21  }
0x16e: {  	s26 =	smulhi.u32 $0x55555556, s24;
	[smem:$0x6AD] =	sst s0;
	s0 =	sshra.s32 s11, $0x1F  }
0x16f: {  	(v2sf) =	vpush v17, $0xF;
	s5 =	spop (v2sf);
	s0 =	smul.u32 $0x55555556, s0  }
0x170: {  	(v2sf) =	vpush v17, $0x9;
	[smem:$0x6B8] =	sst s26;
	s2 =	smulhi.u32 $0x55555556, s29  }
0x171: {  	s4 =	smulhi.u32 $0x55555556, s3;
	[smem:$0x6AF] =	sst s0;
	s0 =	sshra.s32 s13, $0x1F  }
0x172: {  	s7 =	spop (v2sf);
	s0 =	smul.u32 $0x55555556, s0  }
0x173: {  	(v2sf) =	vpush v17, $0x8;
	[smem:$0x6BA] =	sst s2;
	s6 =	smulhi.u32 $0x55555556, s5  }
0x174: {  	s8 =	smulhi.u32 $0x55555556, s7;
	[smem:$0x6B2] =	sst s0;
	s0 =	sshra.s32 s16, $0x1F  }
0x175: {  	[smem:$0x6BC] =	sst s4;
	s0 =	smul.u32 $0x55555556, s0  }
0x176: {  	(v2sf) =	vpush v17, $0xA;
	[smem:$0x6C1] =	sst s8;
	s8 =	spop (v2sf)  }
0x177: {  	s21 =	spop (v2sf);
	[smem:$0x6B4] =	sst s0;
	s0 =	sshra.s32 s20, $0x1F  }
0x178: {  	[smem:$0x6BF] =	sst s6;
	s9 =	sshra.s32 s21, $0x1F;
	s0 =	smul.u32 $0x55555556, s0  }
0x179: {  	[smem:$0x676] =	sst s9  }
0x17a: {  	(v2sf) =	vpush v17, $0xB;
	s26 =	spop (v2sf);
	[smem:$0x6B7] =	sst s0;
	s0 =	sshra.s32 s24, $0x1F  }
0x17b: {  	s24 =	spop (v2sf);
	s0 =	smul.u32 $0x55555556, s0  }
0x17c: {  	[smem:$0x67E] =	sst s24  }
0x17d: {  	(v2sf) =	vpush v17, $0x1;
	[smem:$0x6B9] =	sst s0;
	s0 =	sshra.s32 s29, $0x1F  }
0x17e: {  	s29 =	spop (v2sf);
	s0 =	smul.u32 $0x55555556, s0  }
0x17f: {  	[smem:$0x688] =	sst s29;
	s2 =	spop (v2sf)  }
0x180: {  	s4 =	smulhi.u32 $0x55555556, s21;
	[smem:$0x692] =	sst s2  }
0x181: {  	s11 =	smul.u32 $0x55555556, s9;
	[smem:$0x6BB] =	sst s0;
	s0 =	sshra.s32 s3, $0x1F  }
0x182: {  	(v2sf) =	vpush v17, $0x0;
	s3 =	spop (v2sf);
	s0 =	smul.u32 $0x55555556, s0  }
0x183: {  	s13 =	smulhi.u32 $0x55555556, s26;
	[smem:$0x69C] =	sst s3  }
0x184: {  	s15 =	smulhi.u32 $0x55555556, s24;
	[smem:$0x6BD] =	sst s0;
	s0 =	sshra.s32 s5, $0x1F  }
0x185: {  	s6 =	spop (v2sf);
	s0 =	smul.u32 $0x55555556, s0  }
0x186: {  	(v2sf) =	vpush v17, $0x2;
	s17 =	smulhi.u32 $0x55555556, s29;
	[smem:$0x6A6] =	sst s6  }
0x187: {  	[smem:$0x6C0] =	sst s0;
	s0 =	sshra.s32 s7, $0x1F;
	s7 =	sshra.s32 s26, $0x1F  }
0x188: {  	s0 =	smul.u32 $0x55555556, s0;
	[smem:$0x679] =	sst s7  }
0x189: {  	(v2sf) =	vpush v17, $0x3;
	s12 =	smul.u32 $0x55555556, s7;
	s7 =	spop (v2sf)  }
0x18a: {  	s5 =	smulhi.u32 $0x55555556, s3;
	[smem:$0x6B0] =	sst s7  }
0x18b: {  	s9 =	smulhi.u32 $0x55555556, s7;
	[smem:$0x6C2] =	sst s0;
	s0 =	sshra.s32 s24, $0x1F  }
0x18c: {  	s24 =	smulhi.u32 $0x55555556, s2;
	s13 =	sadd.s32 s12, s13;
	s12 =	spop (v2sf)  }
0x18d: {  	[smem:$0x683] =	sst s0;
	s16 =	smul.u32 $0x55555556, s0;
	s0 =	sshra.s32 s29, $0x1F  }
0x18e: {  	(v2sf) =	vpush v17, $0x4;
	[smem:$0x68D] =	sst s0;
	s20 =	smul.u32 $0x55555556, s0;
	s0 =	sshra.s32 s2, $0x1F  }
0x18f: {  	s4 =	sadd.s32 s11, s4;
	[smem:$0x6C3] =	sst s12;
	s29 =	smul.u32 $0x55555556, s0  }
0x190: {  	[smem:$0x697] =	sst s0;
	s0 =	sshra.s32 s3, $0x1F;
	s3 =	smulhi.u32 $0x55555556, s6  }
0x191: {  	(v2sf) =	vpush v17, $0x5;
	s16 =	sadd.s32 s16, s15;
	s15 =	spop (v2sf);
	[smem:$0x6A1] =	sst s0  }
0x192: {  	s2 =	smul.u32 $0x55555556, s0;
	s0 =	sshra.s32 s6, $0x1F;
	s6 =	sshra.s32 s12, $0x1F  }
0x193: {  	s17 =	sadd.s32 s20, s17;
	[smem:$0x6AB] =	sst s0;
	s1 =	smul.u32 $0x55555556, s0  }
0x194: {  	(v2sf) =	vpush v17, $0x6;
	s0 =	sshra.s32 s7, $0x1F;
	[smem:$0x6C8] =	sst s6;
	s20 =	smul.u32 $0x55555556, s6  }
0x195: {  	v5 =	vmov s13;
	s13 =	sshrl.u32 s13, $0x1F;
	s6 =	spop (v2sf);
	s11 =	smul.u32 $0x55555556, s0  }
0x196: {  	s7 =	sshra.s32 s15, $0x1F;
	[smem:$0x6B5] =	sst s0;
	s0 =	smulhi.u32 $0x55555556, s12  }
0x197: {  	[smem:$0x6BE] =	sst s7;
	s12 =	sadd.s32 s2, s5;
	s5 =	smul.u32 $0x55555556, s7  }
0x198: {  	[smem:$0x6CD] =	sst s6;
	s2 =	spop (v2sf);
	s7 =	sadd.s32 s1, s3  }
0x199: {  	s3 =	smulhi.u32 $0x55555556, s6;
	s6 =	sshra.s32 s6, $0x1F;
	[smem:$0x6D7] =	sst s2  }
0x19a: {  	(v2sf) =	vpush v17, $0x7;
	[smem:$0x6D2] =	sst s6;
	s9 =	sadd.s32 s11, s9;
	s11 =	smul.u32 $0x55555556, s6  }
0x19b: {  	s6 =	sadd.s32 s20, s0;
	s20 =	smulhi.u32 $0x55555556, s2;
	s2 =	sshra.s32 s2, $0x1F  }
0x19c: {  	s24 =	sadd.s32 s29, s24;
	s29 =	smulhi.u32 $0x55555556, s15;
	[smem:$0x6DC] =	sst s2  }
0x19d: {  	v5 =	vsel vm0, s4, v5;
	s4 =	sshrl.u32 s4, $0x1F;
	s1 =	smul.u32 $0x55555556, s2;
	s2 =	spop (v2sf)  }
0x19e: {  	s5 =	sadd.s32 s5, s29;
	[smem:$0x6E1] =	sst s2;
	s0 =	sshra.s32 s2, $0x1F  }
0x19f: {  	s3 =	sadd.s32 s11, s3;
	s11 =	smulhi.u32 $0x55555556, s2;
	[smem:$0x6E6] =	sst s0  }
0x1a0: {  	s20 =	sadd.s32 s1, s20;
	s29 =	smul.u32 $0x55555556, s0;
	s1 =	spop (v2sf)  }
0x1a1: {  	[smem:$0x6EB] =	sst s1;
	s2 =	smulhi.u32 $0x55555556, s1;
	s0 =	sshra.s32 s1, $0x1F  }
0x1a2: {  	[smem:$0x6F0] =	sst s0;
	s11 =	sadd.s32 s29, s11;
	s29 =	smulhi.u32 $0x55555556, s8  }
0x1a3: {  	v6 =	vmov s13;
	s1 =	sshra.s32 s8, $0x1F;
	s8 =	smulhi.u32 $0x38E38E39, s22;
	s22 =	spop (v2sf)  }
0x1a4: {  	v6 =	vsel vm0, s4, v6;
	v5 =	vsel vm1, s16, v5;
	s16 =	sshrl.u32 s16, $0x1F;
	s13 =	smul.u32 $0x55555556, s0;
	[smem:$0x6F5] =	sst s22  }
0x1a5: {  	v6 =	vsel vm1, s16, v6;
	v36 =	vmov s12;
	s16 =	sshrl.u32 s12, $0x1F;
	[smem:$0x6C4] =	sst s29  }
0x1a6: {  	v8 =	vsel vm0, s24, v36;
	s0 =	sadd.s32 s13, s2;
	s29 =	smul.u32 $0x55555556, s1;
	s2 =	sshrl.u32 s17, $0x1F  }
0x1a7: {  	v5 =	vsel vm2, s17, v5;
	v37 =	vmov s5;
	v8 =	vsel vm1, s7, v8;
	[smem:$0x6C6] =	sst s8;
	s17 =	sshrl.u32 s7, $0x1F;
	s7 =	sshra.s32 s22, $0x1F  }
0x1a8: {  	[tilespmem:$0x1FFB0] =	vst v31;
	s4 =	smulhi.u32 $0x38E38E39, s31;
	v14 =	vmov s16;
	v9 =	vnsel vm12, $0x0, v37;
	s13 =	sshrl.u32 s24, $0x1F;
	[smem:$0x6FA] =	sst s7  }
0x1a9: {  	[tilespmem:$0x1FF80] =	vst v34;
	s5 =	sshrl.u32 s5, $0x1F;
	v9 =	vsel vm0, s6, v9;
	v14 =	vsel vm0, s13, v14;
	s13 =	spop (v2sf);
	[smem:$0x6C5] =	sst s29  }
0x1aa: {  	[tilespmem:$0x1FFC0] =	vst v35;
	v38 =	vmov s5;
	v9 =	vsel vm1, s3, v9;
	s16 =	sshrl.u32 s20, $0x1F;
	[smem:$0x6FF] =	sst s13  }
0x1ab: {  	v12 =	vnsel vm12, $0x0, v38;
	v9 =	vsel vm2, s20, v9;
	s24 =	sshrl.u32 s6, $0x1F;
	s20 =	sshra.s32 s13, $0x1F;
	[smem:$0x6C9] =	sst s4  }
0x1ac: {  	s8 =	sshrl.u32 s3, $0x1F;
	v12 =	vsel vm0, s24, v12;
	[smem:$0x702] =	sst s20  }
0x1ad: {  	v12 =	vsel vm1, s8, v12;
	s8 =	sld [smem:$0x641]  }
0x1ae: {  	v8 =	vsel vm2, s9, v8;
	s29 =	smulhi.u32 $0x55555556, s22;
	s22 =	sshrl.u32 s9, $0x1F;
	s9 =	sld [smem:$0x642]  }
0x1af: {  	v9 =	vsel vm4, s11, v9;
	s24 =	sshrl.u32 s11, $0x1F;
	s11 =	sld [smem:$0x643]  }
0x1b0: {  	v14 =	vsel vm1, s17, v14;
	s17 =	smulhi.u32 $0x55555556, s13;
	s13 =	sld [smem:$0x645]  }
0x1b1: {  	v12 =	vsel vm2, s16, v12;
	s16 =	sld [smem:$0x646]  }
0x1b2: {  	s6 =	smul.u32 $0x55555556, s20;
	s20 =	sld [smem:$0x648]  }
0x1b3: {  	v14 =	vsel vm2, s22, v14;
	s22 =	sld [smem:$0x649]  }
0x1b4: {  	s12 =	smul.u32 $0x55555556, s7;
	s31 =	sld [smem:$0x64C]  }
0x1b5: {  	s4 =	sld [smem:$0x64F]  }
0x1b6: {  	s3 =	sadd.s32 s12, s29;
	s29 =	sld [smem:$0x63F]  }
0x1b7: {  	s12 =	sld [smem:$0x644]  }
0x1b8: {  	v12 =	vsel vm4, s24, v12;
	s24 =	sld [smem:$0x64A]  }
0x1b9: {  	v6 =	vsel vm2, s2, v6;
	v9 =	vsel vm5, s0, v9;
	s0 =	sshrl.u32 s0, $0x1F;
	s2 =	sadd.s32 s6, s17;
	s6 =	sld [smem:$0x640]  }
0x1ba: {  	v5 =	vcombine.low v8, v5;
	v12 =	vsel vm5, s0, v12;
	s5 =	sshrl.u32 s3, $0x1F;
	s17 =	sld [smem:$0x647]  }
0x1bb: {  	v6 =	vcombine.low v14, v6;
	v39 =	vsel vm6, s3, v9;
	s3 =	sld [smem:$0x64E];
	v40 =	vsel vm6, s5, v12;
	s5 =	smulhi.u32 $0x38E38E39, s28  }
0x1bc: {  	v8 =	vsel vm7, s2, v39;
	s7 =	sshrl.u32 s2, $0x1F;
	s2 =	sld [smem:$0x64D];
	s1 =	smul.u32 $0x38E38E39, s29  }
0x1bd: {  	v5 =	vperm.xlane v5, v3;
	v6 =	vperm.xlane v6, v3;
	v9 =	vsel vm7, s7, v40;
	s29 =	sld [smem:$0x64B];
	s0 =	smul.u32 $0x38E38E39, s6  }
0x1be: {  	v8 =	vperm.xlane v8, v4;
	v9 =	vperm.xlane v9, v4;
	[smem:$0x6DF] =	sst s5  }
0x1bf: {  	[smem:$0x6CA] =	sst s0;
	s0 =	smulhi.u32 $0x38E38E39, s8  }
0x1c0: {  	s6 =	sld [smem:$0x650];
	v5 =	vsel vm8, v8, v5;
	v6 =	vsel vm8, v9, v6  }
0x1c1: {  	v5 =	vadd.s32 v6, v5;
	[smem:$0x6CB] =	sst s0;
	s0 =	smul.u32 $0x38E38E39, s9  }
0x1c2: {  	vm11 =	vlt.s32 v1, v17;
	s7 =	smulhi.u32 $0x38E38E39, s25;
	[smem:$0x6C7] =	sst s1;
	v6 =	vmul.u32 $0xFFFFFFFD, v5  }
0x1c3: {  	v42 =	vshra.s32 v35, $0x1F;
	v41 =	vsel vm11, $0x1, v1;
	[smem:$0x6CC] =	sst s0;
	s0 =	smulhi.u32 $0x38E38E39, s11  }
0x1c4: {  	[smem:$0x6E2] =	sst s7;
	v43 =	vadd.s32 v17, v6;
	v6 =	vadd.s32 v41, v42  }
0x1c5: {  	vm13 =	vne.s32 v43, $0x0;
	vm11 =	vne.s32 v6, $0x1;
	[smem:$0x6CE] =	sst s0;
	s0 =	smul.u32 $0x38E38E39, s12  }
0x1c6: {  	s1 =	smulhi.u32 $0x38E38E39, s30;
	s8 =	sld [smem:$0x651];
	vm13 =	vmand vm13, vm11  }
0x1c7: {  	v6 =	vsel vm13, $0xFFFFFFFF, v1;
	[smem:$0x6CF] =	sst s0;
	s0 =	smulhi.u32 $0x38E38E39, s13  }
0x1c8: {  	[smem:$0x6DA] =	sst s1;
	s9 =	smulhi.u32 $0x38E38E39, s23;
	v20 =	vadd.s32 v6, v5  }
0x1c9: {  	(v2sf) =	vpush v20, $0xD;
	[smem:$0x6D0] =	sst s0;
	s0 =	smul.u32 $0x38E38E39, s16  }
0x1ca: {  	[smem:$0x6E4] =	sst s9;
	(v2sf) =	vpush v20, $0xC  }
0x1cb: {  	[smem:$0x6D1] =	sst s0;
	s0 =	smulhi.u32 $0x38E38E39, s17  }
0x1cc: {  	s11 =	sld [smem:$0x652]  }
0x1cd: {  	(v2sf) =	vpush v20, $0xE;
	[smem:$0x6D3] =	sst s0;
	s0 =	smul.u32 $0x38E38E39, s20  }
0x1ce: {  	s12 =	smulhi.u32 $0x38E38E39, s19;
	s19 =	sld [smem:$0x655];
	(v2sf) =	vpush v20, $0xF  }
0x1cf: {  	[smem:$0x6D4] =	sst s0;
	s0 =	smulhi.u32 $0x38E38E39, s22  }
0x1d0: {  	[smem:$0x6E7] =	sst s12  }
0x1d1: {  	(v2sf) =	vpush v20, $0x9;
	[smem:$0x6D5] =	sst s0;
	s0 =	smul.u32 $0x38E38E39, s24  }
0x1d2: {  	s13 =	sld [smem:$0x653];
	s16 =	smulhi.u32 $0x38E38E39, s18  }
0x1d3: {  	(v2sf) =	vpush v20, $0x8;
	[smem:$0x6D6] =	sst s0;
	s0 =	smulhi.u32 $0x38E38E39, s29  }
0x1d4: {  	[smem:$0x6E9] =	sst s16  }
0x1d5: {  	[smem:$0x6D8] =	sst s0;
	s0 =	smul.u32 $0x38E38E39, s31  }
0x1d6: {  	s17 =	sld [smem:$0x654];
	(v2sf) =	vpush v20, $0xA  }
0x1d7: {  	s18 =	smulhi.u32 $0x38E38E39, s14;
	(v2sf) =	vpush v20, $0xB;
	[smem:$0x6D9] =	sst s0  }
0x1d8: {  	s0 =	smul.u32 $0x38E38E39, s2;
	s20 =	spop (v2sf)  }
0x1d9: {  	s22 =	smulhi.u32 $0x55555556, s20;
	s23 =	spop (v2sf)  }
0x1da: {  	(v2sf) =	vpush v20, $0x1;
	[smem:$0x6DB] =	sst s0;
	s0 =	smulhi.u32 $0x38E38E39, s3  }
0x1db: {  	[smem:$0x6EC] =	sst s18;
	(v2sf) =	vpush v20, $0x0;
	s24 =	smulhi.u32 $0x55555556, s23  }
0x1dc: {  	s25 =	spop (v2sf);
	[smem:$0x6EE] =	sst s22  }
0x1dd: {  	s28 =	smulhi.u32 $0x55555556, s25;
	s29 =	spop (v2sf)  }
0x1de: {  	(v2sf) =	vpush v20, $0x2;
	[smem:$0x6DD] =	sst s0;
	s0 =	smul.u32 $0x38E38E39, s4  }
0x1df: {  	v0 =	vsel vm3, v0, v2;
	[smem:$0x6F1] =	sst s24;
	s30 =	smulhi.u32 $0x55555556, s29  }
0x1e0: {  	(xrf1) =	vsort.ascd.msk.u32 $0xffff, v0, v0;
	s31 =	spop (v2sf);
	s24 =	sld [smem:$0x656]  }
0x1e1: {  	[smem:$0x6F3] =	sst s28;
	s2 =	smulhi.u32 $0x55555556, s31  }
0x1e2: {  	s3 =	spop (v2sf);
	[smem:$0x6DE] =	sst s0  }
0x1e3: {  	s0 =	smul.u32 $0x38E38E39, s6;
	[smem:$0x6F6] =	sst s30  }
0x1e4: {  	s4 =	smulhi.u32 $0x55555556, s3;
	s30 =	sld [smem:$0x658]  }
0x1e5: {  	(v2sf) =	vpush v20, $0x3;
	s5 =	spop (v2sf);
	[smem:$0x6F8] =	sst s2  }
0x1e6: {  	s6 =	smulhi.u32 $0x55555556, s5;
	s7 =	spop (v2sf)  }
0x1e7: {  	(v2sf) =	vpush v20, $0x4;
	[smem:$0x6E0] =	sst s0;
	s0 =	smul.u32 $0x38E38E39, s8  }
0x1e8: {  	[smem:$0x6FB] =	sst s4;
	s8 =	smulhi.u32 $0x55555556, s7  }
0x1e9: {  	s9 =	spop (v2sf);
	[smem:$0x6FD] =	sst s6  }
0x1ea: {  	(v2sf) =	vpush v20, $0x5;
	s12 =	spop (v2sf);
	s6 =	sld [smem:$0x65B]  }
0x1eb: {  	[smem:$0x6E3] =	sst s0;
	s0 =	smul.u32 $0x38E38E39, s11  }
0x1ec: {  	[smem:$0x700] =	sst s8;
	s11 =	smulhi.u32 $0x55555556, s9  }
0x1ed: {  	s14 =	spop (v2sf);
	s8 =	sld [smem:$0x65C]  }
0x1ee: {  	v44, _, _ =	vpop (xrf1);
	(v2sf) =	vpush v20, $0x6;
	s16 =	smulhi.u32 $0x55555556, s14;
	[smem:$0x6E5] =	sst s0  }
0x1ef: {  	v21 =	vshra.s32 v44, $0xA;
	(v2sf) =	vpush v20, $0x7;
	[smem:$0x703] =	sst s11  }
0x1f0: {  	(v2sf) =	vpush v21, $0xD;
	s0 =	smul.u32 $0x38E38E39, s13;
	[smem:$0x707] =	sst s16  }
0x1f1: {  	s13 =	smulhi.u32 $0x55555556, s12;
	s16 =	sld [smem:$0x660]  }
0x1f2: {  	(v2sf) =	vpush v21, $0xC;
	[smem:$0x6E8] =	sst s0  }
0x1f3: {  	s0 =	smul.u32 $0x38E38E39, s17;
	[smem:$0x705] =	sst s13  }
0x1f4: {  	(v2sf) =	vpush v21, $0xE;
	s17 =	spop (v2sf);
	s13 =	sld [smem:$0x65F]  }
0x1f5: {  	[smem:$0x6EA] =	sst s0;
	s0 =	smul.u32 $0x38E38E39, s19  }
0x1f6: {  	s18 =	smulhi.u32 $0x55555556, s17;
	s19 =	spop (v2sf)  }
0x1f7: {  	(v2sf) =	vpush v21, $0xF;
	[smem:$0x6ED] =	sst s0;
	s0 =	sshra.s32 s20, $0x1F;
	s20 =	smulhi.u32 $0x55555556, s19  }
0x1f8: {  	[smem:$0x709] =	sst s18;
	s0 =	smul.u32 $0x55555556, s0  }
0x1f9: {  	s22 =	spop (v2sf);
	[smem:$0x70B] =	sst s20  }
0x1fa: {  	[smem:$0x6EF] =	sst s0;
	s0 =	sshra.s32 s23, $0x1F;
	s23 =	smulhi.u32 $0x55555556, s22  }
0x1fb: {  	s20 =	sld [smem:$0x663]  }
0x1fc: {  	s0 =	smul.u32 $0x55555556, s0;
	[smem:$0x70D] =	sst s23  }
0x1fd: {  	s28 =	spop (v2sf);
	s23 =	sld [smem:$0x664]  }
0x1fe: {  	s2 =	spop (v2sf);
	[smem:$0x6F2] =	sst s0  }
0x1ff: {  	s4 =	spop (v2sf);
	s0 =	sshra.s32 s25, $0x1F;
	s25 =	sld [smem:$0x657]  }
0x200: {  	[smem:$0x73D] =	sst s4  }
0x201: {  	s11 =	spop (v2sf);
	s0 =	smul.u32 $0x55555556, s0  }
0x202: {  	[smem:$0x73F] =	sst s11  }
0x203: {  	s18 =	spop (v2sf);
	[smem:$0x6F4] =	sst s0;
	s0 =	sshra.s32 s29, $0x1F  }
0x204: {  	[smem:$0x748] =	sst s18;
	s0 =	smul.u32 $0x55555556, s0  }
0x205: {  	s1 =	sadd.s32 s25, s24;
	s24 =	sld [smem:$0x665]  }
0x206: {  	s25 =	spop (v2sf);
	[smem:$0x6F7] =	sst s0;
	s0 =	sshra.s32 s31, $0x1F  }
0x207: {  	[smem:$0x719] =	sst s1;
	s0 =	smul.u32 $0x55555556, s0  }
0x208: {  	[smem:$0x74F] =	sst s25  }
0x209: {  	s29 =	smulhi.u32 $0x55555556, s28;
	[smem:$0x6F9] =	sst s0;
	s0 =	sshra.s32 s3, $0x1F  }
0x20a: {  	s31 =	sld [smem:$0x659];
	s0 =	smul.u32 $0x55555556, s0  }
0x20b: {  	[smem:$0x70F] =	sst s29  }
0x20c: {  	[smem:$0x6FC] =	sst s0;
	s0 =	sshra.s32 s5, $0x1F  }
0x20d: {  	s29 =	sld [smem:$0x667];
	s1 =	sadd.s32 s31, s30;
	s0 =	smul.u32 $0x55555556, s0  }
0x20e: {  	[smem:$0x718] =	sst s1  }
0x20f: {  	s31 =	sshra.s32 s25, $0x1F;
	[smem:$0x6FE] =	sst s0;
	s0 =	sshra.s32 s7, $0x1F  }
0x210: {  	[smem:$0x756] =	sst s31;
	s0 =	smul.u32 $0x55555556, s0  }
0x211: {  	s5 =	sld [smem:$0x65A]  }
0x212: {  	[smem:$0x701] =	sst s0;
	s0 =	sshra.s32 s9, $0x1F  }
0x213: {  	s7 =	sshra.s32 s4, $0x1F;
	s9 =	sld [smem:$0x65D];
	s0 =	smul.u32 $0x55555556, s0  }
0x214: {  	[smem:$0x73E] =	sst s7  }
0x215: {  	[smem:$0x704] =	sst s0;
	s0 =	sshra.s32 s12, $0x1F  }
0x216: {  	s1 =	sadd.s32 s9, s8;
	s12 =	sld [smem:$0x65E];
	s8 =	smulhi.u32 $0x55555556, s25  }
0x217: {  	s25 =	sld [smem:$0x66E];
	s0 =	smul.u32 $0x55555556, s0  }
0x218: {  	s9 =	smul.u32 $0x55555556, s31;
	s31 =	sld [smem:$0x670]  }
0x219: {  	[smem:$0x706] =	sst s0;
	s0 =	sshra.s32 s14, $0x1F  }
0x21a: {  	[smem:$0x71F] =	sst s1;
	s0 =	smul.u32 $0x55555556, s0  }
0x21b: {  	s1 =	smul.u32 $0x55555556, s7;
	s7 =	sld [smem:$0x671]  }
0x21c: {  	[smem:$0x708] =	sst s0;
	s0 =	sshra.s32 s17, $0x1F  }
0x21d: {  	s3 =	sadd.s32 s13, s12;
	s12 =	sld [smem:$0x668];
	s0 =	smul.u32 $0x55555556, s0  }
0x21e: {  	s13 =	sld [smem:$0x669]  }
0x21f: {  	[smem:$0x70A] =	sst s0;
	s0 =	sshra.s32 s19, $0x1F  }
0x220: {  	s14 =	sshra.s32 s11, $0x1F;
	[smem:$0x71D] =	sst s3;
	s0 =	smul.u32 $0x55555556, s0  }
0x221: {  	[smem:$0x743] =	sst s14  }
0x222: {  	[smem:$0x70C] =	sst s0;
	s0 =	sshra.s32 s22, $0x1F  }
0x223: {  	(v2sf) =	vpush v21, $0x9;
	s17 =	sld [smem:$0x661];
	s0 =	smul.u32 $0x55555556, s0  }
0x224: {  	s19 =	sld [smem:$0x662]  }
0x225: {  	s22 =	sshra.s32 s18, $0x1F;
	[smem:$0x70E] =	sst s0;
	s0 =	sshra.s32 s28, $0x1F  }
0x226: {  	(v2sf) =	vpush v21, $0x8;
	[smem:$0x74C] =	sst s22;
	s0 =	smul.u32 $0x55555556, s0  }
0x227: {  	s28 =	sld [smem:$0x666]  }
0x228: {  	[smem:$0x710] =	sst s0  }
0x229: {  	s0 =	sadd.s32 s6, s5;
	s5 =	sadd.s32 s20, s19;
	s20 =	sld [smem:$0x66C]  }
0x22a: {  	s30 =	sadd.s32 s29, s28;
	s28 =	sld [smem:$0x66F]  }
0x22b: {  	[smem:$0x71B] =	sst s0  }
0x22c: {  	s6 =	sadd.s32 s24, s23;
	[smem:$0x720] =	sst s5  }
0x22d: {  	[smem:$0x723] =	sst s6  }
0x22e: {  	[smem:$0x71E] =	sst s30  }
0x22f: {  	s0 =	smulhi.u32 $0x55555556, s4;
	s4 =	sadd.s32 s17, s16;
	s17 =	sld [smem:$0x66A]  }
0x230: {  	(v2sf) =	vpush v21, $0xA;
	s5 =	smulhi.u32 $0x55555556, s18;
	s18 =	sld [smem:$0x66B]  }
0x231: {  	s6 =	smul.u32 $0x55555556, s22;
	s22 =	sld [smem:$0x66D]  }
0x232: {  	s16 =	spop (v2sf);
	[smem:$0x71C] =	sst s4  }
0x233: {  	(v2sf) =	vpush v21, $0xB;
	s4 =	smul.u32 $0x55555556, s14;
	s14 =	sadd.s32 s13, s12;
	[smem:$0x759] =	sst s16  }
0x234: {  	s12 =	sshra.s32 s16, $0x1F;
	[smem:$0x71A] =	sst s14  }
0x235: {  	s24 =	spop (v2sf);
	[smem:$0x75F] =	sst s12  }
0x236: {  	(v2sf) =	vpush v21, $0x1;
	[smem:$0x762] =	sst s24  }
0x237: {  	s13 =	smulhi.u32 $0x55555556, s24;
	s30 =	sshra.s32 s24, $0x1F;
	s24 =	sld [smem:$0x674]  }
0x238: {  	(v2sf) =	vpush v21, $0x0;
	s29 =	sadd.s32 s28, s25;
	s25 =	sld [smem:$0x675]  }
0x239: {  	[smem:$0x724] =	sst s29  }
0x23a: {  	[smem:$0x767] =	sst s30  }
0x23b: {  	(v2sf) =	vpush v21, $0x2;
	s23 =	sadd.s32 s22, s20;
	s20 =	sld [smem:$0x672]  }
0x23c: {  	s3 =	smulhi.u32 $0x55555556, s11;
	s19 =	sadd.s32 s18, s17;
	s22 =	sld [smem:$0x673]  }
0x23d: {  	(v2sf) =	vpush v21, $0x3;
	s11 =	smulhi.u32 $0x55555556, s16;
	[smem:$0x721] =	sst s19  }
0x23e: {  	s12 =	smul.u32 $0x55555556, s12;
	s18 =	sadd.s32 s7, s31;
	[smem:$0x722] =	sst s23  }
0x23f: {  	[smem:$0x725] =	sst s18;
	s19 =	spop (v2sf)  }
0x240: {  	s14 =	smul.u32 $0x55555556, s30;
	[smem:$0x76D] =	sst s19;
	s17 =	sshra.s32 s19, $0x1F  }
0x241: {  	s16 =	smulhi.u32 $0x55555556, s19;
	s28 =	sadd.s32 s25, s24;
	[smem:$0x76F] =	sst s17  }
0x242: {  	s0 =	sadd.s32 s1, s0;
	s29 =	spop (v2sf);
	[smem:$0x727] =	sst s28  }
0x243: {  	s23 =	sadd.s32 s22, s20;
	s17 =	smul.u32 $0x55555556, s17;
	[smem:$0x772] =	sst s29  }
0x244: {  	(v2sf) =	vpush v21, $0x4;
	s1 =	smulhi.u32 $0x55555556, s29;
	s18 =	sshra.s32 s29, $0x1F;
	[smem:$0x726] =	sst s23  }
0x245: {  	s8 =	sadd.s32 s9, s8;
	s31 =	spop (v2sf);
	[smem:$0x775] =	sst s18  }
0x246: {  	s5 =	sadd.s32 s6, s5;
	s30 =	smul.u32 $0x55555556, s18;
	[smem:$0x77B] =	sst s31  }
0x247: {  	s7 =	smulhi.u32 $0x55555556, s31;
	s19 =	sshra.s32 s31, $0x1F;
	s22 =	spop (v2sf)  }
0x248: {  	s3 =	sadd.s32 s4, s3;
	[smem:$0x77E] =	sst s19;
	s20 =	smul.u32 $0x55555556, s19  }
0x249: {  	(v2sf) =	vpush v21, $0x5;
	[smem:$0x776] =	sst s22;
	s23 =	smulhi.u32 $0x55555556, s22;
	s6 =	sshra.s32 s22, $0x1F  }
0x24a: {  	s11 =	sadd.s32 s12, s11;
	s25 =	spop (v2sf);
	[smem:$0x779] =	sst s6  }
0x24b: {  	s13 =	sadd.s32 s14, s13;
	s24 =	smul.u32 $0x55555556, s6;
	[smem:$0x780] =	sst s25  }
0x24c: {  	s16 =	sadd.s32 s17, s16;
	s28 =	smulhi.u32 $0x55555556, s25;
	s31 =	spop (v2sf)  }
0x24d: {  	s29 =	sshra.s32 s25, $0x1F;
	s4 =	sadd.s32 s20, s7;
	s7 =	smulhi.u32 $0x55555556, s31  }
0x24e: {  	[smem:$0x785] =	sst s31;
	s20 =	sshra.s32 s31, $0x1F;
	s31 =	smulhi.u32 $0x55555556, s2  }
0x24f: {  	s6 =	sadd.s32 s30, s1;
	[smem:$0x782] =	sst s29;
	s22 =	smul.u32 $0x55555556, s20  }
0x250: {  	s30 =	smul.u32 $0x55555556, s29;
	[smem:$0x787] =	sst s20;
	s12 =	sadd.s32 s24, s23  }
0x251: {  	[smem:$0x711] =	sst s31;
	s9 =	sadd.s32 s22, s7;
	s22 =	sshrl.u32 s13, $0x1F  }
0x252: {  	v5 =	vmov s13;
	s17 =	sshrl.u32 s5, $0x1F;
	s20 =	sshrl.u32 s11, $0x1F;
	v6 =	vmov s12;
	s13 =	sld [smem:$0x676];
	v47 =	vmov s22  }
0x253: {  	(v2sf) =	vpush v21, $0x6;
	s1 =	sadd.s32 s30, s28;
	v6 =	vnsel vm12, $0x0, v6;
	s23 =	spop (v2sf);
	v9 =	vsel vm0, s20, v47;
	s20 =	sld [smem:$0x679]  }
0x254: {  	v0 =	vmov s3;
	v5 =	vsel vm0, s11, v5;
	v6 =	vsel vm0, s4, v6;
	[smem:$0x78D] =	sst s23;
	s24 =	smulhi.u32 $0x55555556, s23;
	s18 =	sshra.s32 s23, $0x1F  }
0x255: {  	v0 =	vsel vm0, s0, v0;
	v5 =	vsel vm1, s16, v5;
	v6 =	vsel vm1, s1, v6;
	s23 =	sshrl.u32 s16, $0x1F;
	s16 =	smulhi.u32 $0x38E38E39, s26;
	s26 =	sld [smem:$0x67C]  }
0x256: {  	v0 =	vsel vm1, s5, v0;
	v5 =	vsel vm2, s6, v5;
	s5 =	sshrl.u32 s9, $0x1F;
	v6 =	vsel vm2, s9, v6;
	s9 =	sshrl.u32 s6, $0x1F;
	s6 =	sld [smem:$0x685]  }
0x257: {  	s22 =	smul.u32 $0x38E38E39, s13;
	s13 =	sld [smem:$0x68B]  }
0x258: {  	(v2sf) =	vpush v21, $0x7;
	s28 =	spop (v2sf);
	[dreg:$0x1f] =	wrdreg s18  }
0x259: {  	s3 =	sshrl.u32 s3, $0x1F;
	[dreg:$0x1d] =	wrdreg s28  }
0x25a: {  	s0 =	sshrl.u32 s0, $0x1F;
	s29 =	smulhi.u32 $0x55555556, s28;
	v9 =	vsel vm1, s23, v9;
	s23 =	sld [smem:$0x67A]  }
0x25b: {  	v2 =	vmov s3;
	s19 =	sshra.s32 s28, $0x1F;
	s28 =	sshrl.u32 s4, $0x1F;
	s4 =	sld [smem:$0x683]  }
0x25c: {  	v2 =	vsel vm0, s0, v2;
	[dreg:$0x1e] =	wrdreg s19  }
0x25d: {  	v2 =	vsel vm1, s17, v2;
	s25 =	smul.u32 $0x55555556, s18;
	s18 =	sshrl.u32 s8, $0x1F;
	[smem:$0x713] =	sst s16  }
0x25e: {  	s30 =	smul.u32 $0x55555556, s19;
	v2 =	vsel vm2, s18, v2;
	s18 =	sld [smem:$0x677]  }
0x25f: {  	s19 =	smulhi.u32 $0x38E38E39, s21;
	v9 =	vsel vm2, s9, v9;
	s9 =	sld [smem:$0x688]  }
0x260: {  	s16 =	sld [smem:$0x68D]  }
0x261: {  	s7 =	sshra.s32 s2, $0x1F;
	s21 =	sshrl.u32 s12, $0x1F;
	[smem:$0x712] =	sst s19  }
0x262: {  	s14 =	sadd.s32 s25, s24;
	s24 =	spop (v2sf);
	s19 =	sld [smem:$0x678]  }
0x263: {  	s25 =	smul.u32 $0x55555556, s7;
	v45 =	vmov s21;
	s3 =	sadd.s32 s30, s29;
	[smem:$0x799] =	sst s24  }
0x264: {  	v8 =	vnsel vm12, $0x0, v45;
	s29 =	smulhi.u32 $0x55555556, s24;
	s7 =	sshra.s32 s24, $0x1F;
	s24 =	sld [smem:$0x67B]  }
0x265: {  	v6 =	vsel vm4, s14, v6;
	v8 =	vsel vm0, s28, v8;
	s28 =	sld [smem:$0x67D]  }
0x266: {  	s11 =	sshrl.u32 s14, $0x1F;
	v6 =	vsel vm5, s3, v6;
	s14 =	sshrl.u32 s3, $0x1F;
	s3 =	sld [smem:$0x682]  }
0x267: {  	s2 =	spop (v2sf);
	[smem:$0x79A] =	sst s7  }
0x268: {  	s30 =	sshrl.u32 s1, $0x1F;
	[smem:$0x79C] =	sst s2  }
0x269: {  	s31 =	smul.u32 $0x55555556, s7;
	v8 =	vsel vm1, s30, v8;
	s7 =	sshra.s32 s2, $0x1F;
	s30 =	sld [smem:$0x67F]  }
0x26a: {  	[smem:$0x79D] =	sst s7  }
0x26b: {  	v8 =	vsel vm2, s5, v8;
	s5 =	sld [smem:$0x684]  }
0x26c: {  	s12 =	smul.u32 $0x55555556, s7;
	s7 =	sld [smem:$0x686]  }
0x26d: {  	s1 =	sadd.s32 s31, s29;
	s29 =	sld [smem:$0x67E]  }
0x26e: {  	v0 =	vsel vm2, s8, v0;
	s8 =	smulhi.u32 $0x55555556, s2;
	s31 =	sld [smem:$0x680]  }
0x26f: {  	v8 =	vsel vm4, s11, v8;
	s11 =	sld [smem:$0x689]  }
0x270: {  	s2 =	sadd.s32 s12, s8;
	s8 =	sld [smem:$0x687]  }
0x271: {  	s12 =	sld [smem:$0x68A]  }
0x272: {  	v8 =	vsel vm5, s14, v8;
	s14 =	sld [smem:$0x68C]  }
0x273: {  	v0 =	vcombine.low v5, v0;
	v5 =	vsel vm6, s1, v6;
	s17 =	sshrl.u32 s1, $0x1F;
	s1 =	sadd.s32 s19, s18;
	s19 =	sld [smem:$0x68F]  }
0x274: {  	s18 =	smul.u32 $0x38E38E39, s20;
	s20 =	sld [smem:$0x690]  }
0x275: {  	[smem:$0x728] =	sst s1  }
0x276: {  	v5 =	vsel vm7, s2, v5;
	s21 =	sshrl.u32 s2, $0x1F;
	s2 =	sld [smem:$0x681]  }
0x277: {  	v6 =	vsel vm6, s17, v8;
	s17 =	sld [smem:$0x68E]  }
0x278: {  	s1 =	sadd.s32 s24, s23;
	s23 =	sld [smem:$0x692]  }
0x279: {  	s24 =	sld [smem:$0x693]  }
0x27a: {  	[smem:$0x729] =	sst s1  }
0x27b: {  	v6 =	vsel vm7, s21, v6;
	s21 =	sld [smem:$0x691]  }
0x27c: {  	s1 =	sadd.s32 s28, s26;
	s26 =	sld [smem:$0x694]  }
0x27d: {  	s28 =	sld [smem:$0x695]  }
0x27e: {  	s0 =	smulhi.u32 $0x38E38E39, s29;
	s29 =	sld [smem:$0x696]  }
0x27f: {  	[smem:$0x72A] =	sst s1  }
0x280: {  	s1 =	sld [smem:$0x698]  }
0x281: {  	[smem:$0x714] =	sst s0  }
0x282: {  	s0 =	sadd.s32 s31, s30;
	s30 =	sld [smem:$0x697]  }
0x283: {  	[smem:$0x72B] =	sst s0  }
0x284: {  	s0 =	sadd.s32 s3, s2;
	s2 =	sld [smem:$0x699]  }
0x285: {  	s3 =	sld [smem:$0x69A]  }
0x286: {  	[smem:$0x72C] =	sst s0;
	s0 =	smul.u32 $0x38E38E39, s4  }
0x287: {  	s4 =	sld [smem:$0x69B]  }
0x288: {  	[smem:$0x715] =	sst s0  }
0x289: {  	s0 =	sadd.s32 s6, s5;
	s5 =	sld [smem:$0x69C]  }
0x28a: {  	s6 =	sld [smem:$0x69D]  }
0x28b: {  	[smem:$0x72D] =	sst s0  }
0x28c: {  	s0 =	sadd.s32 s8, s7;
	s7 =	sld [smem:$0x69E]  }
0x28d: {  	s8 =	sld [smem:$0x69F]  }
0x28e: {  	[smem:$0x72E] =	sst s0;
	s0 =	smulhi.u32 $0x38E38E39, s9  }
0x28f: {  	s9 =	sld [smem:$0x6A0]  }
0x290: {  	[smem:$0x716] =	sst s0  }
0x291: {  	s0 =	sadd.s32 s12, s11;
	s11 =	sld [smem:$0x6A1]  }
0x292: {  	s12 =	sld [smem:$0x6A2]  }
0x293: {  	[smem:$0x730] =	sst s0  }
0x294: {  	s0 =	sadd.s32 s14, s13;
	s13 =	sld [smem:$0x6A3]  }
0x295: {  	s14 =	sld [smem:$0x6A4]  }
0x296: {  	s31 =	smulhi.u32 $0x38E38E39, s23;
	[smem:$0x72F] =	sst s0  }
0x297: {  	s0 =	smul.u32 $0x38E38E39, s16;
	s16 =	sld [smem:$0x6A5]  }
0x298: {  	s23 =	smul.u32 $0x38E38E39, s11;
	s11 =	sld [smem:$0x6B5]  }
0x299: {  	[smem:$0x717] =	sst s0  }
0x29a: {  	s0 =	sadd.s32 s19, s17;
	s17 =	sld [smem:$0x6A6]  }
0x29b: {  	s19 =	sld [smem:$0x6A7]  }
0x29c: {  	[smem:$0x731] =	sst s0  }
0x29d: {  	s0 =	sadd.s32 s21, s20;
	s20 =	sld [smem:$0x6A8]  }
0x29e: {  	[smem:$0x732] =	sst s0  }
0x29f: {  	s0 =	sadd.s32 s26, s24;
	s26 =	sld [smem:$0x6A9]  }
0x2a0: {  	s24 =	smulhi.u32 $0x38E38E39, s5;
	s5 =	sld [smem:$0x6B0]  }
0x2a1: {  	[smem:$0x733] =	sst s0  }
0x2a2: {  	s0 =	sadd.s32 s29, s28;
	s29 =	sld [smem:$0x6AA]  }
0x2a3: {  	s28 =	smul.u32 $0x38E38E39, s30;
	s30 =	sld [smem:$0x6AB]  }
0x2a4: {  	s21 =	smulhi.u32 $0x38E38E39, s17;
	s17 =	sld [smem:$0x6BA]  }
0x2a5: {  	[smem:$0x734] =	sst s0  }
0x2a6: {  	s0 =	sadd.s32 s2, s1;
	s1 =	sld [smem:$0x6AC]  }
0x2a7: {  	s2 =	sld [smem:$0x6AD]  }
0x2a8: {  	[smem:$0x735] =	sst s0  }
0x2a9: {  	s0 =	sadd.s32 s4, s3;
	s3 =	sld [smem:$0x6AE]  }
0x2aa: {  	s4 =	sld [smem:$0x6AF]  }
0x2ab: {  	[smem:$0x736] =	sst s0  }
0x2ac: {  	s0 =	sadd.s32 s7, s6;
	s6 =	sld [smem:$0x6B1]  }
0x2ad: {  	s7 =	sld [smem:$0x6B2]  }
0x2ae: {  	[smem:$0x737] =	sst s0  }
0x2af: {  	s0 =	sadd.s32 s9, s8;
	s8 =	sld [smem:$0x6B3]  }
0x2b0: {  	s9 =	sld [smem:$0x6B4]  }
0x2b1: {  	[smem:$0x74B] =	sst s0  }
0x2b2: {  	s0 =	sadd.s32 s13, s12;
	s12 =	sld [smem:$0x6B6]  }
0x2b3: {  	s13 =	sld [smem:$0x6B7]  }
0x2b4: {  	[smem:$0x739] =	sst s0  }
0x2b5: {  	s0 =	sadd.s32 s16, s14;
	s14 =	sld [smem:$0x6B8]  }
0x2b6: {  	s16 =	sld [smem:$0x6B9]  }
0x2b7: {  	[smem:$0x750] =	sst s0  }
0x2b8: {  	s0 =	sadd.s32 s20, s19;
	s20 =	smul.u32 $0x38E38E39, s30;
	s30 =	sld [smem:$0x6BB]  }
0x2b9: {  	s19 =	smul.u32 $0x38E38E39, s11;
	s11 =	sld [smem:$0x6C5]  }
0x2ba: {  	[smem:$0x76C] =	sst s0  }
0x2bb: {  	s0 =	sadd.s32 s29, s26;
	s26 =	smulhi.u32 $0x38E38E39, s5;
	s5 =	sld [smem:$0x6C0]  }
0x2bc: {  	s29 =	smulhi.u32 $0x38E38E39, s15;
	s15 =	sld [smem:$0x6C9]  }
0x2bd: {  	[smem:$0x777] =	sst s0  }
0x2be: {  	s0 =	sadd.s32 s2, s1;
	s1 =	sld [smem:$0x6BC]  }
0x2bf: {  	s2 =	sld [smem:$0x6BD]  }
0x2c0: {  	[smem:$0x773] =	sst s0  }
0x2c1: {  	s0 =	sadd.s32 s4, s3;
	s3 =	sld [smem:$0x6BE]  }
0x2c2: {  	s4 =	sld [smem:$0x6BF]  }
0x2c3: {  	[smem:$0x77A] =	sst s0  }
0x2c4: {  	s0 =	sadd.s32 s7, s6;
	s6 =	sld [smem:$0x6C1]  }
0x2c5: {  	s7 =	sld [smem:$0x6C2]  }
0x2c6: {  	[smem:$0x77C] =	sst s0  }
0x2c7: {  	s0 =	sadd.s32 s9, s8;
	s8 =	sld [smem:$0x6C3]  }
0x2c8: {  	s9 =	sld [smem:$0x6C4]  }
0x2c9: {  	[smem:$0x75E] =	sst s0  }
0x2ca: {  	s0 =	sadd.s32 s13, s12;
	s12 =	sld [smem:$0x6C6]  }
0x2cb: {  	s13 =	sld [smem:$0x6C7]  }
0x2cc: {  	[smem:$0x755] =	sst s0  }
0x2cd: {  	s0 =	sadd.s32 s16, s14;
	s14 =	sld [smem:$0x6C8]  }
0x2ce: {  	[smem:$0x76E] =	sst s0  }
0x2cf: {  	s0 =	sadd.s32 s30, s17;
	s30 =	sld [smem:$0x6CA]  }
0x2d0: {  	s17 =	smul.u32 $0x38E38E39, s3;
	s3 =	sld [smem:$0x6CD]  }
0x2d1: {  	s16 =	smulhi.u32 $0x38E38E39, s8;
	s8 =	sld [smem:$0x6D2]  }
0x2d2: {  	[smem:$0x774] =	sst s0  }
0x2d3: {  	s0 =	sadd.s32 s2, s1;
	s1 =	sld [smem:$0x6CB]  }
0x2d4: {  	s2 =	sld [smem:$0x6CC]  }
0x2d5: {  	[smem:$0x778] =	sst s0  }
0x2d6: {  	s0 =	sadd.s32 s5, s4;
	s4 =	sld [smem:$0x6CE]  }
0x2d7: {  	s5 =	sld [smem:$0x6CF]  }
0x2d8: {  	[smem:$0x77D] =	sst s0  }
0x2d9: {  	s0 =	sadd.s32 s7, s6;
	s6 =	sld [smem:$0x6D0]  }
0x2da: {  	s7 =	sld [smem:$0x6D1]  }
0x2db: {  	[smem:$0x77F] =	sst s0  }
0x2dc: {  	s0 =	sadd.s32 s11, s9;
	s9 =	sld [smem:$0x6D3]  }
0x2dd: {  	s11 =	sld [smem:$0x6D4]  }
0x2de: {  	[smem:$0x784] =	sst s0  }
0x2df: {  	s0 =	sadd.s32 s13, s12;
	s12 =	sld [smem:$0x6D5]  }
0x2e0: {  	s13 =	smul.u32 $0x38E38E39, s8;
	s8 =	sld [smem:$0x6DE]  }
0x2e1: {  	[smem:$0x786] =	sst s0  }
0x2e2: {  	s0 =	sadd.s32 s30, s15;
	s30 =	sld [smem:$0x6D6]  }
0x2e3: {  	s15 =	smulhi.u32 $0x38E38E39, s3;
	s3 =	sld [smem:$0x6D9]  }
0x2e4: {  	[smem:$0x781] =	sst s0  }
0x2e5: {  	s0 =	sadd.s32 s2, s1;
	s1 =	sld [smem:$0x6D7]  }
0x2e6: {  	s2 =	sld [smem:$0x6D8]  }
0x2e7: {  	[smem:$0x788] =	sst s0  }
0x2e8: {  	s0 =	sadd.s32 s5, s4;
	s4 =	sld [smem:$0x6DA]  }
0x2e9: {  	s5 =	sld [smem:$0x6DB]  }
0x2ea: {  	[smem:$0x78A] =	sst s0  }
0x2eb: {  	s0 =	sadd.s32 s7, s6;
	s6 =	sld [smem:$0x6DC]  }
0x2ec: {  	s7 =	sld [smem:$0x6DD]  }
0x2ed: {  	[smem:$0x78E] =	sst s0  }
0x2ee: {  	s0 =	sadd.s32 s11, s9;
	s9 =	sld [smem:$0x6DF]  }
0x2ef: {  	[smem:$0x78B] =	sst s0  }
0x2f0: {  	s0 =	sadd.s32 s30, s12;
	s30 =	sld [smem:$0x6E0]  }
0x2f1: {  	s12 =	smulhi.u32 $0x38E38E39, s1;
	s1 =	sld [smem:$0x6E1]  }
0x2f2: {  	[smem:$0x790] =	sst s0  }
0x2f3: {  	s0 =	sadd.s32 s3, s2;
	s2 =	sld [smem:$0x6E2]  }
0x2f4: {  	s3 =	sld [smem:$0x6E3]  }
0x2f5: {  	s11 =	smul.u32 $0x38E38E39, s6;
	s6 =	sld [smem:$0x6E6]  }
0x2f6: {  	[smem:$0x794] =	sst s0  }
0x2f7: {  	s0 =	sadd.s32 s5, s4;
	s4 =	sld [smem:$0x6E4]  }
0x2f8: {  	s5 =	sld [smem:$0x6E5]  }
0x2f9: {  	[smem:$0x783] =	sst s0  }
0x2fa: {  	s0 =	sadd.s32 s8, s7;
	s7 =	sld [smem:$0x6E7]  }
0x2fb: {  	[smem:$0x789] =	sst s0  }
0x2fc: {  	s0 =	sadd.s32 s30, s9;
	s30 =	sld [smem:$0x6E8]  }
0x2fd: {  	s9 =	smulhi.u32 $0x38E38E39, s1;
	s1 =	sld [smem:$0x6E9]  }
0x2fe: {  	s8 =	smul.u32 $0x38E38E39, s6;
	s6 =	sld [smem:$0x6EE]  }
0x2ff: {  	[smem:$0x78C] =	sst s0  }
0x300: {  	s0 =	sadd.s32 s3, s2;
	s2 =	sld [smem:$0x6EA]  }
0x301: {  	s3 =	sld [smem:$0x6EB]  }
0x302: {  	[smem:$0x78F] =	sst s0  }
0x303: {  	s0 =	sadd.s32 s5, s4;
	s4 =	sld [smem:$0x6EC]  }
0x304: {  	s5 =	sld [smem:$0x6ED]  }
0x305: {  	[smem:$0x791] =	sst s0  }
0x306: {  	s0 =	sadd.s32 s30, s7;
	s30 =	sld [smem:$0x6EF]  }
0x307: {  	[smem:$0x793] =	sst s0  }
0x308: {  	s0 =	sadd.s32 s2, s1;
	s2 =	sld [smem:$0x6F0]  }
0x309: {  	s7 =	smulhi.u32 $0x38E38E39, s3;
	s3 =	sld [smem:$0x6F1]  }
0x30a: {  	s1 =	sld [smem:$0x6FA]  }
0x30b: {  	[smem:$0x795] =	sst s0  }
0x30c: {  	s0 =	sadd.s32 s5, s4;
	s4 =	sld [smem:$0x6F2]  }
0x30d: {  	v2 =	vcombine.low v9, v2;
	s5 =	sld [smem:$0x6F3]  }
0x30e: {  	[smem:$0x79B] =	sst s0  }
0x30f: {  	v0 =	vperm.xlane v0, v3;
	v2 =	vperm.xlane v2, v3;
	s0 =	sadd.s32 s30, s6;
	s30 =	sld [smem:$0x6F4]  }
0x310: {  	v5 =	vperm.xlane v5, v4;
	v6 =	vperm.xlane v6, v4;
	[smem:$0x79F] =	sst s0  }
0x311: {  	s6 =	smul.u32 $0x38E38E39, s2;
	s2 =	sld [smem:$0x6F5]  }
0x312: {  	v0 =	vsel vm8, v5, v0;
	v2 =	vsel vm8, v6, v2;
	s0 =	sadd.s32 s4, s3;
	s3 =	sld [smem:$0x6F6]  }
0x313: {  	v0 =	vadd.s32 v2, v0;
	s4 =	sld [smem:$0x6F7]  }
0x314: {  	vm3 =	vlt.s32 v1, v21;
	v2 =	vmul.u32 $0xFFFFFFFD, v0;
	[smem:$0x79E] =	sst s0  }
0x315: {  	v5 =	vsel vm3, $0x1, v1;
	v6 =	vshra.s32 v44, $0x1F;
	s0 =	sadd.s32 s30, s5;
	s5 =	sld [smem:$0x6F8]  }
0x316: {  	v49 =	vadd.s32 v21, v2;
	v2 =	vadd.s32 v5, v6;
	s30 =	sld [smem:$0x6F9]  }
0x317: {  	vm3 =	vne.s32 v49, $0x0;
	vm9 =	vne.s32 v2, $0x1;
	[smem:$0x7A0] =	sst s0;
	s0 =	smulhi.u32 $0x38E38E39, s2  }
0x318: {  	vm3 =	vmand vm3, vm9;
	s2 =	sld [smem:$0x6FB]  }
0x319: {  	v50 =	vsel vm3, $0xFFFFFFFF, v1;
	[smem:$0x741] =	sst s0  }
0x31a: {  	v5 =	vsel vm14, v28, v25;
	v25 =	vadd.s32 v50, v0;
	s0 =	sadd.s32 s4, s3;
	s3 =	sld [smem:$0x6FC]  }
0x31b: {  	(v2sf) =	vpush v25, $0xD;
	s4 =	sld [smem:$0x6FD]  }
0x31c: {  	[smem:$0x7A2] =	sst s0  }
0x31d: {  	s0 =	sadd.s32 s30, s5;
	s5 =	sld [smem:$0x6FE]  }
0x31e: {  	s30 =	sld [smem:$0x6FF]  }
0x31f: {  	[smem:$0x7A3] =	sst s0;
	s0 =	smul.u32 $0x38E38E39, s1  }
0x320: {  	s1 =	sld [smem:$0x700]  }
0x321: {  	[smem:$0x742] =	sst s0  }
0x322: {  	s0 =	sadd.s32 s3, s2;
	s2 =	sld [smem:$0x701]  }
0x323: {  	(v2sf) =	vpush v25, $0xC;
	s3 =	sld [smem:$0x702]  }
0x324: {  	[smem:$0x7A1] =	sst s0  }
0x325: {  	s0 =	sadd.s32 s5, s4;
	s5 =	sld [smem:$0x703]  }
0x326: {  	v2 =	vld [tilespmem:$0x1FED0];
	[smem:$0x7A4] =	sst s0;
	s0 =	smulhi.u32 $0x38E38E39, s30  }
0x327: {  	v6 =	vld [tilespmem:$0x1FEE0];
	s30 =	sld [smem:$0x704]  }
0x328: {  	[smem:$0x744] =	sst s0  }
0x329: {  	(v2sf) =	vpush v25, $0xE;
	s0 =	sadd.s32 s2, s1;
	s2 =	sld [smem:$0x707]  }
0x32a: {  	s4 =	spop (v2sf);
	[smem:$0x7A6] =	sst s0  }
0x32b: {  	vm13 =	vnez.u8 v2;
	s0 =	smul.u32 $0x38E38E39, s3;
	s1 =	sadd.s32 s30, s5;
	s5 =	sld [smem:$0x706]  }
0x32c: {  	v2 =	vsel vm13, v26, v30;
	vm13 =	vnez.u8 v6;
	s3 =	smulhi.u32 $0x55555556, s4;
	[smem:$0x7A7] =	sst s1  }
0x32d: {  	v48 =	vsel vm15, v29, v22;
	v6 =	vsel vm13, v27, v24;
	[smem:$0x745] =	sst s0  }
0x32e: {  	vm13 =	vlt.s32 v48, v2;
	(v2sf) =	vpush v25, $0xF;
	vm14 =	vlt.s32 v5, v6;
	[smem:$0x746] =	sst s3;
	s0 =	sshra.s32 s4, $0x1F  }
0x32f: {  	v2 =	vsel vm13, v48, v2;
	v5 =	vsel vm14, v5, v6;
	s4 =	sld [smem:$0x705];
	s0 =	smul.u32 $0x55555556, s0  }
0x330: {  	(v2sf) =	vpush v25, $0x9;
	vm3 =	vlt.s32 v2, v5;
	s3 =	sld [smem:$0x708]  }
0x331: {  	v0 =	vsel vm3, v2, v5;
	[smem:$0x747] =	sst s0  }
0x332: {  	(v2sf) =	vpush v25, $0x8;
	(xrf1) =	vsort.ascd.msk.u32 $0xffff, v0, v0;
	s30 =	spop (v2sf);
	s1 =	sadd.s32 s5, s4;
	s5 =	sld [smem:$0x709]  }
0x333: {  	s4 =	smulhi.u32 $0x55555556, s30;
	s0 =	sshra.s32 s30, $0x1F;
	s30 =	sld [smem:$0x70A]  }
0x334: {  	[smem:$0x7A5] =	sst s1;
	s1 =	sadd.s32 s3, s2  }
0x335: {  	(v2sf) =	vpush v25, $0xA;
	s0 =	smul.u32 $0x55555556, s0;
	[smem:$0x7A8] =	sst s1  }
0x336: {  	[smem:$0x749] =	sst s4  }
0x337: {  	[smem:$0x74A] =	sst s0  }
0x338: {  	s3 =	spop (v2sf);
	s1 =	sadd.s32 s30, s5;
	s5 =	sld [smem:$0x70B]  }
0x339: {  	(v2sf) =	vpush v25, $0xB;
	s4 =	smulhi.u32 $0x55555556, s3;
	s0 =	sshra.s32 s3, $0x1F;
	s30 =	sld [smem:$0x70C]  }
0x33a: {  	(v2sf) =	vpush v25, $0x1;
	[smem:$0x7A9] =	sst s1;
	s0 =	smul.u32 $0x55555556, s0  }
0x33b: {  	(v2sf) =	vpush v25, $0x0;
	[smem:$0x74D] =	sst s4  }
0x33c: {  	(v2sf) =	vpush v25, $0x2;
	[smem:$0x74E] =	sst s0  }
0x33d: {  	(v2sf) =	vpush v25, $0x3;
	s1 =	spop (v2sf);
	s2 =	sadd.s32 s30, s5;
	s5 =	sld [smem:$0x70D]  }
0x33e: {  	(v2sf) =	vpush v25, $0x4;
	s4 =	smulhi.u32 $0x55555556, s1;
	s30 =	sld [smem:$0x70E]  }
0x33f: {  	(v2sf) =	vpush v25, $0x5;
	s1 =	sshra.s32 s1, $0x1F;
	s0 =	spop (v2sf);
	[smem:$0x7AA] =	sst s2  }
0x340: {  	(v2sf) =	vpush v25, $0x6;
	v51, _, _ =	vpop (xrf1);
	s1 =	smul.u32 $0x55555556, s1;
	[smem:$0x751] =	sst s4  }
0x341: {  	[tilespmem:$0x1FF90] =	vst v43;
	v24 =	vshra.s32 v51, $0xA;
	(v2sf) =	vpush v25, $0x7;
	s2 =	spop (v2sf);
	s4 =	smulhi.u32 $0x55555556, s0  }
0x342: {  	[tilespmem:$0x1FFD0] =	vst v44;
	(v2sf) =	vpush v24, $0xD;
	s0 =	sshra.s32 s0, $0x1F;
	[smem:$0x752] =	sst s1;
	s3 =	sadd.s32 s30, s5  }
0x343: {  	[tilespmem:$0x1FFA0] =	vst v49;
	(v2sf) =	vpush v24, $0xC;
	s0 =	smul.u32 $0x55555556, s0;
	[smem:$0x7AB] =	sst s3  }
0x344: {  	[tilespmem:$0x1FFE0] =	vst v51;
	(v2sf) =	vpush v24, $0xE;
	s3 =	spop (v2sf);
	[smem:$0x753] =	sst s4  }
0x345: {  	s28 =	sadd.s32 s28, s31;
	[smem:$0x754] =	sst s0  }
0x346: {  	s24 =	sadd.s32 s23, s24;
	[smem:$0x7B6] =	sst s28  }
0x347: {  	s7 =	sadd.s32 s6, s7;
	[smem:$0x7B3] =	sst s24  }
0x348: {  	[smem:$0x7BC] =	sst s7  }
0x349: {  	s5 =	sld [smem:$0x70F]  }
0x34a: {  	s28 =	sadd.s32 s20, s21;
	s30 =	sld [smem:$0x710]  }
0x34b: {  	s14 =	smul.u32 $0x38E38E39, s14;
	s24 =	sadd.s32 s19, s26;
	[smem:$0x7B8] =	sst s28  }
0x34c: {  	s26 =	sadd.s32 s17, s29;
	[smem:$0x7BB] =	sst s24  }
0x34d: {  	s29 =	sadd.s32 s14, s16;
	[smem:$0x7AF] =	sst s26  }
0x34e: {  	s17 =	sadd.s32 s13, s15;
	[smem:$0x7B4] =	sst s29  }
0x34f: {  	[smem:$0x7B7] =	sst s17  }
0x350: {  	s7 =	sld [smem:$0x71D]  }
0x351: {  	s26 =	sadd.s32 s11, s12;
	s29 =	sadd.s32 s8, s9;
	s8 =	sld [smem:$0x71E]  }
0x352: {  	[smem:$0x7B9] =	sst s26  }
0x353: {  	s4 =	sadd.s32 s30, s5;
	s30 =	sld [smem:$0x711]  }
0x354: {  	[smem:$0x7AC] =	sst s4;
	s4 =	smulhi.u32 $0x55555556, s2  }
0x355: {  	[smem:$0x7BA] =	sst s29  }
0x356: {  	s1 =	spop (v2sf);
	[smem:$0x757] =	sst s4;
	s4 =	sshra.s32 s2, $0x1F  }
0x357: {  	s0 =	sadd.s32 s25, s30;
	s25 =	smulhi.u32 $0x55555556, s3;
	s30 =	sld [smem:$0x712]  }
0x358: {  	[smem:$0x7AD] =	sst s0;
	s4 =	smul.u32 $0x55555556, s4  }
0x359: {  	s5 =	spop (v2sf);
	[smem:$0x75A] =	sst s25  }
0x35a: {  	s2 =	spop (v2sf);
	s0 =	sshra.s32 s3, $0x1F;
	[smem:$0x758] =	sst s4  }
0x35b: {  	s0 =	smul.u32 $0x55555556, s0;
	s22 =	sadd.s32 s22, s30;
	s30 =	sld [smem:$0x713]  }
0x35c: {  	s25 =	smulhi.u32 $0x55555556, s1;
	[smem:$0x7B1] =	sst s22  }
0x35d: {  	s4 =	spop (v2sf);
	[smem:$0x75B] =	sst s0  }
0x35e: {  	s3 =	spop (v2sf);
	[smem:$0x75C] =	sst s25;
	s0 =	sshra.s32 s1, $0x1F  }
0x35f: {  	(v2sf) =	vpush v24, $0xF;
	s0 =	smul.u32 $0x55555556, s0;
	s18 =	sadd.s32 s18, s30;
	s30 =	sld [smem:$0x715]  }
0x360: {  	s22 =	spop (v2sf);
	[smem:$0x7AE] =	sst s18  }
0x361: {  	[smem:$0x75D] =	sst s0;
	s18 =	smulhi.u32 $0x55555556, s5;
	s0 =	sshra.s32 s5, $0x1F  }
0x362: {  	(v2sf) =	vpush v24, $0x9;
	s5 =	sld [smem:$0x714];
	s0 =	smul.u32 $0x55555556, s0  }
0x363: {  	s1 =	spop (v2sf);
	[smem:$0x760] =	sst s18  }
0x364: {  	(v2sf) =	vpush v24, $0x8;
	s25 =	spop (v2sf);
	[smem:$0x761] =	sst s0  }
0x365: {  	s18 =	spop (v2sf);
	s5 =	sadd.s32 s30, s5;
	s30 =	sld [smem:$0x717]  }
0x366: {  	(v2sf) =	vpush v24, $0xA;
	s0 =	spop (v2sf);
	[smem:$0x7B2] =	sst s5  }
0x367: {  	[dreg:$0x1c] =	wrdreg s0  }
0x368: {  	s5 =	sld [smem:$0x716];
	s31 =	spop (v2sf)  }
0x369: {  	[dreg:$0x1a] =	wrdreg s31;
	s23 =	smulhi.u32 $0x55555556, s31;
	s31 =	sshra.s32 s31, $0x1F  }
0x36a: {  	[dreg:$0x19] =	wrdreg s31  }
0x36b: {  	s20 =	smul.u32 $0x55555556, s31;
	s31 =	spop (v2sf)  }
0x36c: {  	s5 =	sadd.s32 s30, s5;
	s30 =	smulhi.u32 $0x55555556, s0;
	[dreg:$0x18] =	wrdreg s31  }
0x36d: {  	s19 =	smulhi.u32 $0x55555556, s31;
	s21 =	sshra.s32 s31, $0x1F;
	[smem:$0x7B5] =	sst s5  }
0x36e: {  	s28 =	spop (v2sf);
	[dreg:$0x17] =	wrdreg s21  }
0x36f: {  	s5 =	sshra.s32 s0, $0x1F;
	s21 =	smul.u32 $0x55555556, s21;
	[dreg:$0x16] =	wrdreg s28  }
0x370: {  	s14 =	smulhi.u32 $0x55555556, s28;
	s31 =	sshra.s32 s28, $0x1F;
	[dreg:$0x1b] =	wrdreg s5  }
0x371: {  	s24 =	spop (v2sf);
	[dreg:$0x15] =	wrdreg s31  }
0x372: {  	s13 =	smul.u32 $0x55555556, s31;
	[dreg:$0x14] =	wrdreg s24;
	s28 =	sshra.s32 s24, $0x1F  }
0x373: {  	s31 =	spop (v2sf);
	[dreg:$0x13] =	wrdreg s28  }
0x374: {  	(v2sf) =	vpush v24, $0xB;
	s5 =	smul.u32 $0x55555556, s5;
	[dreg:$0x12] =	wrdreg s31;
	s9 =	sshra.s32 s31, $0x1F  }
0x375: {  	s17 =	spop (v2sf);
	[dreg:$0x11] =	wrdreg s9  }
0x376: {  	s12 =	smul.u32 $0x55555556, s28;
	s28 =	sadd.s32 s21, s19;
	[dreg:$0x10] =	wrdreg s17  }
0x377: {  	[smem:$0x73A] =	sst s28  }
0x378: {  	s11 =	smulhi.u32 $0x55555556, s24;
	s15 =	sadd.s32 s5, s30;
	s28 =	sld [smem:$0x719]  }
0x379: {  	s6 =	smulhi.u32 $0x55555556, s31;
	s26 =	sshra.s32 s17, $0x1F;
	[smem:$0x738] =	sst s15  }
0x37a: {  	s24 =	smulhi.u32 $0x55555556, s17;
	[dreg:$0xf] =	wrdreg s26  }
0x37b: {  	s17 =	sadd.s32 s13, s14;
	s15 =	sadd.s32 s20, s23;
	s23 =	sld [smem:$0x718]  }
0x37c: {  	s5 =	smulhi.u32 $0x55555556, s3;
	s13 =	sadd.s32 s12, s11;
	s12 =	sld [smem:$0x720]  }
0x37d: {  	s16 =	smul.u32 $0x55555556, s9;
	[smem:$0x73C] =	sst s13  }
0x37e: {  	[smem:$0x768] =	sst s5  }
0x37f: {  	s20 =	smulhi.u32 $0x55555556, s2;
	s0 =	sadd.s32 s16, s6;
	s13 =	sld [smem:$0x721]  }
0x380: {  	s29 =	smul.u32 $0x55555556, s26;
	s2 =	sshra.s32 s2, $0x1F;
	[smem:$0x73B] =	sst s0  }
0x381: {  	s21 =	smul.u32 $0x55555556, s2;
	[smem:$0x763] =	sst s20  }
0x382: {  	s14 =	sadd.s32 s29, s24;
	s24 =	smulhi.u32 $0x55555556, s4;
	s29 =	sld [smem:$0x71A]  }
0x383: {  	s30 =	spop (v2sf);
	[smem:$0x764] =	sst s21  }
0x384: {  	[dreg:$0xe] =	wrdreg s30  }
0x385: {  	[smem:$0x765] =	sst s24  }
0x386: {  	s31 =	smulhi.u32 $0x55555556, s30;
	s9 =	sshra.s32 s30, $0x1F;
	s30 =	sld [smem:$0x71B]  }
0x387: {  	s24 =	smulhi.u32 $0x55555556, s22;
	[dreg:$0xd] =	wrdreg s9  }
0x388: {  	s19 =	smul.u32 $0x55555556, s9;
	s9 =	sld [smem:$0x71F]  }
0x389: {  	v2 =	vmov s29;
	s16 =	sshrl.u32 s29, $0x1F;
	s29 =	sld [smem:$0x722]  }
0x38a: {  	[smem:$0x76A] =	sst s24  }
0x38b: {  	s26 =	sshra.s32 s4, $0x1F;
	v0 =	vmov s23;
	s24 =	sld [smem:$0x730]  }
0x38c: {  	s6 =	sshra.s32 s3, $0x1F;
	v0 =	vsel vm0, s28, v0;
	v2 =	vnsel vm12, $0x0, v2;
	s0 =	sadd.s32 s19, s31;
	s31 =	sld [smem:$0x71C]  }
0x38d: {  	s19 =	sshrl.u32 s30, $0x1F;
	v0 =	vsel vm1, s30, v0;
	v2 =	vsel vm0, s8, v2;
	s30 =	sshrl.u32 s8, $0x1F;
	s8 =	sld [smem:$0x725]  }
0x38e: {  	s11 =	sshrl.u32 s28, $0x1F;
	[smem:$0x740] =	sst s0;
	s0 =	smul.u32 $0x55555556, s26;
	v2 =	vsel vm1, s13, v2  }
0x38f: {  	s20 =	sshrl.u32 s9, $0x1F;
	v40 =	vsel vm2, s9, v0;
	s9 =	sshrl.u32 s29, $0x1F;
	v2 =	vsel vm2, s29, v2;
	s29 =	sld [smem:$0x728]  }
0x390: {  	(v2sf) =	vpush v24, $0x1;
	s28 =	sshra.s32 s22, $0x1F;
	[smem:$0x766] =	sst s0;
	s0 =	smul.u32 $0x55555556, s6  }
0x391: {  	s4 =	sshrl.u32 s31, $0x1F;
	v5 =	vmov s31;
	s31 =	smul.u32 $0x55555556, s28;
	s6 =	sld [smem:$0x724]  }
0x392: {  	[smem:$0x769] =	sst s0  }
0x393: {  	[smem:$0x76B] =	sst s31  }
0x394: {  	(v2sf) =	vpush v24, $0x0;
	v5 =	vsel vm0, s7, v5;
	s0 =	sld [smem:$0x723]  }
0x395: {  	(v2sf) =	vpush v24, $0x2;
	s3 =	sshrl.u32 s7, $0x1F;
	s7 =	smulhi.u32 $0x55555556, s1;
	v0 =	vsel vm1, s12, v5;
	v5 =	vmov s16;
	s16 =	sld [smem:$0x726]  }
0x396: {  	s1 =	sshra.s32 s1, $0x1F;
	s31 =	sld [smem:$0x727]  }
0x397: {  	s26 =	sshrl.u32 s13, $0x1F;
	s13 =	smul.u32 $0x55555556, s1;
	[smem:$0x770] =	sst s7  }
0x398: {  	s7 =	sld [smem:$0x72D]  }
0x399: {  	s2 =	sshrl.u32 s23, $0x1F;
	[smem:$0x771] =	sst s13  }
0x39a: {  	s23 =	sshrl.u32 s12, $0x1F;
	s12 =	sshrl.u32 s6, $0x1F;
	s13 =	sld [smem:$0x72E];
	v41 =	vsel vm2, s0, v0;
	v0 =	vsel vm4, s6, v2;
	v2 =	vnsel vm12, $0x0, v5  }
0x39b: {  	(v2sf) =	vpush v24, $0x3;
	s22 =	sshrl.u32 s0, $0x1F;
	s6 =	sld [smem:$0x729];
	v2 =	vsel vm0, s30, v2;
	v0 =	vsel vm5, s8, v0;
	s30 =	sshra.s32 s25, $0x1F  }
0x39c: {  	v6 =	vmov s4;
	s0 =	sshrl.u32 s16, $0x1F;
	v2 =	vsel vm1, s26, v2;
	v0 =	vsel vm6, s16, v0;
	s16 =	smul.u32 $0x55555556, s30;
	s30 =	sld [smem:$0x72B]  }
0x39d: {  	v5 =	vmov s2;
	s5 =	sshrl.u32 s31, $0x1F;
	v2 =	vsel vm2, s9, v2;
	v43 =	vsel vm7, s31, v0;
	s31 =	sld [smem:$0x72C]  }
0x39e: {  	s21 =	smulhi.u32 $0x55555556, s25;
	s26 =	sshrl.u32 s8, $0x1F;
	v0 =	vsel vm0, s11, v5;
	v5 =	vsel vm0, s3, v6;
	s3 =	sld [smem:$0x72F];
	v2 =	vsel vm4, s12, v2  }
0x39f: {  	(v2sf) =	vpush v24, $0x4;
	s11 =	sshrl.u32 s29, $0x1F;
	s9 =	spop (v2sf);
	s12 =	sld [smem:$0x72A];
	v0 =	vsel vm1, s19, v0;
	v2 =	vsel vm5, s26, v2  }
0x3a0: {  	s28 =	sshrl.u32 s6, $0x1F;
	v5 =	vsel vm1, s23, v5;
	s23 =	sshrl.u32 s7, $0x1F;
	[smem:$0x7F0] =	sst s9;
	v42 =	vsel vm2, s20, v0;
	v0 =	vsel vm6, s0, v2  }
0x3a1: {  	s25 =	sshra.s32 s9, $0x1F;
	s1 =	sshrl.u32 s30, $0x1F;
	v44 =	vsel vm7, s5, v0;
	s5 =	sld [smem:$0x731]  }
0x3a2: {  	s20 =	sshrl.u32 s13, $0x1F;
	s8 =	sshrl.u32 s3, $0x1F;
	s0 =	sld [smem:$0x732]  }
0x3a3: {  	v45 =	vsel vm2, s22, v5;
	[smem:$0x7F1] =	sst s25;
	v2 =	vmov s28;
	s28 =	spop (v2sf);
	s4 =	sshrl.u32 s12, $0x1F;
	v5 =	vmov s8  }
0x3a4: {  	v0 =	vsel vm0, s11, v2;
	[smem:$0x7ED] =	sst s28;
	s2 =	spop (v2sf);
	v2 =	vnsel vm12, $0x0, v5;
	s26 =	sshrl.u32 s5, $0x1F  }
0x3a5: {  	s22 =	smulhi.u32 $0x55555556, s9;
	v0 =	vsel vm1, s4, v0;
	[smem:$0x7F2] =	sst s2;
	s4 =	sshrl.u32 s0, $0x1F;
	v2 =	vsel vm0, s26, v2  }
0x3a6: {  	(v2sf) =	vpush v24, $0x5;
	s25 =	smul.u32 $0x55555556, s25;
	s19 =	sshrl.u32 s31, $0x1F;
	v0 =	vsel vm2, s1, v0;
	v2 =	vsel vm1, s4, v2;
	s4 =	sld [smem:$0x733]  }
0x3a7: {  	s11 =	smulhi.u32 $0x55555556, s28;
	s9 =	sshra.s32 s28, $0x1F;
	v5 =	vmov s3;
	s3 =	sld [smem:$0x734];
	[tilespmem:$0x1FEF0] =	vst v0;
	v0 =	vmov s23  }
0x3a8: {  	s28 =	sshra.s32 s2, $0x1F;
	v0 =	vsel vm0, s19, v0;
	s19 =	smulhi.u32 $0x55555556, s2;
	s2 =	sld [smem:$0x735]  }
0x3a9: {  	s8 =	sshrl.u32 s24, $0x1F;
	[smem:$0x7F3] =	sst s28;
	s26 =	sshrl.u32 s4, $0x1F  }
0x3aa: {  	v0 =	vsel vm1, s20, v0;
	s20 =	smul.u32 $0x55555556, s28;
	s28 =	sld [smem:$0x736];
	v2 =	vsel vm2, s26, v2;
	s26 =	sshrl.u32 s3, $0x1F  }
0x3ab: {  	[smem:$0x7EF] =	sst s9;
	v5 =	vnsel vm12, $0x0, v5;
	v0 =	vsel vm2, s8, v0;
	s23 =	sshrl.u32 s2, $0x1F;
	v2 =	vsel vm4, s26, v2;
	s26 =	spop (v2sf)  }
0x3ac: {  	s9 =	smul.u32 $0x55555556, s9;
	[tilespmem:$0x1FF00] =	vst v0;
	[smem:$0x7F4] =	sst s26;
	v0 =	vsel vm5, s23, v2;
	v2 =	vsel vm0, s5, v5  }
0x3ad: {  	(v2sf) =	vpush v24, $0x6;
	s8 =	sshrl.u32 s28, $0x1F;
	s23 =	sshra.s32 s26, $0x1F;
	v2 =	vsel vm1, s0, v2;
	s0 =	sld [smem:$0x737]  }
0x3ae: {  	[smem:$0x7F5] =	sst s23;
	v0 =	vsel vm6, s8, v0;
	s8 =	spop (v2sf)  }
0x3af: {  	v2 =	vsel vm2, s4, v2;
	s4 =	sadd.s32 s9, s11;
	s11 =	smulhi.u32 $0x55555556, s18;
	s18 =	sshra.s32 s18, $0x1F  }
0x3b0: {  	v5 =	vmov s6;
	[smem:$0x7F6] =	sst s8;
	v2 =	vsel vm4, s3, v2;
	s3 =	smul.u32 $0x55555556, s18;
	s6 =	sshrl.u32 s0, $0x1F  }
0x3b1: {  	s18 =	sld [smem:$0x73C];
	v0 =	vsel vm7, s6, v0;
	s6 =	smulhi.u32 $0x55555556, s8;
	s8 =	sshra.s32 s8, $0x1F  }
0x3b2: {  	(v2sf) =	vpush v24, $0x7;
	v53 =	vmov s4;
	[smem:$0x7F7] =	sst s8  }
0x3b3: {  	s1 =	sadd.s32 s25, s22;
	s5 =	smulhi.u32 $0x55555556, s26;
	v9 =	vnsel vm12, $0x0, v53;
	[tilespmem:$0x1FF10] =	vst v0;
	v0 =	vsel vm0, s29, v5;
	s29 =	sld [smem:$0x738]  }
0x3b4: {  	s19 =	sadd.s32 s20, s19;
	s23 =	smul.u32 $0x55555556, s23;
	v9 =	vsel vm0, s1, v9;
	v5 =	vmov s7;
	s7 =	sld [smem:$0x73B]  }
0x3b5: {  	v2 =	vsel vm5, s2, v2;
	s2 =	sshrl.u32 s19, $0x1F;
	v9 =	vsel vm1, s19, v9;
	s19 =	sld [smem:$0x73F];
	v0 =	vsel vm1, s12, v0;
	s12 =	spop (v2sf)  }
0x3b6: {  	s9 =	smul.u32 $0x55555556, s8;
	[smem:$0x7F8] =	sst s12  }
0x3b7: {  	v28 =	vsel vm2, s30, v0;
	s26 =	smulhi.u32 $0x55555556, s12;
	s30 =	sld [smem:$0x739]  }
0x3b8: {  	v0 =	vsel vm0, s31, v5;
	s25 =	sshra.s32 s12, $0x1F;
	s22 =	sadd.s32 s9, s6;
	s9 =	sld [smem:$0x73D]  }
0x3b9: {  	v2 =	vsel vm6, s28, v2;
	s6 =	sshrl.u32 s15, $0x1F;
	[smem:$0x7FB] =	sst s25;
	v0 =	vsel vm1, s13, v0;
	s28 =	smul.u32 $0x55555556, s25  }
0x3ba: {  	v6 =	vmov s6;
	s8 =	sshrl.u32 s29, $0x1F;
	s25 =	sshrl.u32 s4, $0x1F;
	v19 =	vsel vm2, s24, v0;
	v0 =	vsel vm7, s0, v2;
	s0 =	sld [smem:$0x73A]  }
0x3bb: {  	s23 =	sadd.s32 s23, s5;
	v6 =	vsel vm0, s8, v6;
	v54 =	vmov s25;
	s8 =	smulhi.u32 $0x38E38E39, s19;
	s25 =	sld [smem:$0x742]  }
0x3bc: {  	v9 =	vsel vm2, s23, v9;
	s19 =	sld [smem:$0x74F];
	s20 =	sadd.s32 s28, s26;
	s26 =	spop (v2sf)  }
0x3bd: {  	v52 =	vmov s7;
	v9 =	vsel vm4, s22, v9;
	s24 =	sshrl.u32 s18, $0x1F;
	s31 =	sshrl.u32 s30, $0x1F;
	[smem:$0x7FC] =	sst s26  }
0x3be: {  	v5 =	vmov s15;
	v8 =	vsel vm0, s18, v52;
	s28 =	sshrl.u32 s7, $0x1F;
	v9 =	vsel vm5, s20, v9;
	s18 =	sshrl.u32 s20, $0x1F;
	s20 =	sld [smem:$0x740]  }
0x3bf: {  	[tilespmem:$0x1FF20] =	vst v0;
	v0 =	vsel vm0, s29, v5;
	v2 =	vmov s30;
	s29 =	smulhi.u32 $0x55555556, s26;
	s30 =	sshra.s32 s26, $0x1F;
	s26 =	sld [smem:$0x743]  }
0x3c0: {  	s1 =	sshrl.u32 s1, $0x1F;
	v12 =	vnsel vm12, $0x0, v54;
	v55 =	vmov s28;
	[smem:$0x7FD] =	sst s30  }
0x3c1: {  	v12 =	vsel vm0, s1, v12;
	v0 =	vsel vm1, s0, v0;
	s12 =	sshrl.u32 s0, $0x1F;
	s0 =	spop (v2sf);
	v14 =	vsel vm0, s24, v55;
	s24 =	sld [smem:$0x741]  }
0x3c2: {  	v12 =	vsel vm1, s2, v12;
	s2 =	smulhi.u32 $0x38E38E39, s9;
	s9 =	sld [smem:$0x749]  }
0x3c3: {  	[smem:$0x7F9] =	sst s0  }
0x3c4: {  	s13 =	sshrl.u32 s17, $0x1F;
	s6 =	sshrl.u32 s23, $0x1F;
	v0 =	vsel vm2, s17, v0;
	s17 =	sld [smem:$0x73E]  }
0x3c5: {  	v8 =	vsel vm1, s14, v8;
	s14 =	sshrl.u32 s14, $0x1F;
	v12 =	vsel vm2, s6, v12;
	s6 =	sld [smem:$0x747]  }
0x3c6: {  	v5 =	vmov s31;
	s31 =	smul.u32 $0x55555556, s30;
	s5 =	sshra.s32 s0, $0x1F;
	v14 =	vsel vm1, s14, v14;
	s14 =	sld [smem:$0x74C]  }
0x3c7: {  	[smem:$0x7FA] =	sst s5  }
0x3c8: {  	v6 =	vsel vm1, s12, v6;
	s12 =	sadd.s32 s31, s29;
	s29 =	sld [smem:$0x744]  }
0x3c9: {  	s31 =	sld [smem:$0x745]  }
0x3ca: {  	s7 =	smul.u32 $0x55555556, s5;
	s5 =	sld [smem:$0x746]  }
0x3cb: {  	s15 =	sshrl.u32 s22, $0x1F;
	s30 =	smul.u32 $0x38E38E39, s26;
	s26 =	sld [smem:$0x753]  }
0x3cc: {  	v8 =	vsel vm2, s20, v8;
	s22 =	sshrl.u32 s20, $0x1F;
	s20 =	smulhi.u32 $0x38E38E39, s19;
	s19 =	sld [smem:$0x75D]  }
0x3cd: {  	v12 =	vsel vm4, s15, v12;
	v9 =	vsel vm6, s12, v9;
	s23 =	sshrl.u32 s12, $0x1F;
	s12 =	sld [smem:$0x74A]  }
0x3ce: {  	v12 =	vsel vm5, s18, v12;
	s18 =	sld [smem:$0x74E]  }
0x3cf: {  	v14 =	vsel vm2, s22, v14;
	s22 =	sld [smem:$0x750]  }
0x3d0: {  	s4 =	smulhi.u32 $0x55555556, s0;
	s0 =	sadd.s32 s25, s24;
	s24 =	sld [smem:$0x751]  }
0x3d1: {  	s25 =	sld [smem:$0x752]  }
0x3d2: {  	[smem:$0x7BD] =	sst s0  }
0x3d3: {  	v6 =	vsel vm2, s13, v6;
	s13 =	sadd.s32 s7, s4;
	s7 =	sld [smem:$0x748]  }
0x3d4: {  	s15 =	smul.u32 $0x38E38E39, s17;
	s17 =	sld [smem:$0x74D]  }
0x3d5: {  	[smem:$0x792] =	sst s20  }
0x3d6: {  	s4 =	sld [smem:$0x758]  }
0x3d7: {  	s20 =	sld [smem:$0x75E]  }
0x3d8: {  	s28 =	sshrl.u32 s13, $0x1F;
	v56 =	vsel vm7, s13, v9;
	s13 =	sld [smem:$0x74B]  }
0x3d9: {  	s0 =	sadd.s32 s31, s29;
	s31 =	sld [smem:$0x755]  }
0x3da: {  	v12 =	vsel vm6, s23, v12;
	[smem:$0x7C0] =	sst s0  }
0x3db: {  	v57 =	vsel vm7, s28, v12;
	s28 =	sld [smem:$0x754]  }
0x3dc: {  	s0 =	sadd.s32 s6, s5;
	s6 =	sld [smem:$0x765]  }
0x3dd: {  	[smem:$0x7C2] =	sst s0  }
0x3de: {  	s29 =	smulhi.u32 $0x38E38E39, s7;
	s0 =	sadd.s32 s12, s9;
	s7 =	sld [smem:$0x759]  }
0x3df: {  	[smem:$0x7C1] =	sst s0  }
0x3e0: {  	v2 =	vsel vm0, s13, v2;
	s1 =	sshrl.u32 s13, $0x1F;
	s13 =	sld [smem:$0x75A]  }
0x3e1: {  	s0 =	sadd.s32 s18, s17;
	s17 =	sld [smem:$0x75B]  }
0x3e2: {  	s18 =	sld [smem:$0x75C]  }
0x3e3: {  	[smem:$0x7C3] =	sst s0  }
0x3e4: {  	v5 =	vsel vm0, s1, v5;
	s1 =	sld [smem:$0x757]  }
0x3e5: {  	s23 =	sshrl.u32 s22, $0x1F;
	v2 =	vsel vm1, s22, v2;
	s22 =	sld [smem:$0x75F]  }
0x3e6: {  	s0 =	sadd.s32 s25, s24;
	s24 =	sld [smem:$0x760]  }
0x3e7: {  	s5 =	sshrl.u32 s31, $0x1F;
	s25 =	sld [smem:$0x761]  }
0x3e8: {  	v59 =	vmov s5;
	s5 =	sld [smem:$0x764]  }
0x3e9: {  	[smem:$0x7C4] =	sst s0  }
0x3ea: {  	v58 =	vmov s31;
	s0 =	sadd.s32 s28, s26;
	s28 =	sld [smem:$0x762]  }
0x3eb: {  	v12 =	vnsel vm12, $0x0, v58;
	s9 =	smulhi.u32 $0x38E38E39, s7;
	s7 =	sld [smem:$0x766]  }
0x3ec: {  	v60 =	vsel vm0, s20, v12;
	s26 =	sshrl.u32 s20, $0x1F;
	s20 =	sld [smem:$0x76C]  }
0x3ed: {  	[smem:$0x7C7] =	sst s0  }
0x3ee: {  	s0 =	sld [smem:$0x756]  }
0x3ef: {  	v5 =	vsel vm1, s23, v5;
	[smem:$0x796] =	sst s9;
	s23 =	smul.u32 $0x38E38E39, s22  }
0x3f0: {  	s9 =	sld [smem:$0x767]  }
0x3f1: {  	s12 =	smul.u32 $0x38E38E39, s14;
	[smem:$0x797] =	sst s23  }
0x3f2: {  	s14 =	smul.u32 $0x38E38E39, s0;
	s0 =	sadd.s32 s4, s1;
	s4 =	sld [smem:$0x763]  }
0x3f3: {  	s23 =	sld [smem:$0x76E]  }
0x3f4: {  	s31 =	smulhi.u32 $0x38E38E39, s28;
	s1 =	sld [smem:$0x770]  }
0x3f5: {  	[smem:$0x7C5] =	sst s0  }
0x3f6: {  	[smem:$0x798] =	sst s31  }
0x3f7: {  	s0 =	sadd.s32 s17, s13;
	s13 =	sld [smem:$0x768]  }
0x3f8: {  	s17 =	sld [smem:$0x769]  }
0x3f9: {  	s31 =	sld [smem:$0x76F]  }
0x3fa: {  	[smem:$0x7C8] =	sst s0  }
0x3fb: {  	s0 =	sadd.s32 s19, s18;
	s18 =	sld [smem:$0x76A]  }
0x3fc: {  	s19 =	sld [smem:$0x76B]  }
0x3fd: {  	[smem:$0x7CA] =	sst s0  }
0x3fe: {  	v18 =	vsel vm2, s20, v2;
	s0 =	sadd.s32 s25, s24;
	s24 =	sshrl.u32 s20, $0x1F;
	s20 =	sld [smem:$0x777]  }
0x3ff: {  	[smem:$0x7C9] =	sst s0  }
0x400: {  	s0 =	sadd.s32 s5, s4;
	s4 =	sld [smem:$0x771]  }
0x401: {  	s5 =	sadd.s32 s16, s21;
	s16 =	sld [smem:$0x775]  }
0x402: {  	s21 =	sld [smem:$0x778]  }
0x403: {  	s25 =	smul.u32 $0x38E38E39, s31;
	s31 =	sadd.s32 s30, s8;
	s30 =	sld [smem:$0x784]  }
0x404: {  	[smem:$0x7C6] =	sst s0  }
0x405: {  	[smem:$0x7CF] =	sst s5  }
0x406: {  	s0 =	sadd.s32 s7, s6;
	s7 =	sld [smem:$0x772]  }
0x407: {  	s6 =	smul.u32 $0x38E38E39, s9;
	s9 =	sld [smem:$0x773]  }
0x408: {  	[smem:$0x7D1] =	sst s31  }
0x409: {  	[smem:$0x7CB] =	sst s0  }
0x40a: {  	s0 =	sadd.s32 s17, s13;
	s13 =	sld [smem:$0x774]  }
0x40b: {  	v0 =	vcombine.low v8, v0;
	s17 =	sadd.s32 s3, s11;
	s3 =	sld [smem:$0x77C]  }
0x40c: {  	v6 =	vcombine.low v14, v6;
	s11 =	sld [smem:$0x77E]  }
0x40d: {  	v0 =	vperm.xlane v0, v3;
	v8 =	vperm.xlane v56, v4;
	[smem:$0x7CC] =	sst s0  }
0x40e: {  	v6 =	vperm.xlane v6, v3;
	v9 =	vperm.xlane v57, v4;
	s0 =	sadd.s32 s19, s18;
	s19 =	sld [smem:$0x776]  }
0x40f: {  	s18 =	sadd.s32 s15, s2;
	s2 =	sld [smem:$0x77B]  }
0x410: {  	vm3 =	vlt.s32 v1, v24;
	v0 =	vsel vm8, v8, v0;
	v6 =	vsel vm8, v9, v6;
	s15 =	sld [smem:$0x780]  }
0x411: {  	v63 =	vshra.s32 v51, $0x1F;
	v62 =	vsel vm3, $0x1, v1;
	v0 =	vadd.s32 v6, v0;
	[smem:$0x7CD] =	sst s0  }
0x412: {  	v6 =	vnsel vm12, $0x0, v59;
	v61 =	vmul.u32 $0xFFFFFFFD, v0;
	v2 =	vadd.s32 v62, v63;
	[smem:$0x7D2] =	sst s18  }
0x413: {  	v6 =	vsel vm0, s26, v6;
	vm13 =	vne.s32 v2, $0x1;
	s26 =	sshrl.u32 s23, $0x1F;
	v2 =	vsel vm2, s24, v5;
	s0 =	sadd.s32 s4, s1;
	s4 =	sld [smem:$0x77D]  }
0x414: {  	v26 =	vadd.s32 v24, v61;
	[tilespmem:$0x1FF40] =	vst v2;
	v2 =	vsel vm1, s26, v6;
	s26 =	smulhi.u32 $0x38E38E39, s7;
	s7 =	sld [smem:$0x781];
	s1 =	sshrl.u32 s13, $0x1F  }
0x415: {  	vm3 =	vne.s32 v26, $0x0;
	[smem:$0x7CE] =	sst s0;
	v2 =	vsel vm2, s1, v2;
	s1 =	sshrl.u32 s21, $0x1F  }
0x416: {  	vm3 =	vmand vm3, vm13;
	v27 =	vsel vm1, s23, v60;
	v2 =	vsel vm4, s1, v2;
	s1 =	sld [smem:$0x77A]  }
0x417: {  	v29 =	vsel vm3, $0xFFFFFFFF, v1;
	s24 =	smul.u32 $0x38E38E39, s16;
	v5 =	vmov s9;
	s18 =	sadd.s32 s12, s29;
	v6 =	vsel vm2, s13, v27;
	s13 =	sld [smem:$0x77F]  }
0x418: {  	s31 =	sshrl.u32 s30, $0x1F;
	s0 =	sshrl.u32 s9, $0x1F;
	v27 =	vadd.s32 v29, v0;
	v0 =	vsel vm0, s20, v5;
	[smem:$0x7D3] =	sst s18  }
0x419: {  	v30 =	vmov s0;
	s23 =	smulhi.u32 $0x38E38E39, s19;
	v5 =	vsel vm4, s21, v6;
	s0 =	sshrl.u32 s20, $0x1F;
	s20 =	sld [smem:$0x782];
	v0 =	vsel vm1, s1, v0  }
0x41a: {  	v6 =	vsel vm0, s0, v30;
	s9 =	sshrl.u32 s4, $0x1F;
	s0 =	sshrl.u32 s1, $0x1F;
	v15 =	vsel vm2, s3, v0;
	v0 =	vsel vm5, s4, v5;
	s4 =	sld [smem:$0x786]  }
0x41b: {  	s19 =	smul.u32 $0x38E38E39, s11;
	s11 =	sld [smem:$0x788];
	v2 =	vsel vm5, s9, v2;
	v5 =	vsel vm1, s0, v6;
	s0 =	sshrl.u32 s13, $0x1F;
	v0 =	vsel vm6, s13, v0  }
0x41c: {  	s5 =	sshrl.u32 s3, $0x1F;
	s16 =	sshrl.u32 s7, $0x1F;
	s3 =	sld [smem:$0x787];
	v2 =	vsel vm6, s0, v2;
	v0 =	vsel vm7, s30, v0  }
0x41d: {  	s21 =	smulhi.u32 $0x38E38E39, s2;
	v47 =	vsel vm2, s5, v5;
	v5 =	vmov s16;
	s5 =	sld [smem:$0x783];
	[tilespmem:$0x1FF60] =	vst v0;
	s2 =	sshrl.u32 s4, $0x1F;
	v0 =	vsel vm7, s31, v2  }
0x41e: {  	s8 =	sshrl.u32 s11, $0x1F;
	s31 =	sld [smem:$0x78A];
	[tilespmem:$0x1FF70] =	vst v0;
	v0 =	vsel vm0, s2, v5  }
0x41f: {  	v0 =	vsel vm1, s8, v0;
	s8 =	sld [smem:$0x78B]  }
0x420: {  	s16 =	smul.u32 $0x38E38E39, s20;
	s0 =	sld [smem:$0x785]  }
0x421: {  	s30 =	sld [smem:$0x78D];
	s12 =	smul.u32 $0x38E38E39, s3  }
0x422: {  	s3 =	sld [smem:$0x789];
	s18 =	sshrl.u32 s31, $0x1F;
	s20 =	sshrl.u32 s8, $0x1F  }
0x423: {  	v29 =	vsel vm2, s18, v0;
	v0 =	vmov s20;
	s20 =	sld [smem:$0x78E]  }
0x424: {  	s1 =	smulhi.u32 $0x38E38E39, s0;
	s0 =	sld [smem:$0x78C]  }
0x425: {  	s29 =	sshrl.u32 s5, $0x1F;
	s2 =	sld [smem:$0x78F]  }
0x426: {  	v6 =	vmov s29;
	[smem:$0x7B0] =	sst s1;
	s1 =	sshrl.u32 s20, $0x1F  }
0x427: {  	v2 =	vnsel vm12, $0x0, v6;
	s9 =	sshrl.u32 s3, $0x1F;
	v0 =	vsel vm0, s1, v0;
	s1 =	sld [smem:$0x791]  }
0x428: {  	v2 =	vsel vm0, s9, v2;
	s29 =	sshrl.u32 s0, $0x1F  }
0x429: {  	[smem:$0x7D0] =	sst s17;
	s17 =	smulhi.u32 $0x38E38E39, s15;
	s9 =	sshrl.u32 s2, $0x1F;
	v2 =	vsel vm1, s29, v2  }
0x42a: {  	s15 =	smulhi.u32 $0x38E38E39, s30;
	v2 =	vsel vm2, s9, v2;
	s30 =	sshrl.u32 s1, $0x1F  }
0x42b: {  	v2 =	vsel vm4, s30, v2;
	s30 =	sld [smem:$0x792];
	_ =	sdelay $0x1  }
0x42c: {  	s29 =	rddreg [dreg:$0x1f]  }
0x42d: {  	v5 =	vmov s5;
	s9 =	sld [smem:$0x790];
	s5 =	sadd.s32 s14, s30  }
0x42e: {  	[smem:$0x7D4] =	sst s5  }
0x42f: {  	s13 =	smul.u32 $0x38E38E39, s29;
	s5 =	rddreg [dreg:$0x1d]  }
0x430: {  	s29 =	rddreg [dreg:$0x1e];
	s14 =	smulhi.u32 $0x38E38E39, s5  }
0x431: {  	s5 =	sld [smem:$0x793]  }
0x432: {  	[smem:$0x7BE] =	sst s14;
	s14 =	smul.u32 $0x38E38E39, s29  }
0x433: {  	s22 =	sld [smem:$0x76D]  }
0x434: {  	s18 =	sshrl.u32 s9, $0x1F;
	[smem:$0x7BF] =	sst s14  }
0x435: {  	v0 =	vsel vm1, s18, v0;
	s18 =	sshrl.u32 s5, $0x1F;
	s14 =	sld [smem:$0x794]  }
0x436: {  	v2 =	vsel vm5, s18, v2;
	s18 =	sld [smem:$0x795];
	_ =	sdelay $0x1  }
0x437: {  	s28 =	smulhi.u32 $0x38E38E39, s22;
	s22 =	sld [smem:$0x779];
	s13 =	sadd.s32 s13, s15  }
0x438: {  	v5 =	vnsel vm12, $0x0, v5;
	s15 =	sld [smem:$0x7BC];
	s29 =	sshrl.u32 s14, $0x1F;
	s30 =	sshrl.u32 s18, $0x1F  }
0x439: {  	v48 =	vsel vm2, s29, v0;
	v0 =	vsel vm6, s30, v2;
	v2 =	vsel vm0, s3, v5;
	s3 =	sld [smem:$0x796]  }
0x43a: {  	(v2sf) =	vpush v27, $0xD;
	s30 =	sld [smem:$0x797]  }
0x43b: {  	s29 =	sld [smem:$0x799]  }
0x43c: {  	v5 =	vmov s7;
	s7 =	sld [smem:$0x79C]  }
0x43d: {  	(v2sf) =	vpush v27, $0xC;
	v2 =	vsel vm1, s0, v2;
	s0 =	sld [smem:$0x79A]  }
0x43e: {  	v2 =	vsel vm2, s2, v2;
	s3 =	sadd.s32 s30, s3;
	s30 =	sld [smem:$0x798]  }
0x43f: {  	v2 =	vsel vm4, s1, v2;
	[smem:$0x7D6] =	sst s3  }
0x440: {  	s22 =	smul.u32 $0x38E38E39, s22;
	v2 =	vsel vm5, s5, v2;
	s5 =	sld [smem:$0x7A6]  }
0x441: {  	(v2sf) =	vpush v27, $0xE;
	s3 =	sadd.s32 s6, s30;
	s6 =	sld [smem:$0x79B]  }
0x442: {  	s30 =	sadd.s32 s25, s28;
	s28 =	sadd.s32 s22, s23;
	s23 =	sld [smem:$0x79E]  }
0x443: {  	s22 =	smulhi.u32 $0x38E38E39, s7;
	s7 =	sld [smem:$0x7A0]  }
0x444: {  	(v2sf) =	vpush v27, $0xF;
	[smem:$0x7D5] =	sst s3  }
0x445: {  	v2 =	vsel vm6, s18, v2;
	[smem:$0x7D7] =	sst s30  }
0x446: {  	(v2sf) =	vpush v27, $0x9;
	s3 =	sshrl.u32 s6, $0x1F;
	v51 =	vsel vm7, s6, v2;
	s6 =	sld [smem:$0x7A7]  }
0x447: {  	v22 =	vsel vm7, s3, v0;
	v0 =	vsel vm0, s4, v5;
	v5 =	vmov s8;
	s8 =	sld [smem:$0x79D]  }
0x448: {  	s4 =	sadd.s32 s24, s26;
	s24 =	sld [smem:$0x79F]  }
0x449: {  	s26 =	sadd.s32 s19, s21;
	[smem:$0x7D8] =	sst s4;
	v0 =	vsel vm1, s11, v0;
	s11 =	spop (v2sf)  }
0x44a: {  	v53 =	vsel vm2, s31, v0;
	v0 =	vsel vm0, s20, v5;
	s20 =	smulhi.u32 $0x55555556, s11;
	s21 =	sshra.s32 s11, $0x1F;
	s11 =	sld [smem:$0x7A1]  }
0x44b: {  	s25 =	smul.u32 $0x38E38E39, s0;
	s31 =	sadd.s32 s16, s17;
	s16 =	sld [smem:$0x7A3]  }
0x44c: {  	(v2sf) =	vpush v27, $0x8;
	s3 =	sshrl.u32 s23, $0x1F;
	v5 =	vmov s23;
	s4 =	spop (v2sf);
	s23 =	sld [smem:$0x7A5]  }
0x44d: {  	s0 =	smul.u32 $0x55555556, s21;
	s21 =	sld [smem:$0x7A4]  }
0x44e: {  	s19 =	smul.u32 $0x38E38E39, s8;
	v0 =	vsel vm1, s9, v0;
	[smem:$0x7D9] =	sst s20  }
0x44f: {  	s9 =	smulhi.u32 $0x55555556, s4;
	v55 =	vsel vm2, s14, v0;
	s14 =	sld [smem:$0x7A2]  }
0x450: {  	s1 =	sshra.s32 s4, $0x1F;
	s18 =	spop (v2sf);
	[smem:$0x7DA] =	sst s0  }
0x451: {  	s1 =	smul.u32 $0x55555556, s1;
	[smem:$0x7DB] =	sst s9  }
0x452: {  	(v2sf) =	vpush v27, $0xA;
	s30 =	sshrl.u32 s24, $0x1F;
	v0 =	vsel vm0, s24, v5;
	s24 =	smulhi.u32 $0x55555556, s18;
	s9 =	sld [smem:$0x7A8]  }
0x453: {  	s8 =	sshrl.u32 s7, $0x1F;
	s2 =	spop (v2sf);
	[smem:$0x7DC] =	sst s1  }
0x454: {  	v0 =	vsel vm1, s7, v0;
	v2 =	vmov s11;
	s20 =	sshrl.u32 s16, $0x1F;
	[smem:$0x7DD] =	sst s24;
	s1 =	sshra.s32 s18, $0x1F  }
0x455: {  	s0 =	sshrl.u32 s21, $0x1F;
	v49 =	vsel vm2, s14, v0;
	v0 =	vsel vm0, s16, v2;
	s1 =	smul.u32 $0x55555556, s1;
	s16 =	sld [smem:$0x7A9]  }
0x456: {  	s7 =	sshrl.u32 s14, $0x1F;
	v2 =	vmov s3;
	s14 =	spop (v2sf);
	v0 =	vsel vm1, s21, v0;
	s21 =	sld [smem:$0x7AA]  }
0x457: {  	v5 =	vmov s23;
	v2 =	vsel vm0, s30, v2;
	s30 =	sshrl.u32 s23, $0x1F;
	s18 =	smulhi.u32 $0x55555556, s14;
	[smem:$0x7DE] =	sst s1  }
0x458: {  	v5 =	vnsel vm12, $0x0, v5;
	v6 =	vmov s30;
	s30 =	sld [smem:$0x7AB]  }
0x459: {  	s17 =	sshrl.u32 s11, $0x1F;
	v2 =	vsel vm1, s8, v2;
	v50 =	vsel vm2, s5, v0;
	v0 =	vsel vm0, s6, v5;
	[smem:$0x7E1] =	sst s18  }
0x45a: {  	s8 =	smulhi.u32 $0x55555556, s2;
	v0 =	vsel vm1, s9, v0;
	v5 =	vnsel vm12, $0x0, v6;
	v6 =	vmov s17;
	s17 =	sshrl.u32 s9, $0x1F;
	s9 =	sld [smem:$0x7AC]  }
0x45b: {  	s24 =	spop (v2sf);
	s1 =	sshra.s32 s2, $0x1F;
	v56 =	vsel vm2, s7, v2;
	s7 =	sld [smem:$0x7AF]  }
0x45c: {  	s1 =	smul.u32 $0x55555556, s1;
	[smem:$0x7DF] =	sst s8  }
0x45d: {  	s23 =	sshrl.u32 s16, $0x1F;
	v0 =	vsel vm2, s16, v0;
	s8 =	smulhi.u32 $0x55555556, s24;
	s16 =	sld [smem:$0x7AD]  }
0x45e: {  	s11 =	sshrl.u32 s6, $0x1F;
	[smem:$0x7E0] =	sst s1  }
0x45f: {  	(v2sf) =	vpush v27, $0xB;
	v5 =	vsel vm0, s11, v5;
	v0 =	vsel vm4, s21, v0;
	[smem:$0x7E3] =	sst s8  }
0x460: {  	s6 =	sshrl.u32 s21, $0x1F;
	v5 =	vsel vm1, s17, v5;
	s11 =	sshrl.u32 s30, $0x1F;
	v0 =	vsel vm5, s30, v0;
	s30 =	sld [smem:$0x7B0]  }
0x461: {  	s1 =	sshra.s32 s14, $0x1F;
	s14 =	spop (v2sf);
	v5 =	vsel vm2, s23, v5;
	s8 =	sld [smem:$0x7B1]  }
0x462: {  	s1 =	smul.u32 $0x55555556, s1;
	s17 =	sshrl.u32 s9, $0x1F;
	v5 =	vsel vm4, s6, v5;
	s6 =	sld [smem:$0x7AE]  }
0x463: {  	v6 =	vsel vm0, s20, v6;
	s20 =	smulhi.u32 $0x55555556, s14;
	s21 =	sshra.s32 s14, $0x1F;
	v0 =	vsel vm6, s9, v0;
	s9 =	sld [smem:$0x7B3]  }
0x464: {  	v6 =	vsel vm1, s0, v6;
	s0 =	smul.u32 $0x55555556, s21;
	s21 =	sld [smem:$0x7B6]  }
0x465: {  	(v2sf) =	vpush v27, $0x1;
	[smem:$0x7E2] =	sst s1  }
0x466: {  	v5 =	vsel vm5, s11, v5;
	[smem:$0x7E5] =	sst s20  }
0x467: {  	s18 =	sshrl.u32 s16, $0x1F;
	v52 =	vsel vm7, s16, v0;
	s11 =	sld [smem:$0x7B2];
	v0 =	vsel vm6, s17, v5;
	s23 =	sshrl.u32 s6, $0x1F  }
0x468: {  	s14 =	sadd.s32 s12, s30;
	s2 =	sshrl.u32 s8, $0x1F;
	s12 =	sld [smem:$0x7B4];
	v54 =	vsel vm7, s18, v0;
	v0 =	vmov s23  }
0x469: {  	s1 =	sshra.s32 s24, $0x1F;
	s24 =	sshrl.u32 s7, $0x1F;
	v0 =	vsel vm0, s2, v0;
	s2 =	sld [smem:$0x7B7]  }
0x46a: {  	(v2sf) =	vpush v27, $0x0;
	s1 =	smul.u32 $0x55555556, s1;
	v2 =	vmov s24;
	[smem:$0x7E6] =	sst s0  }
0x46b: {  	s4 =	sshrl.u32 s5, $0x1F;
	s30 =	sld [smem:$0x7B5];
	v2 =	vnsel vm12, $0x0, v2;
	s5 =	sshrl.u32 s12, $0x1F  }
0x46c: {  	(v2sf) =	vpush v27, $0x2;
	[smem:$0x7E4] =	sst s1;
	v2 =	vsel vm0, s5, v2;
	s18 =	sshrl.u32 s2, $0x1F  }
0x46d: {  	v2 =	vsel vm1, s18, v2;
	s18 =	sld [smem:$0x7B8]  }
0x46e: {  	v57 =	vsel vm2, s4, v6;
	s24 =	spop (v2sf);
	s4 =	sshrl.u32 s9, $0x1F;
	s1 =	sld [smem:$0x7BD]  }
0x46f: {  	s17 =	sshrl.u32 s21, $0x1F;
	s3 =	sshrl.u32 s11, $0x1F;
	v5 =	vmov s4;
	s5 =	sld [smem:$0x7B9]  }
0x470: {  	s16 =	sshrl.u32 s30, $0x1F;
	v5 =	vsel vm0, s17, v5;
	v0 =	vsel vm1, s3, v0;
	s3 =	sld [smem:$0x7BA];
	s20 =	sshrl.u32 s18, $0x1F  }
0x471: {  	s17 =	smulhi.u32 $0x55555556, s24;
	v58 =	vsel vm2, s16, v0;
	v0 =	vsel vm1, s20, v5;
	v5 =	vmov s7;
	s7 =	sld [smem:$0x7BB]  }
0x472: {  	(v2sf) =	vpush v27, $0x3;
	s4 =	sld [smem:$0x7C1]  }
0x473: {  	[smem:$0x7E7] =	sst s17;
	s23 =	sshrl.u32 s5, $0x1F  }
0x474: {  	s17 =	spop (v2sf);
	s16 =	sshrl.u32 s3, $0x1F;
	v2 =	vsel vm2, s23, v2;
	s23 =	sshrl.u32 s7, $0x1F  }
0x475: {  	(v2sf) =	vpush v27, $0x4;
	v2 =	vsel vm4, s16, v2;
	s20 =	sshra.s32 s24, $0x1F;
	s24 =	sshrl.u32 s15, $0x1F;
	v60 =	vsel vm2, s23, v0;
	s23 =	sld [smem:$0x7BE]  }
0x476: {  	v0 =	vsel vm5, s24, v2;
	v2 =	vnsel vm12, $0x0, v5;
	v5 =	vmov s6;
	s24 =	sld [smem:$0x7BF];
	s6 =	smulhi.u32 $0x55555556, s17  }
0x477: {  	(v2sf) =	vpush v27, $0x5;
	v5 =	vsel vm0, s8, v5;
	s8 =	sadd.s32 s19, s22;
	s22 =	sld [smem:$0x7C5]  }
0x478: {  	s16 =	sshrl.u32 s1, $0x1F;
	v2 =	vsel vm0, s12, v2;
	[smem:$0x7E9] =	sst s6  }
0x479: {  	v0 =	vsel vm6, s16, v0;
	s16 =	sshra.s32 s17, $0x1F;
	s17 =	spop (v2sf);
	v2 =	vsel vm1, s2, v2;
	s6 =	sld [smem:$0x7C2]  }
0x47a: {  	s0 =	smul.u32 $0x55555556, s16;
	s16 =	sld [smem:$0x7CE];
	v2 =	vsel vm2, s5, v2  }
0x47b: {  	s12 =	sadd.s32 s24, s23;
	s23 =	sld [smem:$0x7C0];
	v2 =	vsel vm4, s3, v2;
	s3 =	spop (v2sf)  }
0x47c: {  	[smem:$0x7EA] =	sst s0;
	s5 =	smulhi.u32 $0x55555556, s3  }
0x47d: {  	s29 =	smulhi.u32 $0x38E38E39, s29;
	(v2sf) =	vpush v27, $0x6;
	s2 =	sshra.s32 s17, $0x1F;
	v2 =	vsel vm5, s15, v2;
	s15 =	sld [smem:$0x7C3]  }
0x47e: {  	s19 =	smul.u32 $0x55555556, s2;
	v2 =	vsel vm6, s1, v2;
	[smem:$0x7EB] =	sst s5  }
0x47f: {  	s2 =	sshra.s32 s3, $0x1F;
	s24 =	sshrl.u32 s23, $0x1F;
	v63 =	vsel vm7, s23, v2;
	s23 =	sld [smem:$0x7C6]  }
0x480: {  	v59 =	vsel vm7, s24, v0;
	v0 =	vsel vm1, s11, v5;
	s11 =	sadd.s32 s25, s29;
	s29 =	smulhi.u32 $0x55555556, s17;
	s24 =	sld [smem:$0x7C7]  }
0x481: {  	s3 =	sshrl.u32 s22, $0x1F;
	s17 =	spop (v2sf);
	v62 =	vsel vm2, s30, v0;
	v0 =	vmov s9;
	s30 =	sld [smem:$0x7C8]  }
0x482: {  	s5 =	sshrl.u32 s6, $0x1F;
	s25 =	smulhi.u32 $0x55555556, s17;
	[smem:$0x7E8] =	sst s29;
	v0 =	vsel vm0, s21, v0  }
0x483: {  	v5 =	vmov s4;
	s9 =	sshrl.u32 s4, $0x1F;
	s21 =	smul.u32 $0x55555556, s2;
	v0 =	vsel vm1, s18, v0;
	s18 =	sld [smem:$0x7C4]  }
0x484: {  	(v2sf) =	vpush v27, $0x7;
	v6 =	vsel vm0, s6, v5;
	s2 =	sshrl.u32 s15, $0x1F;
	s29 =	sshra.s32 s17, $0x1F;
	[smem:$0x7EC] =	sst s25  }
0x485: {  	s17 =	spop (v2sf);
	s4 =	sshrl.u32 s24, $0x1F;
	v5 =	vsel vm2, s7, v0;
	v0 =	vsel vm1, s15, v6;
	s15 =	sld [smem:$0x7C9]  }
0x486: {  	v2 =	vmov s23;
	s25 =	spop (v2sf);
	s0 =	sshrl.u32 s18, $0x1F;
	v61 =	vsel vm2, s18, v0;
	s18 =	sld [smem:$0x7CA]  }
0x487: {  	v6 =	vmov s9;
	v2 =	vnsel vm12, $0x0, v2;
	s9 =	sshrl.u32 s30, $0x1F;
	v0 =	vmov s22;
	s22 =	sshrl.u32 s23, $0x1F;
	s23 =	sld [smem:$0x7CB]  }
0x488: {  	v0 =	vsel vm0, s24, v0;
	s1 =	sshrl.u32 s15, $0x1F;
	v2 =	vsel vm0, s15, v2;
	s15 =	smul.u32 $0x55555556, s29;
	s24 =	sld [smem:$0x7CC]  }
0x489: {  	v6 =	vsel vm0, s5, v6;
	s5 =	sshra.s32 s17, $0x1F;
	s29 =	sld [smem:$0x7CD];
	v0 =	vsel vm1, s30, v0;
	s30 =	smulhi.u32 $0x55555556, s25  }
0x48a: {  	v32 =	vmov s3;
	v31 =	vmov s22;
	s22 =	sld [smem:$0x7CF];
	s6 =	sshrl.u32 s18, $0x1F;
	v0 =	vsel vm2, s18, v0;
	s18 =	smulhi.u32 $0x55555556, s17  }
0x48b: {  	v6 =	vsel vm1, s2, v6;
	v8 =	vnsel vm12, $0x0, v31;
	v2 =	vsel vm1, s23, v2;
	s2 =	sshrl.u32 s23, $0x1F;
	s23 =	smul.u32 $0x55555556, s5;
	s5 =	sshra.s32 s25, $0x1F  }
0x48c: {  	v9 =	vsel vm0, s4, v32;
	v6 =	vsel vm2, s0, v6;
	v8 =	vsel vm0, s1, v8;
	s17 =	spop (v2sf);
	s0 =	sshrl.u32 s24, $0x1F;
	[smem:$0x7EE] =	sst s30  }
0x48d: {  	v9 =	vsel vm1, s9, v9;
	v2 =	vsel vm2, s24, v2;
	v8 =	vsel vm1, s2, v8;
	s30 =	smulhi.u32 $0x55555556, s17;
	s25 =	sshra.s32 s17, $0x1F;
	s17 =	sld [smem:$0x7D1]  }
0x48e: {  	v31 =	vmov s28;
	s3 =	sshrl.u32 s29, $0x1F;
	v2 =	vsel vm4, s29, v2;
	s29 =	sshrl.u32 s28, $0x1F;
	v8 =	vsel vm2, s0, v8;
	s0 =	sld [smem:$0x7D0]  }
0x48f: {  	s7 =	sshrl.u32 s26, $0x1F;
	v31 =	vnsel vm12, $0x0, v31;
	s28 =	rddreg [dreg:$0x1c];
	v2 =	vsel vm5, s16, v2;
	v33 =	vmov s29  }
0x490: {  	s1 =	sshrl.u32 s16, $0x1F;
	v14 =	vsel vm2, s6, v9;
	s18 =	sadd.s32 s23, s18;
	s23 =	sld [smem:$0x7ED];
	v2 =	vsel vm6, s22, v2;
	v34 =	vnsel vm12, $0x0, v33  }
0x491: {  	s16 =	smov.u32 s26;
	s6 =	sshrl.u32 s17, $0x1F;
	v12 =	vsel vm7, s0, v2;
	v2 =	vsel vm4, s3, v8;
	v8 =	vsel vm0, s7, v34;
	s7 =	sld [smem:$0x7D2]  }
0x492: {  	s24 =	smul.u32 $0x55555556, s5;
	v31 =	vsel vm0, s16, v31;
	v35 =	vmov s6;
	s6 =	sld [smem:$0x7D4]  }
0x493: {  	s9 =	spop (v2sf);
	s29 =	sshrl.u32 s31, $0x1F;
	v31 =	vsel vm1, s31, v31;
	s31 =	sld [smem:$0x7DA]  }
0x494: {  	s5 =	sshrl.u32 s22, $0x1F;
	s26 =	smulhi.u32 $0x55555556, s9;
	v36 =	vsel vm1, s29, v8;
	s29 =	sld [smem:$0x7D3]  }
0x495: {  	s22 =	smul.u32 $0x55555556, s25;
	s3 =	sshrl.u32 s14, $0x1F;
	v2 =	vsel vm5, s1, v2;
	v31 =	vsel vm2, s14, v31;
	s14 =	sld [smem:$0x7D9]  }
0x496: {  	s4 =	sshrl.u32 s0, $0x1F;
	v2 =	vsel vm6, s5, v2;
	s5 =	sld [smem:$0x7D5];
	s25 =	sshrl.u32 s7, $0x1F  }
0x497: {  	s22 =	sadd.s32 s22, s30;
	s30 =	sld [smem:$0x7F4];
	v9 =	vsel vm0, s25, v35;
	s2 =	sshrl.u32 s29, $0x1F  }
0x498: {  	v31 =	vsel vm4, s13, v31;
	v8 =	vsel vm7, s4, v2;
	s4 =	sshrl.u32 s6, $0x1F;
	s25 =	sshrl.u32 s13, $0x1F;
	s13 =	sld [smem:$0x7DD];
	v2 =	vsel vm1, s2, v9  }
0x499: {  	s0 =	sshra.s32 s9, $0x1F;
	v30 =	vsel vm2, s3, v36;
	s9 =	sshrl.u32 s5, $0x1F;
	v9 =	vsel vm2, s4, v2;
	s4 =	sld [smem:$0x7D6]  }
0x49a: {  	v30 =	vsel vm4, s25, v30;
	v33 =	vmov s5;
	s5 =	rddreg [dreg:$0x19];
	v2 =	vmov s9;
	s9 =	sshrl.u32 s12, $0x1F  }
0x49b: {  	v37 =	vmov s17;
	s2 =	sshrl.u32 s11, $0x1F;
	s17 =	smul.u32 $0x38E38E39, s5;
	s5 =	sld [smem:$0x7DC];
	v30 =	vsel vm5, s9, v30  }
0x49c: {  	v32 =	vsel vm6, s2, v30;
	s2 =	sld [smem:$0x7D8];
	s3 =	sshrl.u32 s4, $0x1F  }
0x49d: {  	v2 =	vsel vm0, s3, v2;
	s3 =	sld [smem:$0x7D7]  }
0x49e: {  	v31 =	vsel vm5, s12, v31;
	v33 =	vsel vm0, s4, v33;
	s4 =	sld [smem:$0x7DB]  }
0x49f: {  	v31 =	vsel vm6, s11, v31;
	s11 =	sld [smem:$0x7E3]  }
0x4a0: {  	s25 =	smul.u32 $0x55555556, s0;
	s9 =	rddreg [dreg:$0x1b];
	s1 =	sshrl.u32 s3, $0x1F  }
0x4a1: {  	s0 =	sshrl.u32 s2, $0x1F;
	s4 =	sadd.s32 s5, s4;
	s5 =	rddreg [dreg:$0x17];
	v2 =	vsel vm1, s1, v2  }
0x4a2: {  	s1 =	sshrl.u32 s8, $0x1F;
	v30 =	vsel vm2, s0, v2;
	s0 =	sadd.s32 s31, s14;
	s14 =	sld [smem:$0x7DE]  }
0x4a3: {  	v2 =	vsel vm7, s1, v32;
	v32 =	vsel vm0, s7, v37;
	s31 =	sld [smem:$0x7E0]  }
0x4a4: {  	v32 =	vsel vm1, s29, v32;
	s29 =	sld [smem:$0x7DF]  }
0x4a5: {  	v33 =	vsel vm1, s3, v33;
	s3 =	smul.u32 $0x38E38E39, s5;
	s5 =	rddreg [dreg:$0x16]  }
0x4a6: {  	s13 =	sadd.s32 s14, s13;
	s14 =	sld [smem:$0x7E1]  }
0x4a7: {  	v40 =	vcombine.low v41, v40;
	v41 =	vcombine.low v45, v42;
	v42 =	vld [tilespmem:$0x1FEF0];
	s29 =	sadd.s32 s31, s29;
	s31 =	sld [smem:$0x7E2]  }
0x4a8: {  	v45 =	vld [tilespmem:$0x1FF00];
	s1 =	rddreg [dreg:$0x1a]  }
0x4a9: {  	s7 =	rddreg [dreg:$0x18]  }
0x4aa: {  	s12 =	sadd.s32 s31, s14;
	s14 =	sld [smem:$0x7E4]  }
0x4ab: {  	v37 =	vsel vm2, s2, v33;
	v33 =	vsel vm7, s8, v31;
	s8 =	sld [smem:$0x7E5];
	s16 =	smulhi.u32 $0x38E38E39, s1  }
0x4ac: {  	s1 =	smulhi.u32 $0x38E38E39, s5;
	s5 =	rddreg [dreg:$0x15]  }
0x4ad: {  	v11 =	vsub.s32 $0x0, v11;
	v17 =	vsub.s32 $0x0, v17;
	v42 =	vcombine.low v45, v42;
	s20 =	smul.u32 $0x55555556, s20;
	s11 =	sadd.s32 s14, s11;
	s14 =	sld [smem:$0x7E6]  }
0x4ae: {  	v41 =	vperm.xlane v41, v3;
	v38 =	vmov s4;
	v36 =	vsel vm2, s6, v32;
	s6 =	sshrl.u32 s4, $0x1F;
	s4 =	smul.u32 $0x38E38E39, s5;
	s5 =	rddreg [dreg:$0x14]  }
0x4af: {  	v42 =	vperm.xlane v42, v3;
	v39 =	vsel vm0, s0, v38;
	v34 =	vmov s6;
	s6 =	sshrl.u32 s0, $0x1F;
	s0 =	smulhi.u32 $0x38E38E39, s5;
	s5 =	rddreg [dreg:$0x13]  }
0x4b0: {  	v0 =	vcombine.low v0, v61;
	v38 =	vsel vm0, s6, v34;
	s6 =	sshrl.u32 s13, $0x1F;
	v31 =	vsel vm1, s13, v39;
	s8 =	sadd.s32 s14, s8;
	s14 =	sld [smem:$0x7E7]  }
0x4b1: {  	v6 =	vcombine.low v14, v6;
	s28 =	smulhi.u32 $0x38E38E39, s28;
	v32 =	vsel vm1, s6, v38;
	v31 =	vsel vm2, s29, v31;
	s29 =	sshrl.u32 s29, $0x1F;
	s6 =	rddreg [dreg:$0x12]  }
0x4b2: {  	v19 =	vcombine.low v19, v28;
	v0 =	vperm.xlane v0, v3;
	s23 =	smulhi.u32 $0x38E38E39, s23;
	v32 =	vsel vm2, s29, v32;
	s29 =	sld [smem:$0x7E9]  }
0x4b3: {  	v6 =	vperm.xlane v6, v3;
	v12 =	vperm.xlane v12, v4;
	v39 =	vmov s11;
	s2 =	sshrl.u32 s11, $0x1F;
	s13 =	sadd.s32 s20, s14;
	s14 =	sld [smem:$0x7E8]  }
0x4b4: {  	v8 =	vperm.xlane v8, v4;
	s7 =	smulhi.u32 $0x38E38E39, s7;
	s31 =	rddreg [dreg:$0x11];
	v35 =	vmov s2;
	v34 =	vsel vm0, s12, v39;
	s12 =	sshrl.u32 s12, $0x1F  }
0x4b5: {  	v19 =	vperm.xlane v19, v3;
	v29 =	vcombine.low v48, v29;
	s25 =	sadd.s32 s25, s26;
	v35 =	vsel vm0, s12, v35;
	s12 =	smul.u32 $0x38E38E39, s31;
	s31 =	sld [smem:$0x7EA]  }
0x4b6: {  	v0 =	vsel vm8, v12, v0;
	v6 =	vsel vm8, v8, v6;
	s11 =	smul.u32 $0x38E38E39, s5;
	v34 =	vsel vm1, s8, v34;
	s8 =	sshrl.u32 s8, $0x1F;
	s19 =	sadd.s32 s19, s14  }
0x4b7: {  	vm3 =	vgt.s32 v46, $0xFFFFFFFF;
	v29 =	vperm.xlane v29, v3;
	v0 =	vadd.s32 v6, v0;
	s20 =	smulhi.u32 $0x38E38E39, s6;
	s6 =	rddreg [dreg:$0x10];
	s5 =	sshrl.u32 s19, $0x1F  }
0x4b8: {  	v9 =	vcombine.low v30, v9;
	s14 =	smulhi.u32 $0x38E38E39, s6;
	s6 =	sadd.s32 s31, s29;
	s29 =	rddreg [dreg:$0xe];
	v38 =	vmov s19;
	v39 =	vmov s5  }
0x4b9: {  	s9 =	smul.u32 $0x38E38E39, s9;
	v35 =	vsel vm1, s8, v35;
	s31 =	sld [smem:$0x7EB];
	s8 =	sshrl.u32 s6, $0x1F;
	v38 =	vnsel vm12, $0x0, v38;
	v45 =	vnsel vm12, $0x0, v39  }
0x4ba: {  	s3 =	sadd.s32 s3, s7;
	s1 =	sadd.s32 s4, s1;
	s19 =	rddreg [dreg:$0xf];
	v28 =	vsel vm0, s6, v38;
	v39 =	vperm.xlane v40, v3;
	v38 =	vsel vm0, s8, v45;
	v45 =	vld [tilespmem:$0x1FF20]  }
0x4bb: {  	v34 =	vsel vm2, s13, v34;
	s2 =	sshrl.u32 s13, $0x1F;
	s13 =	smul.u32 $0x38E38E39, s19;
	s5 =	rddreg [dreg:$0xd];
	v40 =	vperm.xlane v43, v4;
	v43 =	vperm.xlane v44, v4;
	v44 =	vld [tilespmem:$0x1FF10]  }
0x4bc: {  	v22 =	vperm.xlane v22, v4;
	v5 =	vcombine.low v5, v62;
	v0 =	vmul.u32 $0x3, v0;
	s19 =	smulhi.u32 $0x38E38E39, s29;
	s21 =	sadd.s32 s21, s31;
	s6 =	sld [smem:$0x7EC]  }
0x4bd: {  	v2 =	vperm.xlane v2, v4;
	v9 =	vperm.xlane v9, v3;
	v35 =	vsel vm2, s2, v35;
	s29 =	smul.u32 $0x38E38E39, s5;
	s31 =	sld [smem:$0x7EE];
	s2 =	sshrl.u32 s21, $0x1F  }
0x4be: {  	v22 =	vsel vm8, v22, v29;
	v5 =	vperm.xlane v5, v3;
	s5 =	sld [smem:$0x7EF];
	s7 =	sadd.s32 s13, s14;
	v38 =	vsel vm1, s2, v38;
	s2 =	sadd.s32 s9, s28  }
0x4bf: {  	v0 =	vsub.s32 v25, v0;
	v2 =	vsel vm8, v2, v9;
	s28 =	sshrl.u32 s18, $0x1F;
	s15 =	sadd.s32 s15, s6;
	s6 =	sld [smem:$0x7F0];
	v45 =	vperm.xlane v45, v4  }
0x4c0: {  	v28 =	vsel vm1, s21, v28;
	v39 =	vsel vm8, v40, v39;
	s24 =	sadd.s32 s24, s31;
	s31 =	smulhi.u32 $0x38E38E39, s30;
	s30 =	sld [smem:$0x7FA];
	v44 =	vperm.xlane v44, v4  }
0x4c1: {  	v40 =	vsel vm8, v43, v41;
	s4 =	sadd.s32 s29, s19;
	v28 =	vsel vm2, s15, v28;
	s8 =	sshrl.u32 s15, $0x1F;
	s15 =	sld [smem:$0x7F1];
	v19 =	vsel vm8, v45, v19  }
0x4c2: {  	s21 =	smul.u32 $0x38E38E39, s5;
	v38 =	vsel vm2, s8, v38;
	s8 =	sadd.s32 s12, s20;
	s20 =	sld [smem:$0x7F6];
	v44 =	vsel vm8, v44, v42;
	v19 =	vshra.s32 v19, $0x1  }
0x4c3: {  	v39 =	vadd.s32 v40, v39;
	v28 =	vsel vm4, s18, v28;
	s26 =	smulhi.u32 $0x38E38E39, s6;
	s6 =	sadd.s32 s17, s16;
	s16 =	sld [smem:$0x7F2];
	v19 =	vadd.s32 v44, v19  }
0x4c4: {  	s29 =	sshrl.u32 s3, $0x1F;
	v39 =	vmul.u32 $0x3, v39;
	s13 =	sadd.s32 s21, s23;
	s17 =	sld [smem:$0x7F3];
	v28 =	vsel vm5, s24, v28;
	v45 =	vmul.u32 $0xFFFFFFF7, v19  }
0x4c5: {  	v41 =	vmovc v46;
	v46 =	vsub.s32 $0x0, v10;
	s21 =	sshrl.u32 s22, $0x1F;
	s9 =	smul.u32 $0x38E38E39, s15;
	v28 =	vsel vm6, s22, v28;
	s22 =	sld [smem:$0x7F7];
	v42 =	vcombine.low v55, v53  }
0x4c6: {  	s5 =	sadd.s32 s11, s0;
	v38 =	vsel vm4, s28, v38;
	v13 =	vsub.s32 v13, v39;
	s15 =	smulhi.u32 $0x38E38E39, s16;
	s16 =	sld [smem:$0x7F5];
	vm14 =	vne.s32 v45, v46;
	v45 =	vld [tilespmem:$0x1FF30]  }
0x4c7: {  	s18 =	sshrl.u32 s25, $0x1F;
	v10 =	vsel vm7, s25, v28;
	s0 =	smul.u32 $0x38E38E39, s17;
	s17 =	sshrl.u32 s24, $0x1F;
	v42 =	vperm.xlane v42, v3;
	v46 =	vimm.s32 $0x2  }
0x4c8: {  	s25 =	sshrl.u32 s6, $0x1F;
	s6 =	sshra.s32 s6, $0x1;
	s19 =	smul.u32 $0x38E38E39, s22;
	v38 =	vsel vm5, s17, v38;
	v43 =	vsel vm3, $0xFFFFFFFF, v46;
	vm3 =	vgt.s32 v13, $0xFFFFFFFF  }
0x4c9: {  	s23 =	sshrl.u32 s2, $0x1F;
	s24 =	sld [smem:$0x7F8];
	v48 =	vmov s6;
	v28 =	vsel vm6, s21, v38;
	s12 =	smul.u32 $0x38E38E39, s16;
	v44 =	vsel vm3, $0xFFFFFFFF, v46  }
0x4ca: {  	s16 =	smulhi.u32 $0x38E38E39, s20;
	s20 =	sadd.s32 s9, s26;
	s26 =	sld [smem:$0x7F9];
	v39 =	vadd.s32 v41, v43;
	v40 =	vadd.s32 v13, v44;
	v44 =	vmov s25  }
0x4cb: {  	s17 =	sshrl.u32 s13, $0x1F;
	s21 =	sshrl.u32 s8, $0x1F;
	s12 =	sadd.s32 s12, s31;
	v41 =	vcombine.low v15, v18;
	vm3 =	vnez.u8 v45;
	v45 =	vsel vm0, s23, v44;
	v44 =	vld [tilespmem:$0x1FF40]  }
0x4cc: {  	v10 =	vperm.xlane v10, v4;
	v53 =	vmov s21;
	s31 =	smul.u32 $0x38E38E39, s30;
	s9 =	sadd.s32 s19, s16;
	s19 =	sld [smem:$0x7FB];
	vm3 =	vmand vm14, vm3  }
0x4cd: {  	s15 =	sadd.s32 s0, s15;
	s30 =	sld [smem:$0x7FD];
	s28 =	smulhi.u32 $0x38E38E39, s26;
	v13 =	vsel vm7, s18, v28;
	v41 =	vperm.xlane v41, v3;
	v43 =	vsel vm3, $0xFFFFFFFF, v1  }
0x4ce: {  	s22 =	smulhi.u32 $0x38E38E39, s24;
	s24 =	sshrl.u32 s1, $0x1F;
	s26 =	sld [smem:$0x7FC];
	v13 =	vperm.xlane v13, v4;
	v19 =	vadd.s32 v43, v19;
	v43 =	vmov s17  }
0x4cf: {  	s25 =	sshrl.u32 s20, $0x1F;
	s16 =	smul.u32 $0x38E38E39, s19;
	s0 =	sadd.s32 s31, s28;
	v18 =	vsel vm1, s29, v45;
	vm3 =	vcmask $0x704;
	v15 =	vnsel vm12, $0x0, v43  }
0x4d0: {  	s31 =	sshra.s32 s13, $0x1;
	s28 =	sshra.s32 s0, $0x1F;
	s29 =	sshrl.u32 s15, $0x1F;
	v19 =	vadd.s32 $0xFFFFFFFF, v19;
	v38 =	vcombine.low v47, v44;
	v45 =	vsel vm0, s25, v15  }
0x4d1: {  	s11 =	sadd.s32 s16, s22;
	s22 =	sshrl.u32 s12, $0x1F;
	v47 =	vmov s28;
	v15 =	vsel vm2, s24, v18;
	s25 =	sshrl.u32 s5, $0x1F;
	v45 =	vsel vm1, s29, v45  }
0x4d2: {  	s19 =	smul.u32 $0x38E38E39, s30;
	s13 =	sshra.s32 s13, $0x1F;
	v47 =	vsel vm12, s31, v47;
	v43 =	vsel vm0, s25, v53;
	s29 =	sshrl.u32 s7, $0x1F;
	v18 =	vsel vm2, s22, v45  }
0x4d3: {  	s2 =	sshra.s32 s2, $0x1;
	s16 =	smulhi.u32 $0x38E38E39, s26;
	v28 =	vsel vm3, s13, v47;
	vm3 =	vcmask $0xF0C;
	v43 =	vsel vm1, s29, v43  }
0x4d4: {  	s23 =	sshrl.u32 s9, $0x1F;
	s24 =	sshra.s32 s20, $0x1;
	v45 =	vsel vm0, s2, v48;
	s22 =	sshra.s32 s3, $0x1;
	v47 =	vcombine.low v60, v58;
	v38 =	vperm.xlane v38, v3  }
0x4d5: {  	v62 =	vld [tilespmem:$0x1FF70];
	s26 =	sshrl.u32 s11, $0x1F;
	s16 =	sadd.s32 s19, s16;
	s28 =	sshra.s32 s20, $0x1F;
	v18 =	vsel vm4, s23, v18;
	v28 =	vsel vm0, s24, v28;
	v45 =	vsel vm1, s22, v45  }
0x4d6: {  	s1 =	sshra.s32 s1, $0x1;
	s30 =	sshrl.u32 s16, $0x1F;
	s31 =	sshra.s32 s15, $0x1;
	v18 =	vsel vm5, s26, v18;
	v28 =	vsel vm3, s28, v28;
	vm3 =	vcmask $0x1714  }
0x4d7: {  	s14 =	sshrl.u32 s4, $0x1F;
	s17 =	sshrl.u32 s0, $0x1F;
	s15 =	sshra.s32 s15, $0x1F;
	v45 =	vsel vm2, s1, v45;
	v18 =	vsel vm6, s30, v18;
	v55 =	vsel vm1, s31, v28  }
0x4d8: {  	s19 =	sshra.s32 s8, $0x1;
	v58 =	vld [tilespmem:$0x1FF60];
	v28 =	vsel vm2, s14, v43;
	v18 =	vsel vm7, s17, v18;
	v53 =	vsel vm3, s15, v55  }
0x4d9: {  	s18 =	sshra.s32 s12, $0x1;
	s5 =	sshra.s32 s5, $0x1;
	v55 =	vperm.xlane v51, v4;
	vm3 =	vcmask $0x1F1C;
	v51 =	vmov s19  }
0x4da: {  	s12 =	sshra.s32 s12, $0x1F;
	v43 =	vsel vm2, s18, v53;
	v44 =	vsel vm0, s5, v51;
	v51 =	vperm.xlane v62, v4  }
0x4db: {  	v62 =	vperm.xlane v59, v4;
	v18 =	vperm.xlane v18, v4;
	v43 =	vsel vm3, s12, v43  }
0x4dc: {  	s23 =	sshra.s32 s7, $0x1;
	v42 =	vsel vm8, v55, v42;
	vm3 =	vcmask $0x2724;
	v55 =	vcombine.low v50, v49  }
0x4dd: {  	s20 =	sshra.s32 s9, $0x1;
	s26 =	sshra.s32 s4, $0x1;
	v44 =	vsel vm1, s23, v44;
	v49 =	vperm.xlane v58, v4;
	v58 =	vperm.xlane v63, v4  }
0x4de: {  	v43 =	vsel vm4, s20, v43;
	v44 =	vsel vm2, s26, v44;
	v53 =	vshra.s32 v42, $0x1  }
0x4df: {  	s21 =	sshra.s32 s9, $0x1F;
	v42 =	vcombine.low v57, v56;
	v56 =	vperm.xlane v52, v4;
	v38 =	vsel vm8, v51, v38  }
0x4e0: {  	v52 =	vcombine.low v37, v36;
	v37 =	vcombine.low v34, v31;
	v43 =	vsel vm3, s21, v43  }
0x4e1: {  	s24 =	sshra.s32 s11, $0x1;
	v57 =	vld [tilespmem:$0x1FF50];
	vm3 =	vcmask $0x2F2C;
	v22 =	vadd.s32 v22, v53;
	v55 =	vperm.xlane v55, v3  }
0x4e2: {  	v41 =	vsel vm8, v49, v41;
	v5 =	vsel vm8, v58, v5;
	v43 =	vsel vm5, s24, v43  }
0x4e3: {  	s25 =	sshra.s32 s11, $0x1F;
	v60 =	vmul.u32 $0xFFFFFFF7, v22;
	v42 =	vperm.xlane v42, v3;
	v38 =	vadd.s32 v38, v41  }
0x4e4: {  	s28 =	sshra.s32 s16, $0x1;
	v5 =	vshra.s32 v5, $0x1;
	v43 =	vsel vm3, s25, v43;
	vm3 =	vcmask $0x3734  }
0x4e5: {  	s29 =	sshra.s32 s16, $0x1F;
	v63 =	vmul.u32 $0x3, v38;
	v38 =	vperm.xlane v37, v3;
	v43 =	vsel vm6, s28, v43  }
0x4e6: {  	v43 =	vsel vm3, s29, v43;
	vm3 =	vgt.s32 v57, $0x6BFF;
	v48 =	vand.u32 $0x3FF, v57  }
0x4e7: {  	v50 =	vld [tilespmem:$0x1FF80];
	v57 =	vperm.xlane v54, v4;
	v16 =	vsub.s32 v16, v63;
	v10 =	vsel vm8, v10, v38  }
0x4e8: {  	v48 =	vsel vm3, $0xFFFFFFFF, v48;
	v39 =	vsel vm3, $0x1, v39;
	v40 =	vsel vm3, $0x1, v40  }
0x4e9: {  	v58 =	vld [tilespmem:$0x1FF90];
	v19 =	vsel vm3, $0x1, v19;
	vm3 =	vne.s32 v60, v11;
	v60 =	vperm.xlane v47, v3  }
0x4ea: {  	v11 =	vsel vm8, v56, v55;
	v55 =	vperm.xlane v52, v3;
	v56 =	vperm.xlane v33, v4  }
0x4eb: {  	v47 =	vcombine.low v28, v15;
	v49 =	vsel vm8, v57, v42;
	vm3 =	vmand vm3, vm10  }
0x4ec: {  	vm10 =	vgt.s32 v50, $0xFFFFFFFF;
	v41 =	vsel vm8, v62, v60;
	v11 =	vadd.s32 v49, v11  }
0x4ed: {  	v51 =	vsel vm10, $0xFFFFFFFF, v46;
	vm10 =	vgt.s32 v16, $0xFFFFFFFF;
	v57 =	vsel vm3, $0xFFFFFFFF, v1  }
0x4ee: {  	vm3 =	vgt.s32 v58, $0xFFFFFFFF;
	v8 =	vsel vm8, v56, v55;
	v49 =	vcombine.low v44, v45  }
0x4ef: {  	v5 =	vadd.s32 v41, v5;
	v54 =	vsel vm10, $0xFFFFFFFF, v46;
	v11 =	vmul.u32 $0x3, v11  }
0x4f0: {  	v6 =	vsel vm3, $0xFFFFFFFF, v46;
	v8 =	vshra.s32 v8, $0x1;
	v33 =	vadd.s32 v50, v51  }
0x4f1: {  	v62 =	vld [tilespmem:$0x1FFA0];
	v53 =	vmul.u32 $0xFFFFFFF7, v5;
	v2 =	vadd.s32 v2, v8;
	v36 =	vadd.s32 v16, v54  }
0x4f2: {  	v50 =	vld [tilespmem:$0x1FFB0];
	v6 =	vadd.s32 v58, v6;
	v11 =	vsub.s32 v20, v11;
	v61 =	vmul.u32 $0xFFFFFFF7, v2  }
0x4f3: {  	v20 =	vsub.s32 $0x0, v21;
	vm10 =	vne.s32 v53, v17;
	vm3 =	vgt.s32 v11, $0xFFFFFFFF  }
0x4f4: {  	v17 =	vadd.s32 v57, v22;
	v59 =	vsel vm3, $0xFFFFFFFF, v46;
	vm3 =	vmand vm10, vm11  }
0x4f5: {  	vm10 =	vgt.s32 v0, $0xFFFFFFFF;
	v55 =	vadd.s32 $0xFFFFFFFF, v17;
	v60 =	vsel vm3, $0xFFFFFFFF, v1  }
0x4f6: {  	vm3 =	vgt.s32 v62, $0xFFFFFFFF;
	v63 =	vsel vm10, $0xFFFFFFFF, v46;
	v9 =	vadd.s32 v11, v59  }
0x4f7: {  	vm10 =	vgt.s32 v50, $0x6BFF;
	v15 =	vand.u32 $0x3FF, v50;
	v11 =	vperm.xlane v47, v3  }
0x4f8: {  	v57 =	vld [tilespmem:$0x1FFC0];
	v21 =	vsel vm3, $0xFFFFFFFF, v46;
	vm3 =	vne.s32 v61, v20;
	v20 =	vcombine.low v35, v32  }
0x4f9: {  	v5 =	vadd.s32 v60, v5;
	v0 =	vadd.s32 v0, v63;
	v51 =	vsel vm10, $0xFFFFFFFF, v15  }
0x4fa: {  	s30 =	rddreg [dreg:$0xc];
	v12 =	vsel vm10, $0x1, v33;
	v54 =	vsel vm10, $0x1, v36;
	v56 =	vsel vm10, $0x1, v55  }
0x4fb: {  	s0 =	sshra.s32 s0, $0x1;
	s31 =	smul.u32 $0x50, s30;
	v59 =	vld [tilespmem:$0x1FFD0];
	v42 =	vadd.s32 v62, v21;
	vm3 =	vmand vm3, vm9;
	v52 =	vsel vm8, v18, v11  }
0x4fc: {  	v5 =	vadd.s32 $0xFFFFFFFF, v5;
	v41 =	vperm.xlane v20, v3;
	v20 =	vsel vm7, s0, v43  }
0x4fd: {  	[tilespmem:s31+$0x2E90] =	vst v12;
	v21 =	vsel vm3, $0xFFFFFFFF, v1;
	vm3 =	vgt.s32 v57, $0x6BFF;
	v12 =	vand.u32 $0x3FF, v57  }
0x4fe: {  	v20 =	vperm.xlane v20, v4;
	v2 =	vadd.s32 v21, v2;
	v58 =	vsel vm3, $0xFFFFFFFF, v12  }
0x4ff: {  	[tilespmem:s31+$0x2480] =	vst v48;
	v6 =	vsel vm3, $0x1, v6;
	v9 =	vsel vm3, $0x1, v9;
	v5 =	vsel vm3, $0x1, v5  }
0x500: {  	[tilespmem:s31+$0x2E80] =	vst v39;
	v8 =	vsel vm8, v13, v41;
	v13 =	vperm.xlane v49, v3;
	vm10 =	vgt.s32 v59, $0x6BFF  }
0x501: {  	[tilespmem:s31+$0x3880] =	vst v40;
	vm3 =	vgt.s32 v26, $0xFFFFFFFF;
	v8 =	vadd.s32 v8, v10;
	v0 =	vsel vm10, $0x1, v0  }
0x502: {  	v11 =	vand.u32 $0x3FF, v59;
	v53 =	vsel vm8, v20, v13;
	v8 =	vmul.u32 $0x3, v8;
	[tilespmem:s31+$0x38B0] =	vst v0;
	v0 =	vld [tilespmem:$0x1FFE0]  }
0x503: {  	[tilespmem:s31+$0x2EA0] =	vst v6;
	v2 =	vadd.s32 $0xFFFFFFFF, v2;
	v6 =	vsel vm10, $0xFFFFFFFF, v11;
	v10 =	vadd.s32 v52, v53  }
0x504: {  	[tilespmem:s31+$0x42A0] =	vst v5;
	v60 =	vsel vm10, $0x1, v42;
	v5 =	vsub.s32 v27, v8;
	v61 =	vmul.u32 $0xFFFFFFF7, v10  }
0x505: {  	v2 =	vsel vm10, $0x1, v2;
	[tilespmem:s31+$0x24B0] =	vst v6;
	v6 =	vsub.s32 $0x0, v24;
	vm10 =	vgt.s32 v5, $0xFFFFFFFF  }
0x506: {  	[tilespmem:s31+$0x4280] =	vst v19;
	v62 =	vsel vm3, $0xFFFFFFFF, v46;
	v63 =	vsel vm10, $0xFFFFFFFF, v46;
	vm3 =	vne.s32 v61, v6  }
0x507: {  	[tilespmem:s31+$0x2490] =	vst v51;
	vm3 =	vmand vm3, vm13;
	vm10 =	vgt.s32 v0, $0x6BFF;
	v0 =	vand.u32 $0x3FF, v0  }
0x508: {  	[tilespmem:s31+$0x42B0] =	vst v2;
	v2 =	vadd.s32 v26, v62;
	v6 =	vsel vm3, $0xFFFFFFFF, v1;
	v0 =	vsel vm10, $0xFFFFFFFF, v0  }
0x509: {  	[tilespmem:s31+$0x24C0] =	vst v0;
	v0 =	vsel vm10, $0x1, v2;
	v2 =	vadd.s32 v5, v63;
	v5 =	vadd.s32 v6, v10  }
0x50a: {  	[tilespmem:s31+$0x2EC0] =	vst v0;
	v0 =	vsel vm10, $0x1, v2;
	v2 =	vadd.s32 $0xFFFFFFFF, v5  }
0x50b: {  	s1 =	sadd.s32 $0x1, s30;
	[tilespmem:s31+$0x38C0] =	vst v0;
	v0 =	vsel vm10, $0x1, v2;
	v2 =	vld [tilespmem:$0x1FFF0]  }
0x50c: {  	p0 =	sne.s32 s1, $0x20;
	[tilespmem:s31+$0x3890] =	vst v54  }
.Ltmp1:
0x50d: {  	[tilespmem:s31+$0x4290] =	vst v56;
	(pc) =	sbr.rel @p0 .LBB2_2-.Ltmp1, $4  }
0x50e: {  	[tilespmem:s31+$0x24A0] =	vst v58  }
0x50f: {  	[tilespmem:s31+$0x38A0] =	vst v9  }
0x510: {  	[tilespmem:s31+$0x2EB0] =	vst v60;
	vm3 =	vgt.s32 v2, v7  }
0x511: {  	[tilespmem:s31+$0x42C0] =	vst v0;
	v2 =	vsel vm3, v2, v7  }
0x512: {  	s0 =	simm.s32 $0x0  }
0x513: {  	[tilespmem:$0x4C80] =	vst v2;
	s1 =	rddreg [dreg:$0x5];
	s2 =	simm.s32 $0x2480;
	s21 =	simm.s32 $0x1  }
0x514: {  	[hbm4b:s1+s0] =	stream.linear.scatter [tilespmem:s2], [sflag:$0x1], $0xA00, $0x38;
	[tilespmem:$0x4D00] =	vst v63  }
0x515: {  	_ =	swait.ge [sflag:s21], $0xA00  }
0x516: {  	[sflag:s21] =	ssyncset.done $0x0  }
0x517: {  	s3 =	simm.s32 $0x2E80;
	s22 =	rddreg [dreg:$0x6];
	[sflag:s21] =	ssyncadd.s32 $0xFFFFF600  }
0x518: {  	[hbm4b:s22+s0] =	stream.linear.scatter [tilespmem:s3], [sflag:$0x1], $0xA00, $0x38;
	[tilespmem:$0x4D00] =	vst v63  }
0x519: {  	_ =	swait.ge [sflag:s21], $0xA00  }
0x51a: {  	[sflag:s21] =	ssyncset.done $0x0  }
0x51b: {  	s24 =	simm.s32 $0x3880;
	s23 =	rddreg [dreg:$0x7];
	[sflag:s21] =	ssyncadd.s32 $0xFFFFF600  }
0x51c: {  	[hbm4b:s23+s0] =	stream.linear.scatter [tilespmem:s24], [sflag:$0x1], $0xA00, $0x38;
	[tilespmem:$0x4D00] =	vst v63  }
0x51d: {  	_ =	swait.ge [sflag:s21], $0xA00  }
0x51e: {  	[sflag:s21] =	ssyncset.done $0x0  }
0x51f: {  	s26 =	simm.s32 $0x4280;
	s25 =	rddreg [dreg:$0x8];
	[sflag:s21] =	ssyncadd.s32 $0xFFFFF600  }
0x520: {  	[hbm4b:s25+s0] =	stream.linear.scatter [tilespmem:s26], [sflag:$0x1], $0xA00, $0x38;
	[tilespmem:$0x4D00] =	vst v63  }
0x521: {  	_ =	swait.ge [sflag:s21], $0xA00  }
0x522: {  	[sflag:s21] =	ssyncset.done $0x0  }
0x523: {  	s29 =	simm.s32 $0x4C80;
	s28 =	rddreg [dreg:$0x9];
	[sflag:s21] =	ssyncadd.s32 $0xFFFFF600  }
0x524: {  	[hbm4b:s28+s0] =	stream.linear.scatter [tilespmem:s29], [sflag:$0x1], $0x80, $0x38;
	[tilespmem:$0x4D00] =	vst v63  }
0x525: {  	_ =	swait.ge [sflag:s21], $0x80  }
0x526: {  	s30 =	rddreg [dreg:$0xb]  }
0x527: {  	s31 =	rddreg [dreg:$0xa];
	s1 =	sadd.s32 $0x1, s30  }
0x528: {  	p0 =	sne.s32 s1, s31  }
.Ltmp2:
0x529: {  	_ = 	snop;
	(pc) =	sbr.rel @p0 .LBB2_1-.Ltmp2, $3  }
0x52a: {  	_ =	sdelay $0x1  }
0x52b: {  	[sflag:s21] =	ssyncset.done $0x0  }
0x52c: {  	[sflag:s21] =	ssyncadd.s32 $0xFFFFFF80  }
0x52d: {  	_ =	sfence.sel $0x180000  }
0x52e: {  	[bflag:$0x0] =	sbarrier.arrive $0xFFFF  }
0x52f: {  	_ =	strace $0x90000047  }
0x530: {  	s0 =	stileid.u32;
	[bflag:$0x2] =	sbarrier.arrive $0xFFFF  }
0x531: {  	p0 =	sne.s32 s0, $0x0;
	s0 =	rddreg [dreg:$0x3]  }
0x532: {  	s0 =	sadd.s32 @!p0 $0x100000, s0  }
0x533: {  	[sflag:s0] =	ssyncadd.tile.s32 @!p0 $0x1;
	_ =	shalt  }
.Lfunc_end2:
_tile_overlayer_lowered:
.L_overlay_start_2:
0x534: {  	(tag) =	ssettag $0x2  }
0x535: {  	s0 =	rddreg [dreg:$0x0];
	s2 =	stileid.u32  }
0x536: {  	s1 =	rddreg [dreg:$0x1];
	p0 =	sne.s32 s2, $0x0  }
0x537: {  	s3 =	rddreg [dreg:$0x2];
	[bflag:$0x3] =	sbarrier.arrive $0xFFFF;
	s2 =	simm.s32 @!p0 $0x1C01  }
0x538: {  	[timem:s3], [sflag:s2] =	dma.local @!p0 [hbm:s0], s1  }
0x539: {  	s0 =	simm.s32 @!p0 $0x1  }
0x53a: {  	_ =	swait.ge @!p0 [sflag:s0], s1  }
0x53b: {  	s1 =	ssub.s32 @!p0 $0x0, s1;
	[sflag:s0] =	ssyncset.done @!p0 $0x0  }
0x53c: {  	[sflag:s0] =	ssyncadd.s32 @!p0 s1  }
0x53d: {  	[bflag:$0x3] =	sbarrier.arrive $0xFFFF  }
0x53e: {  	_ =	shalt  }

</sc_bundles>
